<compile_context>
chip_gen: v7x
topology: tpu7x:2x2x1
jax: 0.10.2.dev20260603
libtpu: 0.0.44.dev20260713+nightly
codegen_flags: <defaults>
</compile_context>

<pallas_src>
import jax
import jax.numpy as jnp
from jax import lax
from jax.experimental import pallas as pl
from jax.experimental.pallas import tpu as pltpu
from jax.experimental.pallas import tpu_sc as plsc

_NC = 2
_NS = 16
_NW = _NC * _NS
_CHUNK = 16
_NBUF = 7
_LEAD = 5


def _emb_body(idx_hbm, table_hbm, out_hbm, idx_v, *bufs_and_sems):
    rows = bufs_and_sems[:_NBUF]
    gsems = bufs_and_sems[_NBUF:2 * _NBUF]
    wsems = bufs_and_sems[2 * _NBUF:3 * _NBUF]

    wid = lax.axis_index("s") * _NC + lax.axis_index("c")
    n_chunks = idx_hbm.shape[1]
    pltpu.sync_copy(idx_hbm.at[wid], idx_v)
    row_base = wid * n_chunks * _CHUNK

    def gather(i):
        k = i % _NBUF
        pltpu.async_copy(table_hbm.at[idx_v.at[i]], rows[k], gsems[k])

    def wait_gather(i):
        k = i % _NBUF
        pltpu.make_async_copy(table_hbm.at[idx_v.at[i]], rows[k], gsems[k]).wait()

    def write(i):
        k = i % _NBUF
        pltpu.async_copy(
            rows[k], out_hbm.at[pl.ds(row_base + i * _CHUNK, _CHUNK)], wsems[k])

    def wait_write(i):
        k = i % _NBUF
        pltpu.make_async_copy(
            rows[k], out_hbm.at[pl.ds(row_base + i * _CHUNK, _CHUNK)], wsems[k]).wait()

    for c in range(_LEAD):
        gather(c)
    for c in range(n_chunks):
        wait_gather(c)
        write(c)
        j = c + _LEAD
        if j < n_chunks:
            if j >= _NBUF:
                wait_write(j - _NBUF)
            gather(j)
    for c in range(n_chunks - _NBUF, n_chunks):
        wait_write(c)


def kernel(input_ids, embedding_weight):
    b, s = input_ids.shape
    _, d = embedding_weight.shape
    n_tok = b * s
    n_chunks = n_tok // (_NW * _CHUNK)
    idx = input_ids.astype(jnp.int32).reshape(_NW, n_chunks, _CHUNK)

    mesh = plsc.VectorSubcoreMesh(core_axis_name="c", subcore_axis_name="s")
    fn = pl.kernel(
        _emb_body,
        out_type=jax.ShapeDtypeStruct((n_tok, d), jnp.float32),
        mesh=mesh,
        scratch_types=(
            [pltpu.VMEM((n_chunks, _CHUNK), jnp.int32)]
            + [pltpu.VMEM((_CHUNK, d), jnp.float32) for _ in range(_NBUF)]
            + [pltpu.SemaphoreType.DMA for _ in range(2 * _NBUF)]
        ),
    )
    out = fn(idx, embedding_weight)
    return out.reshape(b, s, d)

# --- scband reference (transcript-rebuilt; emitter-appended) ---
"""Pipeline reference for scband-token-embedding-56083682951573 (READ-ONLY COPY).

The authoritative reference and input builder live on the scoring server;
editing this copy changes nothing except your own understanding.
"""

import jax, jax.numpy as jnp
import numpy as np

VOCAB_SIZE = 100000
MODEL_DIM = 1024
BATCH = 4
SEQ_LEN = 4096

def setup_inputs(seed: int = 0) -> dict:
    key = jax.random.key(seed)
    k_idx, k_tab = jax.random.split(key)
    input_ids = jax.random.randint(k_idx, (BATCH, SEQ_LEN), 0, VOCAB_SIZE, dtype=jnp.int64 if jax.config.jax_enable_x64 else jnp.int32)
    embedding_weight = jax.random.normal(k_tab, (VOCAB_SIZE, MODEL_DIM), dtype=jnp.float32) * 0.02
    return {"input_ids": input_ids, "embedding_weight": embedding_weight}

def reference(input_ids, embedding_weight):
    # nn.Embedding forward: row gather from the embedding table
    return jnp.take(embedding_weight, input_ids, axis=0)

if __name__ == "__main__":
    import jax
    _d = setup_inputs()
    print(jax.jit(kernel)(*tuple(_d.values())))

</pallas_src>

<mosaic_0001>
#map = affine_map<(d0, d1) -> (0, 0, 0)>
#map1 = affine_map<(d0, d1) -> (0, 0)>
module attributes {stable_mosaic.version = 14 : i64} {
  func.func @_emb_body(%arg0: i32, %arg1: i32, %arg2: memref<32x32x16xi32, #tpu.memory_space<hbm>>, %arg3: memref<100000x1024xf32, #tpu.memory_space<hbm>>, %arg4: memref<16384x1024xf32, #tpu.memory_space<hbm>>, %arg5: memref<32x16xi32, #tpu.memory_space<vmem>>, %arg6: memref<16x1024xf32, #tpu.memory_space<vmem>>, %arg7: memref<16x1024xf32, #tpu.memory_space<vmem>>, %arg8: memref<16x1024xf32, #tpu.memory_space<vmem>>, %arg9: memref<16x1024xf32, #tpu.memory_space<vmem>>, %arg10: memref<16x1024xf32, #tpu.memory_space<vmem>>, %arg11: memref<16x1024xf32, #tpu.memory_space<vmem>>, %arg12: memref<16x1024xf32, #tpu.memory_space<vmem>>, %arg13: memref<!tpu.dma_semaphore, #tpu.memory_space<semaphore_mem>>, %arg14: memref<!tpu.dma_semaphore, #tpu.memory_space<semaphore_mem>>, %arg15: memref<!tpu.dma_semaphore, #tpu.memory_space<semaphore_mem>>, %arg16: memref<!tpu.dma_semaphore, #tpu.memory_space<semaphore_mem>>, %arg17: memref<!tpu.dma_semaphore, #tpu.memory_space<semaphore_mem>>, %arg18: memref<!tpu.dma_semaphore, #tpu.memory_space<semaphore_mem>>, %arg19: memref<!tpu.dma_semaphore, #tpu.memory_space<semaphore_mem>>, %arg20: memref<!tpu.dma_semaphore, #tpu.memory_space<semaphore_mem>>, %arg21: memref<!tpu.dma_semaphore, #tpu.memory_space<semaphore_mem>>, %arg22: memref<!tpu.dma_semaphore, #tpu.memory_space<semaphore_mem>>, %arg23: memref<!tpu.dma_semaphore, #tpu.memory_space<semaphore_mem>>, %arg24: memref<!tpu.dma_semaphore, #tpu.memory_space<semaphore_mem>>, %arg25: memref<!tpu.dma_semaphore, #tpu.memory_space<semaphore_mem>>, %arg26: memref<!tpu.dma_semaphore, #tpu.memory_space<semaphore_mem>>) attributes {dimension_semantics = [#tpu.dimension_semantics<core_parallel>, #tpu.dimension_semantics<subcore_parallel>], iteration_bounds = array<i64: 2, 16>, scalar_prefetch = 0 : i64, scratch_operands = 22 : i64, tpu.core_type = #tpu.core_type<sc_vector_subcore>, window_params = [{transform_indices = #map}, {transform_indices = #map1}, {transform_indices = #map1}]} {
    %mul3A = arith.constant 2 : i32
    %mul3A_0 = arith.muli %arg1, %mul3A : i32
    %add3A = arith.addi %mul3A_0, %arg0 : i32
    "tpu.region"() ({
      %run_scoped3A = tpu.sem_alloc : memref<!tpu.dma_semaphore, #tpu.memory_space<semaphore_mem>>
      %dma_start3A_835 = arith.constant 0 : i32
      %dma_start3A_836 = arith.constant 0 : i32
      %dma_start3A_837 = tpu.memref_slice %arg2[%add3A, %dma_start3A_835, %dma_start3A_836] : memref<32x32x16xi32, #tpu.memory_space<hbm>> -> memref<1x32x16xi32, #tpu.memory_space<hbm>>
      %dma_start3A_838 = tpu.memref_squeeze %dma_start3A_837 : memref<1x32x16xi32, #tpu.memory_space<hbm>> -> memref<32x16xi32, #tpu.memory_space<hbm>>
      %dma_start3A_839 = arith.constant 0 : i32
      %dma_start3A_840 = arith.constant 0 : i32
      %dma_start3A_841 = tpu.memref_slice %arg2[%add3A, %dma_start3A_839, %dma_start3A_840] : memref<32x32x16xi32, #tpu.memory_space<hbm>> -> memref<1x32x16xi32, #tpu.memory_space<hbm>>
      %dma_start3A_842 = tpu.memref_squeeze %dma_start3A_841 : memref<1x32x16xi32, #tpu.memory_space<hbm>> -> memref<32x16xi32, #tpu.memory_space<hbm>>
      tpu.enqueue_dma source(%dma_start3A_842 : memref<32x16xi32, #tpu.memory_space<hbm>>) target(%arg5 : memref<32x16xi32, #tpu.memory_space<vmem>>) target_semaphore(%run_scoped3A : memref<!tpu.dma_semaphore, #tpu.memory_space<semaphore_mem>>)
      %dma_wait3A_843 = arith.constant 0 : i32
      %dma_wait3A_844 = arith.constant 0 : i32
      %dma_wait3A_845 = tpu.memref_slice %arg2[%add3A, %dma_wait3A_843, %dma_wait3A_844] : memref<32x32x16xi32, #tpu.memory_space<hbm>> -> memref<1x32x16xi32, #tpu.memory_space<hbm>>
      %dma_wait3A_846 = tpu.memref_squeeze %dma_wait3A_845 : memref<1x32x16xi32, #tpu.memory_space<hbm>> -> memref<32x16xi32, #tpu.memory_space<hbm>>
      %dma_wait3A_847 = arith.constant 0 : i32
      %dma_wait3A_848 = arith.constant 0 : i32
      %dma_wait3A_849 = tpu.memref_slice %arg2[%add3A, %dma_wait3A_847, %dma_wait3A_848] : memref<32x32x16xi32, #tpu.memory_space<hbm>> -> memref<1x32x16xi32, #tpu.memory_space<hbm>>
      %dma_wait3A_850 = tpu.memref_squeeze %dma_wait3A_849 : memref<1x32x16xi32, #tpu.memory_space<hbm>> -> memref<32x16xi32, #tpu.memory_space<hbm>>
      tpu.wait_dma2 semaphore(%run_scoped3A : memref<!tpu.dma_semaphore, #tpu.memory_space<semaphore_mem>>) src(%dma_wait3A_850 : memref<32x16xi32, #tpu.memory_space<hbm>>) dst(%arg5 : memref<32x16xi32, #tpu.memory_space<vmem>>)
      tpu.yield
    }) : () -> ()
    %mul3A_1 = arith.constant 32 : i32
    %mul3A_2 = arith.muli %add3A, %mul3A_1 : i32
    %mul3A_3 = arith.constant 16 : i32
    %mul3A_4 = arith.muli %mul3A_2, %mul3A_3 : i32
    %dma_start3A = arith.constant 0 : i32
    %dma_start3A_5 = arith.constant 0 : i32
    %dma_start3A_6 = tpu.memref_slice %arg5[%dma_start3A, %dma_start3A_5] : memref<32x16xi32, #tpu.memory_space<vmem>> -> memref<1x16xi32, #tpu.memory_space<vmem>>
    %dma_start3A_7 = tpu.memref_squeeze %dma_start3A_6 : memref<1x16xi32, #tpu.memory_space<vmem>> -> memref<16xi32, #tpu.memory_space<vmem>>
    %dma_start3A_8 = arith.constant 0 : i32
    %dma_start3A_9 = arith.constant 0 : i32
    %dma_start3A_10 = tpu.memref_slice %arg3[%dma_start3A_8, %dma_start3A_9] : memref<100000x1024xf32, #tpu.memory_space<hbm>> -> memref<100000x1024xf32, #tpu.memory_space<hbm>>
    tpu.enqueue_indirect_dma source(%dma_start3A_10 : memref<100000x1024xf32, #tpu.memory_space<hbm>>) target(%arg6 : memref<16x1024xf32, #tpu.memory_space<vmem>>) offsets(%dma_start3A_7 : memref<16xi32, #tpu.memory_space<vmem>>) semaphore(%arg13 : memref<!tpu.dma_semaphore, #tpu.memory_space<semaphore_mem>>)
    %dma_start3A_11 = arith.constant 1 : i32
    %dma_start3A_12 = arith.constant 0 : i32
    %dma_start3A_13 = tpu.memref_slice %arg5[%dma_start3A_11, %dma_start3A_12] : memref<32x16xi32, #tpu.memory_space<vmem>> -> memref<1x16xi32, #tpu.memory_space<vmem>>
    %dma_start3A_14 = tpu.memref_squeeze %dma_start3A_13 : memref<1x16xi32, #tpu.memory_space<vmem>> -> memref<16xi32, #tpu.memory_space<vmem>>
    %dma_start3A_15 = arith.constant 0 : i32
    %dma_start3A_16 = arith.constant 0 : i32
    %dma_start3A_17 = tpu.memref_slice %arg3[%dma_start3A_15, %dma_start3A_16] : memref<100000x1024xf32, #tpu.memory_space<hbm>> -> memref<100000x1024xf32, #tpu.memory_space<hbm>>
    tpu.enqueue_indirect_dma source(%dma_start3A_17 : memref<100000x1024xf32, #tpu.memory_space<hbm>>) target(%arg7 : memref<16x1024xf32, #tpu.memory_space<vmem>>) offsets(%dma_start3A_14 : memref<16xi32, #tpu.memory_space<vmem>>) semaphore(%arg14 : memref<!tpu.dma_semaphore, #tpu.memory_space<semaphore_mem>>)
    %dma_start3A_18 = arith.constant 2 : i32
    %dma_start3A_19 = arith.constant 0 : i32
    %dma_start3A_20 = tpu.memref_slice %arg5[%dma_start3A_18, %dma_start3A_19] : memref<32x16xi32, #tpu.memory_space<vmem>> -> memref<1x16xi32, #tpu.memory_space<vmem>>
    %dma_start3A_21 = tpu.memref_squeeze %dma_start3A_20 : memref<1x16xi32, #tpu.memory_space<vmem>> -> memref<16xi32, #tpu.memory_space<vmem>>
    %dma_start3A_22 = arith.constant 0 : i32
    %dma_start3A_23 = arith.constant 0 : i32
    %dma_start3A_24 = tpu.memref_slice %arg3[%dma_start3A_22, %dma_start3A_23] : memref<100000x1024xf32, #tpu.memory_space<hbm>> -> memref<100000x1024xf32, #tpu.memory_space<hbm>>
    tpu.enqueue_indirect_dma source(%dma_start3A_24 : memref<100000x1024xf32, #tpu.memory_space<hbm>>) target(%arg8 : memref<16x1024xf32, #tpu.memory_space<vmem>>) offsets(%dma_start3A_21 : memref<16xi32, #tpu.memory_space<vmem>>) semaphore(%arg15 : memref<!tpu.dma_semaphore, #tpu.memory_space<semaphore_mem>>)
    %dma_start3A_25 = arith.constant 3 : i32
    %dma_start3A_26 = arith.constant 0 : i32
    %dma_start3A_27 = tpu.memref_slice %arg5[%dma_start3A_25, %dma_start3A_26] : memref<32x16xi32, #tpu.memory_space<vmem>> -> memref<1x16xi32, #tpu.memory_space<vmem>>
    %dma_start3A_28 = tpu.memref_squeeze %dma_start3A_27 : memref<1x16xi32, #tpu.memory_space<vmem>> -> memref<16xi32, #tpu.memory_space<vmem>>
    %dma_start3A_29 = arith.constant 0 : i32
    %dma_start3A_30 = arith.constant 0 : i32
    %dma_start3A_31 = tpu.memref_slice %arg3[%dma_start3A_29, %dma_start3A_30] : memref<100000x1024xf32, #tpu.memory_space<hbm>> -> memref<100000x1024xf32, #tpu.memory_space<hbm>>
    tpu.enqueue_indirect_dma source(%dma_start3A_31 : memref<100000x1024xf32, #tpu.memory_space<hbm>>) target(%arg9 : memref<16x1024xf32, #tpu.memory_space<vmem>>) offsets(%dma_start3A_28 : memref<16xi32, #tpu.memory_space<vmem>>) semaphore(%arg16 : memref<!tpu.dma_semaphore, #tpu.memory_space<semaphore_mem>>)
    %dma_start3A_32 = arith.constant 4 : i32
    %dma_start3A_33 = arith.constant 0 : i32
    %dma_start3A_34 = tpu.memref_slice %arg5[%dma_start3A_32, %dma_start3A_33] : memref<32x16xi32, #tpu.memory_space<vmem>> -> memref<1x16xi32, #tpu.memory_space<vmem>>
    %dma_start3A_35 = tpu.memref_squeeze %dma_start3A_34 : memref<1x16xi32, #tpu.memory_space<vmem>> -> memref<16xi32, #tpu.memory_space<vmem>>
    %dma_start3A_36 = arith.constant 0 : i32
    %dma_start3A_37 = arith.constant 0 : i32
    %dma_start3A_38 = tpu.memref_slice %arg3[%dma_start3A_36, %dma_start3A_37] : memref<100000x1024xf32, #tpu.memory_space<hbm>> -> memref<100000x1024xf32, #tpu.memory_space<hbm>>
    tpu.enqueue_indirect_dma source(%dma_start3A_38 : memref<100000x1024xf32, #tpu.memory_space<hbm>>) target(%arg10 : memref<16x1024xf32, #tpu.memory_space<vmem>>) offsets(%dma_start3A_35 : memref<16xi32, #tpu.memory_space<vmem>>) semaphore(%arg17 : memref<!tpu.dma_semaphore, #tpu.memory_space<semaphore_mem>>)
    %dma_wait3A = arith.constant 0 : i32
    %dma_wait3A_39 = arith.constant 0 : i32
    %dma_wait3A_40 = tpu.memref_slice %arg5[%dma_wait3A, %dma_wait3A_39] : memref<32x16xi32, #tpu.memory_space<vmem>> -> memref<1x16xi32, #tpu.memory_space<vmem>>
    %dma_wait3A_41 = tpu.memref_squeeze %dma_wait3A_40 : memref<1x16xi32, #tpu.memory_space<vmem>> -> memref<16xi32, #tpu.memory_space<vmem>>
    %dma_wait3A_42 = arith.constant 0 : i32
    %dma_wait3A_43 = arith.constant 0 : i32
    %dma_wait3A_44 = tpu.memref_slice %arg3[%dma_wait3A_42, %dma_wait3A_43] : memref<100000x1024xf32, #tpu.memory_space<hbm>> -> memref<100000x1024xf32, #tpu.memory_space<hbm>>
    tpu.wait_indirect_dma semaphore(%arg13 : memref<!tpu.dma_semaphore, #tpu.memory_space<semaphore_mem>>) src(%dma_wait3A_44 : memref<100000x1024xf32, #tpu.memory_space<hbm>>) dst(%arg6 : memref<16x1024xf32, #tpu.memory_space<vmem>>)
    %add3A_45 = arith.constant 0 : i32
    %add3A_46 = arith.addi %mul3A_4, %add3A_45 : i32
    %dma_start3A_47 = arith.constant 0 : i32
    %dma_start3A_48 = tpu.memref_slice %arg4[%add3A_46, %dma_start3A_47] : memref<16384x1024xf32, #tpu.memory_space<hbm>> -> memref<16x1024xf32, #tpu.memory_space<hbm>>
    %dma_start3A_49 = arith.constant 0 : i32
    %dma_start3A_50 = tpu.memref_slice %arg4[%add3A_46, %dma_start3A_49] : memref<16384x1024xf32, #tpu.memory_space<hbm>> -> memref<16x1024xf32, #tpu.memory_space<hbm>>
    tpu.enqueue_dma source(%arg6 : memref<16x1024xf32, #tpu.memory_space<vmem>>) target(%dma_start3A_50 : memref<16x1024xf32, #tpu.memory_space<hbm>>) target_semaphore(%arg20 : memref<!tpu.dma_semaphore, #tpu.memory_space<semaphore_mem>>)
    %dma_start3A_51 = arith.constant 5 : i32
    %dma_start3A_52 = arith.constant 0 : i32
    %dma_start3A_53 = tpu.memref_slice %arg5[%dma_start3A_51, %dma_start3A_52] : memref<32x16xi32, #tpu.memory_space<vmem>> -> memref<1x16xi32, #tpu.memory_space<vmem>>
    %dma_start3A_54 = tpu.memref_squeeze %dma_start3A_53 : memref<1x16xi32, #tpu.memory_space<vmem>> -> memref<16xi32, #tpu.memory_space<vmem>>
    %dma_start3A_55 = arith.constant 0 : i32
    %dma_start3A_56 = arith.constant 0 : i32
    %dma_start3A_57 = tpu.memref_slice %arg3[%dma_start3A_55, %dma_start3A_56] : memref<100000x1024xf32, #tpu.memory_space<hbm>> -> memref<100000x1024xf32, #tpu.memory_space<hbm>>
    tpu.enqueue_indirect_dma source(%dma_start3A_57 : memref<100000x1024xf32, #tpu.memory_space<hbm>>) target(%arg11 : memref<16x1024xf32, #tpu.memory_space<vmem>>) offsets(%dma_start3A_54 : memref<16xi32, #tpu.memory_space<vmem>>) semaphore(%arg18 : memref<!tpu.dma_semaphore, #tpu.memory_space<semaphore_mem>>)
    %dma_wait3A_58 = arith.constant 1 : i32
    %dma_wait3A_59 = arith.constant 0 : i32
    %dma_wait3A_60 = tpu.memref_slice %arg5[%dma_wait3A_58, %dma_wait3A_59] : memref<32x16xi32, #tpu.memory_space<vmem>> -> memref<1x16xi32, #tpu.memory_space<vmem>>
    %dma_wait3A_61 = tpu.memref_squeeze %dma_wait3A_60 : memref<1x16xi32, #tpu.memory_space<vmem>> -> memref<16xi32, #tpu.memory_space<vmem>>
    %dma_wait3A_62 = arith.constant 0 : i32
    %dma_wait3A_63 = arith.constant 0 : i32
    %dma_wait3A_64 = tpu.memref_slice %arg3[%dma_wait3A_62, %dma_wait3A_63] : memref<100000x1024xf32, #tpu.memory_space<hbm>> -> memref<100000x1024xf32, #tpu.memory_space<hbm>>
    tpu.wait_indirect_dma semaphore(%arg14 : memref<!tpu.dma_semaphore, #tpu.memory_space<semaphore_mem>>) src(%dma_wait3A_64 : memref<100000x1024xf32, #tpu.memory_space<hbm>>) dst(%arg7 : memref<16x1024xf32, #tpu.memory_space<vmem>>)
    %add3A_65 = arith.constant 16 : i32
    %add3A_66 = arith.addi %mul3A_4, %add3A_65 : i32
    %dma_start3A_67 = arith.constant 0 : i32
    %dma_start3A_68 = tpu.memref_slice %arg4[%add3A_66, %dma_start3A_67] : memref<16384x1024xf32, #tpu.memory_space<hbm>> -> memref<16x1024xf32, #tpu.memory_space<hbm>>
    %dma_start3A_69 = arith.constant 0 : i32
    %dma_start3A_70 = tpu.memref_slice %arg4[%add3A_66, %dma_start3A_69] : memref<16384x1024xf32, #tpu.memory_space<hbm>> -> memref<16x1024xf32, #tpu.memory_space<hbm>>
    tpu.enqueue_dma source(%arg7 : memref<16x1024xf32, #tpu.memory_space<vmem>>) target(%dma_start3A_70 : memref<16x1024xf32, #tpu.memory_space<hbm>>) target_semaphore(%arg21 : memref<!tpu.dma_semaphore, #tpu.memory_space<semaphore_mem>>)
    %dma_start3A_71 = arith.constant 6 : i32
    %dma_start3A_72 = arith.constant 0 : i32
    %dma_start3A_73 = tpu.memref_slice %arg5[%dma_start3A_71, %dma_start3A_72] : memref<32x16xi32, #tpu.memory_space<vmem>> -> memref<1x16xi32, #tpu.memory_space<vmem>>
    %dma_start3A_74 = tpu.memref_squeeze %dma_start3A_73 : memref<1x16xi32, #tpu.memory_space<vmem>> -> memref<16xi32, #tpu.memory_space<vmem>>
    %dma_start3A_75 = arith.constant 0 : i32
    %dma_start3A_76 = arith.constant 0 : i32
    %dma_start3A_77 = tpu.memref_slice %arg3[%dma_start3A_75, %dma_start3A_76] : memref<100000x1024xf32, #tpu.memory_space<hbm>> -> memref<100000x1024xf32, #tpu.memory_space<hbm>>
    tpu.enqueue_indirect_dma source(%dma_start3A_77 : memref<100000x1024xf32, #tpu.memory_space<hbm>>) target(%arg12 : memref<16x1024xf32, #tpu.memory_space<vmem>>) offsets(%dma_start3A_74 : memref<16xi32, #tpu.memory_space<vmem>>) semaphore(%arg19 : memref<!tpu.dma_semaphore, #tpu.memory_space<semaphore_mem>>)
    %dma_wait3A_78 = arith.constant 2 : i32
    %dma_wait3A_79 = arith.constant 0 : i32
    %dma_wait3A_80 = tpu.memref_slice %arg5[%dma_wait3A_78, %dma_wait3A_79] : memref<32x16xi32, #tpu.memory_space<vmem>> -> memref<1x16xi32, #tpu.memory_space<vmem>>
    %dma_wait3A_81 = tpu.memref_squeeze %dma_wait3A_80 : memref<1x16xi32, #tpu.memory_space<vmem>> -> memref<16xi32, #tpu.memory_space<vmem>>
    %dma_wait3A_82 = arith.constant 0 : i32
    %dma_wait3A_83 = arith.constant 0 : i32
    %dma_wait3A_84 = tpu.memref_slice %arg3[%dma_wait3A_82, %dma_wait3A_83] : memref<100000x1024xf32, #tpu.memory_space<hbm>> -> memref<100000x1024xf32, #tpu.memory_space<hbm>>
    tpu.wait_indirect_dma semaphore(%arg15 : memref<!tpu.dma_semaphore, #tpu.memory_space<semaphore_mem>>) src(%dma_wait3A_84 : memref<100000x1024xf32, #tpu.memory_space<hbm>>) dst(%arg8 : memref<16x1024xf32, #tpu.memory_space<vmem>>)
    %add3A_85 = arith.constant 32 : i32
    %add3A_86 = arith.addi %mul3A_4, %add3A_85 : i32
    %dma_start3A_87 = arith.constant 0 : i32
    %dma_start3A_88 = tpu.memref_slice %arg4[%add3A_86, %dma_start3A_87] : memref<16384x1024xf32, #tpu.memory_space<hbm>> -> memref<16x1024xf32, #tpu.memory_space<hbm>>
    %dma_start3A_89 = arith.constant 0 : i32
    %dma_start3A_90 = tpu.memref_slice %arg4[%add3A_86, %dma_start3A_89] : memref<16384x1024xf32, #tpu.memory_space<hbm>> -> memref<16x1024xf32, #tpu.memory_space<hbm>>
    tpu.enqueue_dma source(%arg8 : memref<16x1024xf32, #tpu.memory_space<vmem>>) target(%dma_start3A_90 : memref<16x1024xf32, #tpu.memory_space<hbm>>) target_semaphore(%arg22 : memref<!tpu.dma_semaphore, #tpu.memory_space<semaphore_mem>>)
    %add3A_91 = arith.constant 0 : i32
    %add3A_92 = arith.addi %mul3A_4, %add3A_91 : i32
    %dma_wait3A_93 = arith.constant 0 : i32
    %dma_wait3A_94 = tpu.memref_slice %arg4[%add3A_92, %dma_wait3A_93] : memref<16384x1024xf32, #tpu.memory_space<hbm>> -> memref<16x1024xf32, #tpu.memory_space<hbm>>
    %dma_wait3A_95 = arith.constant 0 : i32
    %dma_wait3A_96 = tpu.memref_slice %arg4[%add3A_92, %dma_wait3A_95] : memref<16384x1024xf32, #tpu.memory_space<hbm>> -> memref<16x1024xf32, #tpu.memory_space<hbm>>
    tpu.wait_dma2 semaphore(%arg20 : memref<!tpu.dma_semaphore, #tpu.memory_space<semaphore_mem>>) src(%arg6 : memref<16x1024xf32, #tpu.memory_space<vmem>>) dst(%dma_wait3A_96 : memref<16x1024xf32, #tpu.memory_space<hbm>>)
    %dma_start3A_97 = arith.constant 7 : i32
    %dma_start3A_98 = arith.constant 0 : i32
    %dma_start3A_99 = tpu.memref_slice %arg5[%dma_start3A_97, %dma_start3A_98] : memref<32x16xi32, #tpu.memory_space<vmem>> -> memref<1x16xi32, #tpu.memory_space<vmem>>
    %dma_start3A_100 = tpu.memref_squeeze %dma_start3A_99 : memref<1x16xi32, #tpu.memory_space<vmem>> -> memref<16xi32, #tpu.memory_space<vmem>>
    %dma_start3A_101 = arith.constant 0 : i32
    %dma_start3A_102 = arith.constant 0 : i32
    %dma_start3A_103 = tpu.memref_slice %arg3[%dma_start3A_101, %dma_start3A_102] : memref<100000x1024xf32, #tpu.memory_space<hbm>> -> memref<100000x1024xf32, #tpu.memory_space<hbm>>
    tpu.enqueue_indirect_dma source(%dma_start3A_103 : memref<100000x1024xf32, #tpu.memory_space<hbm>>) target(%arg6 : memref<16x1024xf32, #tpu.memory_space<vmem>>) offsets(%dma_start3A_100 : memref<16xi32, #tpu.memory_space<vmem>>) semaphore(%arg13 : memref<!tpu.dma_semaphore, #tpu.memory_space<semaphore_mem>>)
    %dma_wait3A_104 = arith.constant 3 : i32
    %dma_wait3A_105 = arith.constant 0 : i32
    %dma_wait3A_106 = tpu.memref_slice %arg5[%dma_wait3A_104, %dma_wait3A_105] : memref<32x16xi32, #tpu.memory_space<vmem>> -> memref<1x16xi32, #tpu.memory_space<vmem>>
    %dma_wait3A_107 = tpu.memref_squeeze %dma_wait3A_106 : memref<1x16xi32, #tpu.memory_space<vmem>> -> memref<16xi32, #tpu.memory_space<vmem>>
    %dma_wait3A_108 = arith.constant 0 : i32
    %dma_wait3A_109 = arith.constant 0 : i32
    %dma_wait3A_110 = tpu.memref_slice %arg3[%dma_wait3A_108, %dma_wait3A_109] : memref<100000x1024xf32, #tpu.memory_space<hbm>> -> memref<100000x1024xf32, #tpu.memory_space<hbm>>
    tpu.wait_indirect_dma semaphore(%arg16 : memref<!tpu.dma_semaphore, #tpu.memory_space<semaphore_mem>>) src(%dma_wait3A_110 : memref<100000x1024xf32, #tpu.memory_space<hbm>>) dst(%arg9 : memref<16x1024xf32, #tpu.memory_space<vmem>>)
    %add3A_111 = arith.constant 48 : i32
    %add3A_112 = arith.addi %mul3A_4, %add3A_111 : i32
    %dma_start3A_113 = arith.constant 0 : i32
    %dma_start3A_114 = tpu.memref_slice %arg4[%add3A_112, %dma_start3A_113] : memref<16384x1024xf32, #tpu.memory_space<hbm>> -> memref<16x1024xf32, #tpu.memory_space<hbm>>
    %dma_start3A_115 = arith.constant 0 : i32
    %dma_start3A_116 = tpu.memref_slice %arg4[%add3A_112, %dma_start3A_115] : memref<16384x1024xf32, #tpu.memory_space<hbm>> -> memref<16x1024xf32, #tpu.memory_space<hbm>>
    tpu.enqueue_dma source(%arg9 : memref<16x1024xf32, #tpu.memory_space<vmem>>) target(%dma_start3A_116 : memref<16x1024xf32, #tpu.memory_space<hbm>>) target_semaphore(%arg23 : memref<!tpu.dma_semaphore, #tpu.memory_space<semaphore_mem>>)
    %add3A_117 = arith.constant 16 : i32
    %add3A_118 = arith.addi %mul3A_4, %add3A_117 : i32
    %dma_wait3A_119 = arith.constant 0 : i32
    %dma_wait3A_120 = tpu.memref_slice %arg4[%add3A_118, %dma_wait3A_119] : memref<16384x1024xf32, #tpu.memory_space<hbm>> -> memref<16x1024xf32, #tpu.memory_space<hbm>>
    %dma_wait3A_121 = arith.constant 0 : i32
    %dma_wait3A_122 = tpu.memref_slice %arg4[%add3A_118, %dma_wait3A_121] : memref<16384x1024xf32, #tpu.memory_space<hbm>> -> memref<16x1024xf32, #tpu.memory_space<hbm>>
    tpu.wait_dma2 semaphore(%arg21 : memref<!tpu.dma_semaphore, #tpu.memory_space<semaphore_mem>>) src(%arg7 : memref<16x1024xf32, #tpu.memory_space<vmem>>) dst(%dma_wait3A_122 : memref<16x1024xf32, #tpu.memory_space<hbm>>)
    %dma_start3A_123 = arith.constant 8 : i32
    %dma_start3A_124 = arith.constant 0 : i32
    %dma_start3A_125 = tpu.memref_slice %arg5[%dma_start3A_123, %dma_start3A_124] : memref<32x16xi32, #tpu.memory_space<vmem>> -> memref<1x16xi32, #tpu.memory_space<vmem>>
    %dma_start3A_126 = tpu.memref_squeeze %dma_start3A_125 : memref<1x16xi32, #tpu.memory_space<vmem>> -> memref<16xi32, #tpu.memory_space<vmem>>
    %dma_start3A_127 = arith.constant 0 : i32
    %dma_start3A_128 = arith.constant 0 : i32
    %dma_start3A_129 = tpu.memref_slice %arg3[%dma_start3A_127, %dma_start3A_128] : memref<100000x1024xf32, #tpu.memory_space<hbm>> -> memref<100000x1024xf32, #tpu.memory_space<hbm>>
    tpu.enqueue_indirect_dma source(%dma_start3A_129 : memref<100000x1024xf32, #tpu.memory_space<hbm>>) target(%arg7 : memref<16x1024xf32, #tpu.memory_space<vmem>>) offsets(%dma_start3A_126 : memref<16xi32, #tpu.memory_space<vmem>>) semaphore(%arg14 : memref<!tpu.dma_semaphore, #tpu.memory_space<semaphore_mem>>)
    %dma_wait3A_130 = arith.constant 4 : i32
    %dma_wait3A_131 = arith.constant 0 : i32
    %dma_wait3A_132 = tpu.memref_slice %arg5[%dma_wait3A_130, %dma_wait3A_131] : memref<32x16xi32, #tpu.memory_space<vmem>> -> memref<1x16xi32, #tpu.memory_space<vmem>>
    %dma_wait3A_133 = tpu.memref_squeeze %dma_wait3A_132 : memref<1x16xi32, #tpu.memory_space<vmem>> -> memref<16xi32, #tpu.memory_space<vmem>>
    %dma_wait3A_134 = arith.constant 0 : i32
    %dma_wait3A_135 = arith.constant 0 : i32
    %dma_wait3A_136 = tpu.memref_slice %arg3[%dma_wait3A_134, %dma_wait3A_135] : memref<100000x1024xf32, #tpu.memory_space<hbm>> -> memref<100000x1024xf32, #tpu.memory_space<hbm>>
    tpu.wait_indirect_dma semaphore(%arg17 : memref<!tpu.dma_semaphore, #tpu.memory_space<semaphore_mem>>) src(%dma_wait3A_136 : memref<100000x1024xf32, #tpu.memory_space<hbm>>) dst(%arg10 : memref<16x1024xf32, #tpu.memory_space<vmem>>)
    %add3A_137 = arith.constant 64 : i32
    %add3A_138 = arith.addi %mul3A_4, %add3A_137 : i32
    %dma_start3A_139 = arith.constant 0 : i32
    %dma_start3A_140 = tpu.memref_slice %arg4[%add3A_138, %dma_start3A_139] : memref<16384x1024xf32, #tpu.memory_space<hbm>> -> memref<16x1024xf32, #tpu.memory_space<hbm>>
    %dma_start3A_141 = arith.constant 0 : i32
    %dma_start3A_142 = tpu.memref_slice %arg4[%add3A_138, %dma_start3A_141] : memref<16384x1024xf32, #tpu.memory_space<hbm>> -> memref<16x1024xf32, #tpu.memory_space<hbm>>
    tpu.enqueue_dma source(%arg10 : memref<16x1024xf32, #tpu.memory_space<vmem>>) target(%dma_start3A_142 : memref<16x1024xf32, #tpu.memory_space<hbm>>) target_semaphore(%arg24 : memref<!tpu.dma_semaphore, #tpu.memory_space<semaphore_mem>>)
    %add3A_143 = arith.constant 32 : i32
    %add3A_144 = arith.addi %mul3A_4, %add3A_143 : i32
    %dma_wait3A_145 = arith.constant 0 : i32
    %dma_wait3A_146 = tpu.memref_slice %arg4[%add3A_144, %dma_wait3A_145] : memref<16384x1024xf32, #tpu.memory_space<hbm>> -> memref<16x1024xf32, #tpu.memory_space<hbm>>
    %dma_wait3A_147 = arith.constant 0 : i32
    %dma_wait3A_148 = tpu.memref_slice %arg4[%add3A_144, %dma_wait3A_147] : memref<16384x1024xf32, #tpu.memory_space<hbm>> -> memref<16x1024xf32, #tpu.memory_space<hbm>>
    tpu.wait_dma2 semaphore(%arg22 : memref<!tpu.dma_semaphore, #tpu.memory_space<semaphore_mem>>) src(%arg8 : memref<16x1024xf32, #tpu.memory_space<vmem>>) dst(%dma_wait3A_148 : memref<16x1024xf32, #tpu.memory_space<hbm>>)
    %dma_start3A_149 = arith.constant 9 : i32
    %dma_start3A_150 = arith.constant 0 : i32
    %dma_start3A_151 = tpu.memref_slice %arg5[%dma_start3A_149, %dma_start3A_150] : memref<32x16xi32, #tpu.memory_space<vmem>> -> memref<1x16xi32, #tpu.memory_space<vmem>>
    %dma_start3A_152 = tpu.memref_squeeze %dma_start3A_151 : memref<1x16xi32, #tpu.memory_space<vmem>> -> memref<16xi32, #tpu.memory_space<vmem>>
    %dma_start3A_153 = arith.constant 0 : i32
    %dma_start3A_154 = arith.constant 0 : i32
    %dma_start3A_155 = tpu.memref_slice %arg3[%dma_start3A_153, %dma_start3A_154] : memref<100000x1024xf32, #tpu.memory_space<hbm>> -> memref<100000x1024xf32, #tpu.memory_space<hbm>>
    tpu.enqueue_indirect_dma source(%dma_start3A_155 : memref<100000x1024xf32, #tpu.memory_space<hbm>>) target(%arg8 : memref<16x1024xf32, #tpu.memory_space<vmem>>) offsets(%dma_start3A_152 : memref<16xi32, #tpu.memory_space<vmem>>) semaphore(%arg15 : memref<!tpu.dma_semaphore, #tpu.memory_space<semaphore_mem>>)
    %dma_wait3A_156 = arith.constant 5 : i32
    %dma_wait3A_157 = arith.constant 0 : i32
    %dma_wait3A_158 = tpu.memref_slice %arg5[%dma_wait3A_156, %dma_wait3A_157] : memref<32x16xi32, #tpu.memory_space<vmem>> -> memref<1x16xi32, #tpu.memory_space<vmem>>
    %dma_wait3A_159 = tpu.memref_squeeze %dma_wait3A_158 : memref<1x16xi32, #tpu.memory_space<vmem>> -> memref<16xi32, #tpu.memory_space<vmem>>
    %dma_wait3A_160 = arith.constant 0 : i32
    %dma_wait3A_161 = arith.constant 0 : i32
    %dma_wait3A_162 = tpu.memref_slice %arg3[%dma_wait3A_160, %dma_wait3A_161] : memref<100000x1024xf32, #tpu.memory_space<hbm>> -> memref<100000x1024xf32, #tpu.memory_space<hbm>>
    tpu.wait_indirect_dma semaphore(%arg18 : memref<!tpu.dma_semaphore, #tpu.memory_space<semaphore_mem>>) src(%dma_wait3A_162 : memref<100000x1024xf32, #tpu.memory_space<hbm>>) dst(%arg11 : memref<16x1024xf32, #tpu.memory_space<vmem>>)
    %add3A_163 = arith.constant 80 : i32
    %add3A_164 = arith.addi %mul3A_4, %add3A_163 : i32
    %dma_start3A_165 = arith.constant 0 : i32
    %dma_start3A_166 = tpu.memref_slice %arg4[%add3A_164, %dma_start3A_165] : memref<16384x1024xf32, #tpu.memory_space<hbm>> -> memref<16x1024xf32, #tpu.memory_space<hbm>>
    %dma_start3A_167 = arith.constant 0 : i32
    %dma_start3A_168 = tpu.memref_slice %arg4[%add3A_164, %dma_start3A_167] : memref<16384x1024xf32, #tpu.memory_space<hbm>> -> memref<16x1024xf32, #tpu.memory_space<hbm>>
    tpu.enqueue_dma source(%arg11 : memref<16x1024xf32, #tpu.memory_space<vmem>>) target(%dma_start3A_168 : memref<16x1024xf32, #tpu.memory_space<hbm>>) target_semaphore(%arg25 : memref<!tpu.dma_semaphore, #tpu.memory_space<semaphore_mem>>)
    %add3A_169 = arith.constant 48 : i32
    %add3A_170 = arith.addi %mul3A_4, %add3A_169 : i32
    %dma_wait3A_171 = arith.constant 0 : i32
    %dma_wait3A_172 = tpu.memref_slice %arg4[%add3A_170, %dma_wait3A_171] : memref<16384x1024xf32, #tpu.memory_space<hbm>> -> memref<16x1024xf32, #tpu.memory_space<hbm>>
    %dma_wait3A_173 = arith.constant 0 : i32
    %dma_wait3A_174 = tpu.memref_slice %arg4[%add3A_170, %dma_wait3A_173] : memref<16384x1024xf32, #tpu.memory_space<hbm>> -> memref<16x1024xf32, #tpu.memory_space<hbm>>
    tpu.wait_dma2 semaphore(%arg23 : memref<!tpu.dma_semaphore, #tpu.memory_space<semaphore_mem>>) src(%arg9 : memref<16x1024xf32, #tpu.memory_space<vmem>>) dst(%dma_wait3A_174 : memref<16x1024xf32, #tpu.memory_space<hbm>>)
    %dma_start3A_175 = arith.constant 10 : i32
    %dma_start3A_176 = arith.constant 0 : i32
    %dma_start3A_177 = tpu.memref_slice %arg5[%dma_start3A_175, %dma_start3A_176] : memref<32x16xi32, #tpu.memory_space<vmem>> -> memref<1x16xi32, #tpu.memory_space<vmem>>
    %dma_start3A_178 = tpu.memref_squeeze %dma_start3A_177 : memref<1x16xi32, #tpu.memory_space<vmem>> -> memref<16xi32, #tpu.memory_space<vmem>>
    %dma_start3A_179 = arith.constant 0 : i32
    %dma_start3A_180 = arith.constant 0 : i32
    %dma_start3A_181 = tpu.memref_slice %arg3[%dma_start3A_179, %dma_start3A_180] : memref<100000x1024xf32, #tpu.memory_space<hbm>> -> memref<100000x1024xf32, #tpu.memory_space<hbm>>
    tpu.enqueue_indirect_dma source(%dma_start3A_181 : memref<100000x1024xf32, #tpu.memory_space<hbm>>) target(%arg9 : memref<16x1024xf32, #tpu.memory_space<vmem>>) offsets(%dma_start3A_178 : memref<16xi32, #tpu.memory_space<vmem>>) semaphore(%arg16 : memref<!tpu.dma_semaphore, #tpu.memory_space<semaphore_mem>>)
    %dma_wait3A_182 = arith.constant 6 : i32
    %dma_wait3A_183 = arith.constant 0 : i32
    %dma_wait3A_184 = tpu.memref_slice %arg5[%dma_wait3A_182, %dma_wait3A_183] : memref<32x16xi32, #tpu.memory_space<vmem>> -> memref<1x16xi32, #tpu.memory_space<vmem>>
    %dma_wait3A_185 = tpu.memref_squeeze %dma_wait3A_184 : memref<1x16xi32, #tpu.memory_space<vmem>> -> memref<16xi32, #tpu.memory_space<vmem>>
    %dma_wait3A_186 = arith.constant 0 : i32
    %dma_wait3A_187 = arith.constant 0 : i32
    %dma_wait3A_188 = tpu.memref_slice %arg3[%dma_wait3A_186, %dma_wait3A_187] : memref<100000x1024xf32, #tpu.memory_space<hbm>> -> memref<100000x1024xf32, #tpu.memory_space<hbm>>
    tpu.wait_indirect_dma semaphore(%arg19 : memref<!tpu.dma_semaphore, #tpu.memory_space<semaphore_mem>>) src(%dma_wait3A_188 : memref<100000x1024xf32, #tpu.memory_space<hbm>>) dst(%arg12 : memref<16x1024xf32, #tpu.memory_space<vmem>>)
    %add3A_189 = arith.constant 96 : i32
    %add3A_190 = arith.addi %mul3A_4, %add3A_189 : i32
    %dma_start3A_191 = arith.constant 0 : i32
    %dma_start3A_192 = tpu.memref_slice %arg4[%add3A_190, %dma_start3A_191] : memref<16384x1024xf32, #tpu.memory_space<hbm>> -> memref<16x1024xf32, #tpu.memory_space<hbm>>
    %dma_start3A_193 = arith.constant 0 : i32
    %dma_start3A_194 = tpu.memref_slice %arg4[%add3A_190, %dma_start3A_193] : memref<16384x1024xf32, #tpu.memory_space<hbm>> -> memref<16x1024xf32, #tpu.memory_space<hbm>>
    tpu.enqueue_dma source(%arg12 : memref<16x1024xf32, #tpu.memory_space<vmem>>) target(%dma_start3A_194 : memref<16x1024xf32, #tpu.memory_space<hbm>>) target_semaphore(%arg26 : memref<!tpu.dma_semaphore, #tpu.memory_space<semaphore_mem>>)
    %add3A_195 = arith.constant 64 : i32
    %add3A_196 = arith.addi %mul3A_4, %add3A_195 : i32
    %dma_wait3A_197 = arith.constant 0 : i32
    %dma_wait3A_198 = tpu.memref_slice %arg4[%add3A_196, %dma_wait3A_197] : memref<16384x1024xf32, #tpu.memory_space<hbm>> -> memref<16x1024xf32, #tpu.memory_space<hbm>>
    %dma_wait3A_199 = arith.constant 0 : i32
    %dma_wait3A_200 = tpu.memref_slice %arg4[%add3A_196, %dma_wait3A_199] : memref<16384x1024xf32, #tpu.memory_space<hbm>> -> memref<16x1024xf32, #tpu.memory_space<hbm>>
    tpu.wait_dma2 semaphore(%arg24 : memref<!tpu.dma_semaphore, #tpu.memory_space<semaphore_mem>>) src(%arg10 : memref<16x1024xf32, #tpu.memory_space<vmem>>) dst(%dma_wait3A_200 : memref<16x1024xf32, #tpu.memory_space<hbm>>)
    %dma_start3A_201 = arith.constant 11 : i32
    %dma_start3A_202 = arith.constant 0 : i32
    %dma_start3A_203 = tpu.memref_slice %arg5[%dma_start3A_201, %dma_start3A_202] : memref<32x16xi32, #tpu.memory_space<vmem>> -> memref<1x16xi32, #tpu.memory_space<vmem>>
    %dma_start3A_204 = tpu.memref_squeeze %dma_start3A_203 : memref<1x16xi32, #tpu.memory_space<vmem>> -> memref<16xi32, #tpu.memory_space<vmem>>
    %dma_start3A_205 = arith.constant 0 : i32
    %dma_start3A_206 = arith.constant 0 : i32
    %dma_start3A_207 = tpu.memref_slice %arg3[%dma_start3A_205, %dma_start3A_206] : memref<100000x1024xf32, #tpu.memory_space<hbm>> -> memref<100000x1024xf32, #tpu.memory_space<hbm>>
    tpu.enqueue_indirect_dma source(%dma_start3A_207 : memref<100000x1024xf32, #tpu.memory_space<hbm>>) target(%arg10 : memref<16x1024xf32, #tpu.memory_space<vmem>>) offsets(%dma_start3A_204 : memref<16xi32, #tpu.memory_space<vmem>>) semaphore(%arg17 : memref<!tpu.dma_semaphore, #tpu.memory_space<semaphore_mem>>)
    %dma_wait3A_208 = arith.constant 7 : i32
    %dma_wait3A_209 = arith.constant 0 : i32
    %dma_wait3A_210 = tpu.memref_slice %arg5[%dma_wait3A_208, %dma_wait3A_209] : memref<32x16xi32, #tpu.memory_space<vmem>> -> memref<1x16xi32, #tpu.memory_space<vmem>>
    %dma_wait3A_211 = tpu.memref_squeeze %dma_wait3A_210 : memref<1x16xi32, #tpu.memory_space<vmem>> -> memref<16xi32, #tpu.memory_space<vmem>>
    %dma_wait3A_212 = arith.constant 0 : i32
    %dma_wait3A_213 = arith.constant 0 : i32
    %dma_wait3A_214 = tpu.memref_slice %arg3[%dma_wait3A_212, %dma_wait3A_213] : memref<100000x1024xf32, #tpu.memory_space<hbm>> -> memref<100000x1024xf32, #tpu.memory_space<hbm>>
    tpu.wait_indirect_dma semaphore(%arg13 : memref<!tpu.dma_semaphore, #tpu.memory_space<semaphore_mem>>) src(%dma_wait3A_214 : memref<100000x1024xf32, #tpu.memory_space<hbm>>) dst(%arg6 : memref<16x1024xf32, #tpu.memory_space<vmem>>)
    %add3A_215 = arith.constant 112 : i32
    %add3A_216 = arith.addi %mul3A_4, %add3A_215 : i32
    %dma_start3A_217 = arith.constant 0 : i32
    %dma_start3A_218 = tpu.memref_slice %arg4[%add3A_216, %dma_start3A_217] : memref<16384x1024xf32, #tpu.memory_space<hbm>> -> memref<16x1024xf32, #tpu.memory_space<hbm>>
    %dma_start3A_219 = arith.constant 0 : i32
    %dma_start3A_220 = tpu.memref_slice %arg4[%add3A_216, %dma_start3A_219] : memref<16384x1024xf32, #tpu.memory_space<hbm>> -> memref<16x1024xf32, #tpu.memory_space<hbm>>
    tpu.enqueue_dma source(%arg6 : memref<16x1024xf32, #tpu.memory_space<vmem>>) target(%dma_start3A_220 : memref<16x1024xf32, #tpu.memory_space<hbm>>) target_semaphore(%arg20 : memref<!tpu.dma_semaphore, #tpu.memory_space<semaphore_mem>>)
    %add3A_221 = arith.constant 80 : i32
    %add3A_222 = arith.addi %mul3A_4, %add3A_221 : i32
    %dma_wait3A_223 = arith.constant 0 : i32
    %dma_wait3A_224 = tpu.memref_slice %arg4[%add3A_222, %dma_wait3A_223] : memref<16384x1024xf32, #tpu.memory_space<hbm>> -> memref<16x1024xf32, #tpu.memory_space<hbm>>
    %dma_wait3A_225 = arith.constant 0 : i32
    %dma_wait3A_226 = tpu.memref_slice %arg4[%add3A_222, %dma_wait3A_225] : memref<16384x1024xf32, #tpu.memory_space<hbm>> -> memref<16x1024xf32, #tpu.memory_space<hbm>>
    tpu.wait_dma2 semaphore(%arg25 : memref<!tpu.dma_semaphore, #tpu.memory_space<semaphore_mem>>) src(%arg11 : memref<16x1024xf32, #tpu.memory_space<vmem>>) dst(%dma_wait3A_226 : memref<16x1024xf32, #tpu.memory_space<hbm>>)
    %dma_start3A_227 = arith.constant 12 : i32
    %dma_start3A_228 = arith.constant 0 : i32
    %dma_start3A_229 = tpu.memref_slice %arg5[%dma_start3A_227, %dma_start3A_228] : memref<32x16xi32, #tpu.memory_space<vmem>> -> memref<1x16xi32, #tpu.memory_space<vmem>>
    %dma_start3A_230 = tpu.memref_squeeze %dma_start3A_229 : memref<1x16xi32, #tpu.memory_space<vmem>> -> memref<16xi32, #tpu.memory_space<vmem>>
    %dma_start3A_231 = arith.constant 0 : i32
    %dma_start3A_232 = arith.constant 0 : i32
    %dma_start3A_233 = tpu.memref_slice %arg3[%dma_start3A_231, %dma_start3A_232] : memref<100000x1024xf32, #tpu.memory_space<hbm>> -> memref<100000x1024xf32, #tpu.memory_space<hbm>>
    tpu.enqueue_indirect_dma source(%dma_start3A_233 : memref<100000x1024xf32, #tpu.memory_space<hbm>>) target(%arg11 : memref<16x1024xf32, #tpu.memory_space<vmem>>) offsets(%dma_start3A_230 : memref<16xi32, #tpu.memory_space<vmem>>) semaphore(%arg18 : memref<!tpu.dma_semaphore, #tpu.memory_space<semaphore_mem>>)
    %dma_wait3A_234 = arith.constant 8 : i32
    %dma_wait3A_235 = arith.constant 0 : i32
    %dma_wait3A_236 = tpu.memref_slice %arg5[%dma_wait3A_234, %dma_wait3A_235] : memref<32x16xi32, #tpu.memory_space<vmem>> -> memref<1x16xi32, #tpu.memory_space<vmem>>
    %dma_wait3A_237 = tpu.memref_squeeze %dma_wait3A_236 : memref<1x16xi32, #tpu.memory_space<vmem>> -> memref<16xi32, #tpu.memory_space<vmem>>
    %dma_wait3A_238 = arith.constant 0 : i32
    %dma_wait3A_239 = arith.constant 0 : i32
    %dma_wait3A_240 = tpu.memref_slice %arg3[%dma_wait3A_238, %dma_wait3A_239] : memref<100000x1024xf32, #tpu.memory_space<hbm>> -> memref<100000x1024xf32, #tpu.memory_space<hbm>>
    tpu.wait_indirect_dma semaphore(%arg14 : memref<!tpu.dma_semaphore, #tpu.memory_space<semaphore_mem>>) src(%dma_wait3A_240 : memref<100000x1024xf32, #tpu.memory_space<hbm>>) dst(%arg7 : memref<16x1024xf32, #tpu.memory_space<vmem>>)
    %add3A_241 = arith.constant 128 : i32
    %add3A_242 = arith.addi %mul3A_4, %add3A_241 : i32
    %dma_start3A_243 = arith.constant 0 : i32
    %dma_start3A_244 = tpu.memref_slice %arg4[%add3A_242, %dma_start3A_243] : memref<16384x1024xf32, #tpu.memory_space<hbm>> -> memref<16x1024xf32, #tpu.memory_space<hbm>>
    %dma_start3A_245 = arith.constant 0 : i32
    %dma_start3A_246 = tpu.memref_slice %arg4[%add3A_242, %dma_start3A_245] : memref<16384x1024xf32, #tpu.memory_space<hbm>> -> memref<16x1024xf32, #tpu.memory_space<hbm>>
    tpu.enqueue_dma source(%arg7 : memref<16x1024xf32, #tpu.memory_space<vmem>>) target(%dma_start3A_246 : memref<16x1024xf32, #tpu.memory_space<hbm>>) target_semaphore(%arg21 : memref<!tpu.dma_semaphore, #tpu.memory_space<semaphore_mem>>)
    %add3A_247 = arith.constant 96 : i32
    %add3A_248 = arith.addi %mul3A_4, %add3A_247 : i32
    %dma_wait3A_249 = arith.constant 0 : i32
    %dma_wait3A_250 = tpu.memref_slice %arg4[%add3A_248, %dma_wait3A_249] : memref<16384x1024xf32, #tpu.memory_space<hbm>> -> memref<16x1024xf32, #tpu.memory_space<hbm>>
    %dma_wait3A_251 = arith.constant 0 : i32
    %dma_wait3A_252 = tpu.memref_slice %arg4[%add3A_248, %dma_wait3A_251] : memref<16384x1024xf32, #tpu.memory_space<hbm>> -> memref<16x1024xf32, #tpu.memory_space<hbm>>
    tpu.wait_dma2 semaphore(%arg26 : memref<!tpu.dma_semaphore, #tpu.memory_space<semaphore_mem>>) src(%arg12 : memref<16x1024xf32, #tpu.memory_space<vmem>>) dst(%dma_wait3A_252 : memref<16x1024xf32, #tpu.memory_space<hbm>>)
    %dma_start3A_253 = arith.constant 13 : i32
    %dma_start3A_254 = arith.constant 0 : i32
    %dma_start3A_255 = tpu.memref_slice %arg5[%dma_start3A_253, %dma_start3A_254] : memref<32x16xi32, #tpu.memory_space<vmem>> -> memref<1x16xi32, #tpu.memory_space<vmem>>
    %dma_start3A_256 = tpu.memref_squeeze %dma_start3A_255 : memref<1x16xi32, #tpu.memory_space<vmem>> -> memref<16xi32, #tpu.memory_space<vmem>>
    %dma_start3A_257 = arith.constant 0 : i32
    %dma_start3A_258 = arith.constant 0 : i32
    %dma_start3A_259 = tpu.memref_slice %arg3[%dma_start3A_257, %dma_start3A_258] : memref<100000x1024xf32, #tpu.memory_space<hbm>> -> memref<100000x1024xf32, #tpu.memory_space<hbm>>
    tpu.enqueue_indirect_dma source(%dma_start3A_259 : memref<100000x1024xf32, #tpu.memory_space<hbm>>) target(%arg12 : memref<16x1024xf32, #tpu.memory_space<vmem>>) offsets(%dma_start3A_256 : memref<16xi32, #tpu.memory_space<vmem>>) semaphore(%arg19 : memref<!tpu.dma_semaphore, #tpu.memory_space<semaphore_mem>>)
    %dma_wait3A_260 = arith.constant 9 : i32
    %dma_wait3A_261 = arith.constant 0 : i32
    %dma_wait3A_262 = tpu.memref_slice %arg5[%dma_wait3A_260, %dma_wait3A_261] : memref<32x16xi32, #tpu.memory_space<vmem>> -> memref<1x16xi32, #tpu.memory_space<vmem>>
    %dma_wait3A_263 = tpu.memref_squeeze %dma_wait3A_262 : memref<1x16xi32, #tpu.memory_space<vmem>> -> memref<16xi32, #tpu.memory_space<vmem>>
    %dma_wait3A_264 = arith.constant 0 : i32
    %dma_wait3A_265 = arith.constant 0 : i32
    %dma_wait3A_266 = tpu.memref_slice %arg3[%dma_wait3A_264, %dma_wait3A_265] : memref<100000x1024xf32, #tpu.memory_space<hbm>> -> memref<100000x1024xf32, #tpu.memory_space<hbm>>
    tpu.wait_indirect_dma semaphore(%arg15 : memref<!tpu.dma_semaphore, #tpu.memory_space<semaphore_mem>>) src(%dma_wait3A_266 : memref<100000x1024xf32, #tpu.memory_space<hbm>>) dst(%arg8 : memref<16x1024xf32, #tpu.memory_space<vmem>>)
    %add3A_267 = arith.constant 144 : i32
    %add3A_268 = arith.addi %mul3A_4, %add3A_267 : i32
    %dma_start3A_269 = arith.constant 0 : i32
    %dma_start3A_270 = tpu.memref_slice %arg4[%add3A_268, %dma_start3A_269] : memref<16384x1024xf32, #tpu.memory_space<hbm>> -> memref<16x1024xf32, #tpu.memory_space<hbm>>
    %dma_start3A_271 = arith.constant 0 : i32
    %dma_start3A_272 = tpu.memref_slice %arg4[%add3A_268, %dma_start3A_271] : memref<16384x1024xf32, #tpu.memory_space<hbm>> -> memref<16x1024xf32, #tpu.memory_space<hbm>>
    tpu.enqueue_dma source(%arg8 : memref<16x1024xf32, #tpu.memory_space<vmem>>) target(%dma_start3A_272 : memref<16x1024xf32, #tpu.memory_space<hbm>>) target_semaphore(%arg22 : memref<!tpu.dma_semaphore, #tpu.memory_space<semaphore_mem>>)
    %add3A_273 = arith.constant 112 : i32
    %add3A_274 = arith.addi %mul3A_4, %add3A_273 : i32
    %dma_wait3A_275 = arith.constant 0 : i32
    %dma_wait3A_276 = tpu.memref_slice %arg4[%add3A_274, %dma_wait3A_275] : memref<16384x1024xf32, #tpu.memory_space<hbm>> -> memref<16x1024xf32, #tpu.memory_space<hbm>>
    %dma_wait3A_277 = arith.constant 0 : i32
    %dma_wait3A_278 = tpu.memref_slice %arg4[%add3A_274, %dma_wait3A_277] : memref<16384x1024xf32, #tpu.memory_space<hbm>> -> memref<16x1024xf32, #tpu.memory_space<hbm>>
    tpu.wait_dma2 semaphore(%arg20 : memref<!tpu.dma_semaphore, #tpu.memory_space<semaphore_mem>>) src(%arg6 : memref<16x1024xf32, #tpu.memory_space<vmem>>) dst(%dma_wait3A_278 : memref<16x1024xf32, #tpu.memory_space<hbm>>)
    %dma_start3A_279 = arith.constant 14 : i32
    %dma_start3A_280 = arith.constant 0 : i32
    %dma_start3A_281 = tpu.memref_slice %arg5[%dma_start3A_279, %dma_start3A_280] : memref<32x16xi32, #tpu.memory_space<vmem>> -> memref<1x16xi32, #tpu.memory_space<vmem>>
    %dma_start3A_282 = tpu.memref_squeeze %dma_start3A_281 : memref<1x16xi32, #tpu.memory_space<vmem>> -> memref<16xi32, #tpu.memory_space<vmem>>
    %dma_start3A_283 = arith.constant 0 : i32
    %dma_start3A_284 = arith.constant 0 : i32
    %dma_start3A_285 = tpu.memref_slice %arg3[%dma_start3A_283, %dma_start3A_284] : memref<100000x1024xf32, #tpu.memory_space<hbm>> -> memref<100000x1024xf32, #tpu.memory_space<hbm>>
    tpu.enqueue_indirect_dma source(%dma_start3A_285 : memref<100000x1024xf32, #tpu.memory_space<hbm>>) target(%arg6 : memref<16x1024xf32, #tpu.memory_space<vmem>>) offsets(%dma_start3A_282 : memref<16xi32, #tpu.memory_space<vmem>>) semaphore(%arg13 : memref<!tpu.dma_semaphore, #tpu.memory_space<semaphore_mem>>)
    %dma_wait3A_286 = arith.constant 10 : i32
    %dma_wait3A_287 = arith.constant 0 : i32
    %dma_wait3A_288 = tpu.memref_slice %arg5[%dma_wait3A_286, %dma_wait3A_287] : memref<32x16xi32, #tpu.memory_space<vmem>> -> memref<1x16xi32, #tpu.memory_space<vmem>>
    %dma_wait3A_289 = tpu.memref_squeeze %dma_wait3A_288 : memref<1x16xi32, #tpu.memory_space<vmem>> -> memref<16xi32, #tpu.memory_space<vmem>>
    %dma_wait3A_290 = arith.constant 0 : i32
    %dma_wait3A_291 = arith.constant 0 : i32
    %dma_wait3A_292 = tpu.memref_slice %arg3[%dma_wait3A_290, %dma_wait3A_291] : memref<100000x1024xf32, #tpu.memory_space<hbm>> -> memref<100000x1024xf32, #tpu.memory_space<hbm>>
    tpu.wait_indirect_dma semaphore(%arg16 : memref<!tpu.dma_semaphore, #tpu.memory_space<semaphore_mem>>) src(%dma_wait3A_292 : memref<100000x1024xf32, #tpu.memory_space<hbm>>) dst(%arg9 : memref<16x1024xf32, #tpu.memory_space<vmem>>)
    %add3A_293 = arith.constant 160 : i32
    %add3A_294 = arith.addi %mul3A_4, %add3A_293 : i32
    %dma_start3A_295 = arith.constant 0 : i32
    %dma_start3A_296 = tpu.memref_slice %arg4[%add3A_294, %dma_start3A_295] : memref<16384x1024xf32, #tpu.memory_space<hbm>> -> memref<16x1024xf32, #tpu.memory_space<hbm>>
    %dma_start3A_297 = arith.constant 0 : i32
    %dma_start3A_298 = tpu.memref_slice %arg4[%add3A_294, %dma_start3A_297] : memref<16384x1024xf32, #tpu.memory_space<hbm>> -> memref<16x1024xf32, #tpu.memory_space<hbm>>
    tpu.enqueue_dma source(%arg9 : memref<16x1024xf32, #tpu.memory_space<vmem>>) target(%dma_start3A_298 : memref<16x1024xf32, #tpu.memory_space<hbm>>) target_semaphore(%arg23 : memref<!tpu.dma_semaphore, #tpu.memory_space<semaphore_mem>>)
    %add3A_299 = arith.constant 128 : i32
    %add3A_300 = arith.addi %mul3A_4, %add3A_299 : i32
    %dma_wait3A_301 = arith.constant 0 : i32
    %dma_wait3A_302 = tpu.memref_slice %arg4[%add3A_300, %dma_wait3A_301] : memref<16384x1024xf32, #tpu.memory_space<hbm>> -> memref<16x1024xf32, #tpu.memory_space<hbm>>
    %dma_wait3A_303 = arith.constant 0 : i32
    %dma_wait3A_304 = tpu.memref_slice %arg4[%add3A_300, %dma_wait3A_303] : memref<16384x1024xf32, #tpu.memory_space<hbm>> -> memref<16x1024xf32, #tpu.memory_space<hbm>>
    tpu.wait_dma2 semaphore(%arg21 : memref<!tpu.dma_semaphore, #tpu.memory_space<semaphore_mem>>) src(%arg7 : memref<16x1024xf32, #tpu.memory_space<vmem>>) dst(%dma_wait3A_304 : memref<16x1024xf32, #tpu.memory_space<hbm>>)
    %dma_start3A_305 = arith.constant 15 : i32
    %dma_start3A_306 = arith.constant 0 : i32
    %dma_start3A_307 = tpu.memref_slice %arg5[%dma_start3A_305, %dma_start3A_306] : memref<32x16xi32, #tpu.memory_space<vmem>> -> memref<1x16xi32, #tpu.memory_space<vmem>>
    %dma_start3A_308 = tpu.memref_squeeze %dma_start3A_307 : memref<1x16xi32, #tpu.memory_space<vmem>> -> memref<16xi32, #tpu.memory_space<vmem>>
    %dma_start3A_309 = arith.constant 0 : i32
    %dma_start3A_310 = arith.constant 0 : i32
    %dma_start3A_311 = tpu.memref_slice %arg3[%dma_start3A_309, %dma_start3A_310] : memref<100000x1024xf32, #tpu.memory_space<hbm>> -> memref<100000x1024xf32, #tpu.memory_space<hbm>>
    tpu.enqueue_indirect_dma source(%dma_start3A_311 : memref<100000x1024xf32, #tpu.memory_space<hbm>>) target(%arg7 : memref<16x1024xf32, #tpu.memory_space<vmem>>) offsets(%dma_start3A_308 : memref<16xi32, #tpu.memory_space<vmem>>) semaphore(%arg14 : memref<!tpu.dma_semaphore, #tpu.memory_space<semaphore_mem>>)
    %dma_wait3A_312 = arith.constant 11 : i32
    %dma_wait3A_313 = arith.constant 0 : i32
    %dma_wait3A_314 = tpu.memref_slice %arg5[%dma_wait3A_312, %dma_wait3A_313] : memref<32x16xi32, #tpu.memory_space<vmem>> -> memref<1x16xi32, #tpu.memory_space<vmem>>
    %dma_wait3A_315 = tpu.memref_squeeze %dma_wait3A_314 : memref<1x16xi32, #tpu.memory_space<vmem>> -> memref<16xi32, #tpu.memory_space<vmem>>
    %dma_wait3A_316 = arith.constant 0 : i32
    %dma_wait3A_317 = arith.constant 0 : i32
    %dma_wait3A_318 = tpu.memref_slice %arg3[%dma_wait3A_316, %dma_wait3A_317] : memref<100000x1024xf32, #tpu.memory_space<hbm>> -> memref<100000x1024xf32, #tpu.memory_space<hbm>>
    tpu.wait_indirect_dma semaphore(%arg17 : memref<!tpu.dma_semaphore, #tpu.memory_space<semaphore_mem>>) src(%dma_wait3A_318 : memref<100000x1024xf32, #tpu.memory_space<hbm>>) dst(%arg10 : memref<16x1024xf32, #tpu.memory_space<vmem>>)
    %add3A_319 = arith.constant 176 : i32
    %add3A_320 = arith.addi %mul3A_4, %add3A_319 : i32
    %dma_start3A_321 = arith.constant 0 : i32
    %dma_start3A_322 = tpu.memref_slice %arg4[%add3A_320, %dma_start3A_321] : memref<16384x1024xf32, #tpu.memory_space<hbm>> -> memref<16x1024xf32, #tpu.memory_space<hbm>>
    %dma_start3A_323 = arith.constant 0 : i32
    %dma_start3A_324 = tpu.memref_slice %arg4[%add3A_320, %dma_start3A_323] : memref<16384x1024xf32, #tpu.memory_space<hbm>> -> memref<16x1024xf32, #tpu.memory_space<hbm>>
    tpu.enqueue_dma source(%arg10 : memref<16x1024xf32, #tpu.memory_space<vmem>>) target(%dma_start3A_324 : memref<16x1024xf32, #tpu.memory_space<hbm>>) target_semaphore(%arg24 : memref<!tpu.dma_semaphore, #tpu.memory_space<semaphore_mem>>)
    %add3A_325 = arith.constant 144 : i32
    %add3A_326 = arith.addi %mul3A_4, %add3A_325 : i32
    %dma_wait3A_327 = arith.constant 0 : i32
    %dma_wait3A_328 = tpu.memref_slice %arg4[%add3A_326, %dma_wait3A_327] : memref<16384x1024xf32, #tpu.memory_space<hbm>> -> memref<16x1024xf32, #tpu.memory_space<hbm>>
    %dma_wait3A_329 = arith.constant 0 : i32
    %dma_wait3A_330 = tpu.memref_slice %arg4[%add3A_326, %dma_wait3A_329] : memref<16384x1024xf32, #tpu.memory_space<hbm>> -> memref<16x1024xf32, #tpu.memory_space<hbm>>
    tpu.wait_dma2 semaphore(%arg22 : memref<!tpu.dma_semaphore, #tpu.memory_space<semaphore_mem>>) src(%arg8 : memref<16x1024xf32, #tpu.memory_space<vmem>>) dst(%dma_wait3A_330 : memref<16x1024xf32, #tpu.memory_space<hbm>>)
    %dma_start3A_331 = arith.constant 16 : i32
    %dma_start3A_332 = arith.constant 0 : i32
    %dma_start3A_333 = tpu.memref_slice %arg5[%dma_start3A_331, %dma_start3A_332] : memref<32x16xi32, #tpu.memory_space<vmem>> -> memref<1x16xi32, #tpu.memory_space<vmem>>
    %dma_start3A_334 = tpu.memref_squeeze %dma_start3A_333 : memref<1x16xi32, #tpu.memory_space<vmem>> -> memref<16xi32, #tpu.memory_space<vmem>>
    %dma_start3A_335 = arith.constant 0 : i32
    %dma_start3A_336 = arith.constant 0 : i32
    %dma_start3A_337 = tpu.memref_slice %arg3[%dma_start3A_335, %dma_start3A_336] : memref<100000x1024xf32, #tpu.memory_space<hbm>> -> memref<100000x1024xf32, #tpu.memory_space<hbm>>
    tpu.enqueue_indirect_dma source(%dma_start3A_337 : memref<100000x1024xf32, #tpu.memory_space<hbm>>) target(%arg8 : memref<16x1024xf32, #tpu.memory_space<vmem>>) offsets(%dma_start3A_334 : memref<16xi32, #tpu.memory_space<vmem>>) semaphore(%arg15 : memref<!tpu.dma_semaphore, #tpu.memory_space<semaphore_mem>>)
    %dma_wait3A_338 = arith.constant 12 : i32
    %dma_wait3A_339 = arith.constant 0 : i32
    %dma_wait3A_340 = tpu.memref_slice %arg5[%dma_wait3A_338, %dma_wait3A_339] : memref<32x16xi32, #tpu.memory_space<vmem>> -> memref<1x16xi32, #tpu.memory_space<vmem>>
    %dma_wait3A_341 = tpu.memref_squeeze %dma_wait3A_340 : memref<1x16xi32, #tpu.memory_space<vmem>> -> memref<16xi32, #tpu.memory_space<vmem>>
    %dma_wait3A_342 = arith.constant 0 : i32
    %dma_wait3A_343 = arith.constant 0 : i32
    %dma_wait3A_344 = tpu.memref_slice %arg3[%dma_wait3A_342, %dma_wait3A_343] : memref<100000x1024xf32, #tpu.memory_space<hbm>> -> memref<100000x1024xf32, #tpu.memory_space<hbm>>
    tpu.wait_indirect_dma semaphore(%arg18 : memref<!tpu.dma_semaphore, #tpu.memory_space<semaphore_mem>>) src(%dma_wait3A_344 : memref<100000x1024xf32, #tpu.memory_space<hbm>>) dst(%arg11 : memref<16x1024xf32, #tpu.memory_space<vmem>>)
    %add3A_345 = arith.constant 192 : i32
    %add3A_346 = arith.addi %mul3A_4, %add3A_345 : i32
    %dma_start3A_347 = arith.constant 0 : i32
    %dma_start3A_348 = tpu.memref_slice %arg4[%add3A_346, %dma_start3A_347] : memref<16384x1024xf32, #tpu.memory_space<hbm>> -> memref<16x1024xf32, #tpu.memory_space<hbm>>
    %dma_start3A_349 = arith.constant 0 : i32
    %dma_start3A_350 = tpu.memref_slice %arg4[%add3A_346, %dma_start3A_349] : memref<16384x1024xf32, #tpu.memory_space<hbm>> -> memref<16x1024xf32, #tpu.memory_space<hbm>>
    tpu.enqueue_dma source(%arg11 : memref<16x1024xf32, #tpu.memory_space<vmem>>) target(%dma_start3A_350 : memref<16x1024xf32, #tpu.memory_space<hbm>>) target_semaphore(%arg25 : memref<!tpu.dma_semaphore, #tpu.memory_space<semaphore_mem>>)
    %add3A_351 = arith.constant 160 : i32
    %add3A_352 = arith.addi %mul3A_4, %add3A_351 : i32
    %dma_wait3A_353 = arith.constant 0 : i32
    %dma_wait3A_354 = tpu.memref_slice %arg4[%add3A_352, %dma_wait3A_353] : memref<16384x1024xf32, #tpu.memory_space<hbm>> -> memref<16x1024xf32, #tpu.memory_space<hbm>>
    %dma_wait3A_355 = arith.constant 0 : i32
    %dma_wait3A_356 = tpu.memref_slice %arg4[%add3A_352, %dma_wait3A_355] : memref<16384x1024xf32, #tpu.memory_space<hbm>> -> memref<16x1024xf32, #tpu.memory_space<hbm>>
    tpu.wait_dma2 semaphore(%arg23 : memref<!tpu.dma_semaphore, #tpu.memory_space<semaphore_mem>>) src(%arg9 : memref<16x1024xf32, #tpu.memory_space<vmem>>) dst(%dma_wait3A_356 : memref<16x1024xf32, #tpu.memory_space<hbm>>)
    %dma_start3A_357 = arith.constant 17 : i32
    %dma_start3A_358 = arith.constant 0 : i32
    %dma_start3A_359 = tpu.memref_slice %arg5[%dma_start3A_357, %dma_start3A_358] : memref<32x16xi32, #tpu.memory_space<vmem>> -> memref<1x16xi32, #tpu.memory_space<vmem>>
    %dma_start3A_360 = tpu.memref_squeeze %dma_start3A_359 : memref<1x16xi32, #tpu.memory_space<vmem>> -> memref<16xi32, #tpu.memory_space<vmem>>
    %dma_start3A_361 = arith.constant 0 : i32
    %dma_start3A_362 = arith.constant 0 : i32
    %dma_start3A_363 = tpu.memref_slice %arg3[%dma_start3A_361, %dma_start3A_362] : memref<100000x1024xf32, #tpu.memory_space<hbm>> -> memref<100000x1024xf32, #tpu.memory_space<hbm>>
    tpu.enqueue_indirect_dma source(%dma_start3A_363 : memref<100000x1024xf32, #tpu.memory_space<hbm>>) target(%arg9 : memref<16x1024xf32, #tpu.memory_space<vmem>>) offsets(%dma_start3A_360 : memref<16xi32, #tpu.memory_space<vmem>>) semaphore(%arg16 : memref<!tpu.dma_semaphore, #tpu.memory_space<semaphore_mem>>)
    %dma_wait3A_364 = arith.constant 13 : i32
    %dma_wait3A_365 = arith.constant 0 : i32
    %dma_wait3A_366 = tpu.memref_slice %arg5[%dma_wait3A_364, %dma_wait3A_365] : memref<32x16xi32, #tpu.memory_space<vmem>> -> memref<1x16xi32, #tpu.memory_space<vmem>>
    %dma_wait3A_367 = tpu.memref_squeeze %dma_wait3A_366 : memref<1x16xi32, #tpu.memory_space<vmem>> -> memref<16xi32, #tpu.memory_space<vmem>>
    %dma_wait3A_368 = arith.constant 0 : i32
    %dma_wait3A_369 = arith.constant 0 : i32
    %dma_wait3A_370 = tpu.memref_slice %arg3[%dma_wait3A_368, %dma_wait3A_369] : memref<100000x1024xf32, #tpu.memory_space<hbm>> -> memref<100000x1024xf32, #tpu.memory_space<hbm>>
    tpu.wait_indirect_dma semaphore(%arg19 : memref<!tpu.dma_semaphore, #tpu.memory_space<semaphore_mem>>) src(%dma_wait3A_370 : memref<100000x1024xf32, #tpu.memory_space<hbm>>) dst(%arg12 : memref<16x1024xf32, #tpu.memory_space<vmem>>)
    %add3A_371 = arith.constant 208 : i32
    %add3A_372 = arith.addi %mul3A_4, %add3A_371 : i32
    %dma_start3A_373 = arith.constant 0 : i32
    %dma_start3A_374 = tpu.memref_slice %arg4[%add3A_372, %dma_start3A_373] : memref<16384x1024xf32, #tpu.memory_space<hbm>> -> memref<16x1024xf32, #tpu.memory_space<hbm>>
    %dma_start3A_375 = arith.constant 0 : i32
    %dma_start3A_376 = tpu.memref_slice %arg4[%add3A_372, %dma_start3A_375] : memref<16384x1024xf32, #tpu.memory_space<hbm>> -> memref<16x1024xf32, #tpu.memory_space<hbm>>
    tpu.enqueue_dma source(%arg12 : memref<16x1024xf32, #tpu.memory_space<vmem>>) target(%dma_start3A_376 : memref<16x1024xf32, #tpu.memory_space<hbm>>) target_semaphore(%arg26 : memref<!tpu.dma_semaphore, #tpu.memory_space<semaphore_mem>>)
    %add3A_377 = arith.constant 176 : i32
    %add3A_378 = arith.addi %mul3A_4, %add3A_377 : i32
    %dma_wait3A_379 = arith.constant 0 : i32
    %dma_wait3A_380 = tpu.memref_slice %arg4[%add3A_378, %dma_wait3A_379] : memref<16384x1024xf32, #tpu.memory_space<hbm>> -> memref<16x1024xf32, #tpu.memory_space<hbm>>
    %dma_wait3A_381 = arith.constant 0 : i32
    %dma_wait3A_382 = tpu.memref_slice %arg4[%add3A_378, %dma_wait3A_381] : memref<16384x1024xf32, #tpu.memory_space<hbm>> -> memref<16x1024xf32, #tpu.memory_space<hbm>>
    tpu.wait_dma2 semaphore(%arg24 : memref<!tpu.dma_semaphore, #tpu.memory_space<semaphore_mem>>) src(%arg10 : memref<16x1024xf32, #tpu.memory_space<vmem>>) dst(%dma_wait3A_382 : memref<16x1024xf32, #tpu.memory_space<hbm>>)
    %dma_start3A_383 = arith.constant 18 : i32
    %dma_start3A_384 = arith.constant 0 : i32
    %dma_start3A_385 = tpu.memref_slice %arg5[%dma_start3A_383, %dma_start3A_384] : memref<32x16xi32, #tpu.memory_space<vmem>> -> memref<1x16xi32, #tpu.memory_space<vmem>>
    %dma_start3A_386 = tpu.memref_squeeze %dma_start3A_385 : memref<1x16xi32, #tpu.memory_space<vmem>> -> memref<16xi32, #tpu.memory_space<vmem>>
    %dma_start3A_387 = arith.constant 0 : i32
    %dma_start3A_388 = arith.constant 0 : i32
    %dma_start3A_389 = tpu.memref_slice %arg3[%dma_start3A_387, %dma_start3A_388] : memref<100000x1024xf32, #tpu.memory_space<hbm>> -> memref<100000x1024xf32, #tpu.memory_space<hbm>>
    tpu.enqueue_indirect_dma source(%dma_start3A_389 : memref<100000x1024xf32, #tpu.memory_space<hbm>>) target(%arg10 : memref<16x1024xf32, #tpu.memory_space<vmem>>) offsets(%dma_start3A_386 : memref<16xi32, #tpu.memory_space<vmem>>) semaphore(%arg17 : memref<!tpu.dma_semaphore, #tpu.memory_space<semaphore_mem>>)
    %dma_wait3A_390 = arith.constant 14 : i32
    %dma_wait3A_391 = arith.constant 0 : i32
    %dma_wait3A_392 = tpu.memref_slice %arg5[%dma_wait3A_390, %dma_wait3A_391] : memref<32x16xi32, #tpu.memory_space<vmem>> -> memref<1x16xi32, #tpu.memory_space<vmem>>
    %dma_wait3A_393 = tpu.memref_squeeze %dma_wait3A_392 : memref<1x16xi32, #tpu.memory_space<vmem>> -> memref<16xi32, #tpu.memory_space<vmem>>
    %dma_wait3A_394 = arith.constant 0 : i32
    %dma_wait3A_395 = arith.constant 0 : i32
    %dma_wait3A_396 = tpu.memref_slice %arg3[%dma_wait3A_394, %dma_wait3A_395] : memref<100000x1024xf32, #tpu.memory_space<hbm>> -> memref<100000x1024xf32, #tpu.memory_space<hbm>>
    tpu.wait_indirect_dma semaphore(%arg13 : memref<!tpu.dma_semaphore, #tpu.memory_space<semaphore_mem>>) src(%dma_wait3A_396 : memref<100000x1024xf32, #tpu.memory_space<hbm>>) dst(%arg6 : memref<16x1024xf32, #tpu.memory_space<vmem>>)
    %add3A_397 = arith.constant 224 : i32
    %add3A_398 = arith.addi %mul3A_4, %add3A_397 : i32
    %dma_start3A_399 = arith.constant 0 : i32
    %dma_start3A_400 = tpu.memref_slice %arg4[%add3A_398, %dma_start3A_399] : memref<16384x1024xf32, #tpu.memory_space<hbm>> -> memref<16x1024xf32, #tpu.memory_space<hbm>>
    %dma_start3A_401 = arith.constant 0 : i32
    %dma_start3A_402 = tpu.memref_slice %arg4[%add3A_398, %dma_start3A_401] : memref<16384x1024xf32, #tpu.memory_space<hbm>> -> memref<16x1024xf32, #tpu.memory_space<hbm>>
    tpu.enqueue_dma source(%arg6 : memref<16x1024xf32, #tpu.memory_space<vmem>>) target(%dma_start3A_402 : memref<16x1024xf32, #tpu.memory_space<hbm>>) target_semaphore(%arg20 : memref<!tpu.dma_semaphore, #tpu.memory_space<semaphore_mem>>)
    %add3A_403 = arith.constant 192 : i32
    %add3A_404 = arith.addi %mul3A_4, %add3A_403 : i32
    %dma_wait3A_405 = arith.constant 0 : i32
    %dma_wait3A_406 = tpu.memref_slice %arg4[%add3A_404, %dma_wait3A_405] : memref<16384x1024xf32, #tpu.memory_space<hbm>> -> memref<16x1024xf32, #tpu.memory_space<hbm>>
    %dma_wait3A_407 = arith.constant 0 : i32
    %dma_wait3A_408 = tpu.memref_slice %arg4[%add3A_404, %dma_wait3A_407] : memref<16384x1024xf32, #tpu.memory_space<hbm>> -> memref<16x1024xf32, #tpu.memory_space<hbm>>
    tpu.wait_dma2 semaphore(%arg25 : memref<!tpu.dma_semaphore, #tpu.memory_space<semaphore_mem>>) src(%arg11 : memref<16x1024xf32, #tpu.memory_space<vmem>>) dst(%dma_wait3A_408 : memref<16x1024xf32, #tpu.memory_space<hbm>>)
    %dma_start3A_409 = arith.constant 19 : i32
    %dma_start3A_410 = arith.constant 0 : i32
    %dma_start3A_411 = tpu.memref_slice %arg5[%dma_start3A_409, %dma_start3A_410] : memref<32x16xi32, #tpu.memory_space<vmem>> -> memref<1x16xi32, #tpu.memory_space<vmem>>
    %dma_start3A_412 = tpu.memref_squeeze %dma_start3A_411 : memref<1x16xi32, #tpu.memory_space<vmem>> -> memref<16xi32, #tpu.memory_space<vmem>>
    %dma_start3A_413 = arith.constant 0 : i32
    %dma_start3A_414 = arith.constant 0 : i32
    %dma_start3A_415 = tpu.memref_slice %arg3[%dma_start3A_413, %dma_start3A_414] : memref<100000x1024xf32, #tpu.memory_space<hbm>> -> memref<100000x1024xf32, #tpu.memory_space<hbm>>
    tpu.enqueue_indirect_dma source(%dma_start3A_415 : memref<100000x1024xf32, #tpu.memory_space<hbm>>) target(%arg11 : memref<16x1024xf32, #tpu.memory_space<vmem>>) offsets(%dma_start3A_412 : memref<16xi32, #tpu.memory_space<vmem>>) semaphore(%arg18 : memref<!tpu.dma_semaphore, #tpu.memory_space<semaphore_mem>>)
    %dma_wait3A_416 = arith.constant 15 : i32
    %dma_wait3A_417 = arith.constant 0 : i32
    %dma_wait3A_418 = tpu.memref_slice %arg5[%dma_wait3A_416, %dma_wait3A_417] : memref<32x16xi32, #tpu.memory_space<vmem>> -> memref<1x16xi32, #tpu.memory_space<vmem>>
    %dma_wait3A_419 = tpu.memref_squeeze %dma_wait3A_418 : memref<1x16xi32, #tpu.memory_space<vmem>> -> memref<16xi32, #tpu.memory_space<vmem>>
    %dma_wait3A_420 = arith.constant 0 : i32
    %dma_wait3A_421 = arith.constant 0 : i32
    %dma_wait3A_422 = tpu.memref_slice %arg3[%dma_wait3A_420, %dma_wait3A_421] : memref<100000x1024xf32, #tpu.memory_space<hbm>> -> memref<100000x1024xf32, #tpu.memory_space<hbm>>
    tpu.wait_indirect_dma semaphore(%arg14 : memref<!tpu.dma_semaphore, #tpu.memory_space<semaphore_mem>>) src(%dma_wait3A_422 : memref<100000x1024xf32, #tpu.memory_space<hbm>>) dst(%arg7 : memref<16x1024xf32, #tpu.memory_space<vmem>>)
    %add3A_423 = arith.constant 240 : i32
    %add3A_424 = arith.addi %mul3A_4, %add3A_423 : i32
    %dma_start3A_425 = arith.constant 0 : i32
    %dma_start3A_426 = tpu.memref_slice %arg4[%add3A_424, %dma_start3A_425] : memref<16384x1024xf32, #tpu.memory_space<hbm>> -> memref<16x1024xf32, #tpu.memory_space<hbm>>
    %dma_start3A_427 = arith.constant 0 : i32
    %dma_start3A_428 = tpu.memref_slice %arg4[%add3A_424, %dma_start3A_427] : memref<16384x1024xf32, #tpu.memory_space<hbm>> -> memref<16x1024xf32, #tpu.memory_space<hbm>>
    tpu.enqueue_dma source(%arg7 : memref<16x1024xf32, #tpu.memory_space<vmem>>) target(%dma_start3A_428 : memref<16x1024xf32, #tpu.memory_space<hbm>>) target_semaphore(%arg21 : memref<!tpu.dma_semaphore, #tpu.memory_space<semaphore_mem>>)
    %add3A_429 = arith.constant 208 : i32
    %add3A_430 = arith.addi %mul3A_4, %add3A_429 : i32
    %dma_wait3A_431 = arith.constant 0 : i32
    %dma_wait3A_432 = tpu.memref_slice %arg4[%add3A_430, %dma_wait3A_431] : memref<16384x1024xf32, #tpu.memory_space<hbm>> -> memref<16x1024xf32, #tpu.memory_space<hbm>>
    %dma_wait3A_433 = arith.constant 0 : i32
    %dma_wait3A_434 = tpu.memref_slice %arg4[%add3A_430, %dma_wait3A_433] : memref<16384x1024xf32, #tpu.memory_space<hbm>> -> memref<16x1024xf32, #tpu.memory_space<hbm>>
    tpu.wait_dma2 semaphore(%arg26 : memref<!tpu.dma_semaphore, #tpu.memory_space<semaphore_mem>>) src(%arg12 : memref<16x1024xf32, #tpu.memory_space<vmem>>) dst(%dma_wait3A_434 : memref<16x1024xf32, #tpu.memory_space<hbm>>)
    %dma_start3A_435 = arith.constant 20 : i32
    %dma_start3A_436 = arith.constant 0 : i32
    %dma_start3A_437 = tpu.memref_slice %arg5[%dma_start3A_435, %dma_start3A_436] : memref<32x16xi32, #tpu.memory_space<vmem>> -> memref<1x16xi32, #tpu.memory_space<vmem>>
    %dma_start3A_438 = tpu.memref_squeeze %dma_start3A_437 : memref<1x16xi32, #tpu.memory_space<vmem>> -> memref<16xi32, #tpu.memory_space<vmem>>
    %dma_start3A_439 = arith.constant 0 : i32
    %dma_start3A_440 = arith.constant 0 : i32
    %dma_start3A_441 = tpu.memref_slice %arg3[%dma_start3A_439, %dma_start3A_440] : memref<100000x1024xf32, #tpu.memory_space<hbm>> -> memref<100000x1024xf32, #tpu.memory_space<hbm>>
    tpu.enqueue_indirect_dma source(%dma_start3A_441 : memref<100000x1024xf32, #tpu.memory_space<hbm>>) target(%arg12 : memref<16x1024xf32, #tpu.memory_space<vmem>>) offsets(%dma_start3A_438 : memref<16xi32, #tpu.memory_space<vmem>>) semaphore(%arg19 : memref<!tpu.dma_semaphore, #tpu.memory_space<semaphore_mem>>)
    %dma_wait3A_442 = arith.constant 16 : i32
    %dma_wait3A_443 = arith.constant 0 : i32
    %dma_wait3A_444 = tpu.memref_slice %arg5[%dma_wait3A_442, %dma_wait3A_443] : memref<32x16xi32, #tpu.memory_space<vmem>> -> memref<1x16xi32, #tpu.memory_space<vmem>>
    %dma_wait3A_445 = tpu.memref_squeeze %dma_wait3A_444 : memref<1x16xi32, #tpu.memory_space<vmem>> -> memref<16xi32, #tpu.memory_space<vmem>>
    %dma_wait3A_446 = arith.constant 0 : i32
    %dma_wait3A_447 = arith.constant 0 : i32
    %dma_wait3A_448 = tpu.memref_slice %arg3[%dma_wait3A_446, %dma_wait3A_447] : memref<100000x1024xf32, #tpu.memory_space<hbm>> -> memref<100000x1024xf32, #tpu.memory_space<hbm>>
    tpu.wait_indirect_dma semaphore(%arg15 : memref<!tpu.dma_semaphore, #tpu.memory_space<semaphore_mem>>) src(%dma_wait3A_448 : memref<100000x1024xf32, #tpu.memory_space<hbm>>) dst(%arg8 : memref<16x1024xf32, #tpu.memory_space<vmem>>)
    %add3A_449 = arith.constant 256 : i32
    %add3A_450 = arith.addi %mul3A_4, %add3A_449 : i32
    %dma_start3A_451 = arith.constant 0 : i32
    %dma_start3A_452 = tpu.memref_slice %arg4[%add3A_450, %dma_start3A_451] : memref<16384x1024xf32, #tpu.memory_space<hbm>> -> memref<16x1024xf32, #tpu.memory_space<hbm>>
    %dma_start3A_453 = arith.constant 0 : i32
    %dma_start3A_454 = tpu.memref_slice %arg4[%add3A_450, %dma_start3A_453] : memref<16384x1024xf32, #tpu.memory_space<hbm>> -> memref<16x1024xf32, #tpu.memory_space<hbm>>
    tpu.enqueue_dma source(%arg8 : memref<16x1024xf32, #tpu.memory_space<vmem>>) target(%dma_start3A_454 : memref<16x1024xf32, #tpu.memory_space<hbm>>) target_semaphore(%arg22 : memref<!tpu.dma_semaphore, #tpu.memory_space<semaphore_mem>>)
    %add3A_455 = arith.constant 224 : i32
    %add3A_456 = arith.addi %mul3A_4, %add3A_455 : i32
    %dma_wait3A_457 = arith.constant 0 : i32
    %dma_wait3A_458 = tpu.memref_slice %arg4[%add3A_456, %dma_wait3A_457] : memref<16384x1024xf32, #tpu.memory_space<hbm>> -> memref<16x1024xf32, #tpu.memory_space<hbm>>
    %dma_wait3A_459 = arith.constant 0 : i32
    %dma_wait3A_460 = tpu.memref_slice %arg4[%add3A_456, %dma_wait3A_459] : memref<16384x1024xf32, #tpu.memory_space<hbm>> -> memref<16x1024xf32, #tpu.memory_space<hbm>>
    tpu.wait_dma2 semaphore(%arg20 : memref<!tpu.dma_semaphore, #tpu.memory_space<semaphore_mem>>) src(%arg6 : memref<16x1024xf32, #tpu.memory_space<vmem>>) dst(%dma_wait3A_460 : memref<16x1024xf32, #tpu.memory_space<hbm>>)
    %dma_start3A_461 = arith.constant 21 : i32
    %dma_start3A_462 = arith.constant 0 : i32
    %dma_start3A_463 = tpu.memref_slice %arg5[%dma_start3A_461, %dma_start3A_462] : memref<32x16xi32, #tpu.memory_space<vmem>> -> memref<1x16xi32, #tpu.memory_space<vmem>>
    %dma_start3A_464 = tpu.memref_squeeze %dma_start3A_463 : memref<1x16xi32, #tpu.memory_space<vmem>> -> memref<16xi32, #tpu.memory_space<vmem>>
    %dma_start3A_465 = arith.constant 0 : i32
    %dma_start3A_466 = arith.constant 0 : i32
    %dma_start3A_467 = tpu.memref_slice %arg3[%dma_start3A_465, %dma_start3A_466] : memref<100000x1024xf32, #tpu.memory_space<hbm>> -> memref<100000x1024xf32, #tpu.memory_space<hbm>>
    tpu.enqueue_indirect_dma source(%dma_start3A_467 : memref<100000x1024xf32, #tpu.memory_space<hbm>>) target(%arg6 : memref<16x1024xf32, #tpu.memory_space<vmem>>) offsets(%dma_start3A_464 : memref<16xi32, #tpu.memory_space<vmem>>) semaphore(%arg13 : memref<!tpu.dma_semaphore, #tpu.memory_space<semaphore_mem>>)
    %dma_wait3A_468 = arith.constant 17 : i32
    %dma_wait3A_469 = arith.constant 0 : i32
    %dma_wait3A_470 = tpu.memref_slice %arg5[%dma_wait3A_468, %dma_wait3A_469] : memref<32x16xi32, #tpu.memory_space<vmem>> -> memref<1x16xi32, #tpu.memory_space<vmem>>
    %dma_wait3A_471 = tpu.memref_squeeze %dma_wait3A_470 : memref<1x16xi32, #tpu.memory_space<vmem>> -> memref<16xi32, #tpu.memory_space<vmem>>
    %dma_wait3A_472 = arith.constant 0 : i32
    %dma_wait3A_473 = arith.constant 0 : i32
    %dma_wait3A_474 = tpu.memref_slice %arg3[%dma_wait3A_472, %dma_wait3A_473] : memref<100000x1024xf32, #tpu.memory_space<hbm>> -> memref<100000x1024xf32, #tpu.memory_space<hbm>>
    tpu.wait_indirect_dma semaphore(%arg16 : memref<!tpu.dma_semaphore, #tpu.memory_space<semaphore_mem>>) src(%dma_wait3A_474 : memref<100000x1024xf32, #tpu.memory_space<hbm>>) dst(%arg9 : memref<16x1024xf32, #tpu.memory_space<vmem>>)
    %add3A_475 = arith.constant 272 : i32
    %add3A_476 = arith.addi %mul3A_4, %add3A_475 : i32
    %dma_start3A_477 = arith.constant 0 : i32
    %dma_start3A_478 = tpu.memref_slice %arg4[%add3A_476, %dma_start3A_477] : memref<16384x1024xf32, #tpu.memory_space<hbm>> -> memref<16x1024xf32, #tpu.memory_space<hbm>>
    %dma_start3A_479 = arith.constant 0 : i32
    %dma_start3A_480 = tpu.memref_slice %arg4[%add3A_476, %dma_start3A_479] : memref<16384x1024xf32, #tpu.memory_space<hbm>> -> memref<16x1024xf32, #tpu.memory_space<hbm>>
    tpu.enqueue_dma source(%arg9 : memref<16x1024xf32, #tpu.memory_space<vmem>>) target(%dma_start3A_480 : memref<16x1024xf32, #tpu.memory_space<hbm>>) target_semaphore(%arg23 : memref<!tpu.dma_semaphore, #tpu.memory_space<semaphore_mem>>)
    %add3A_481 = arith.constant 240 : i32
    %add3A_482 = arith.addi %mul3A_4, %add3A_481 : i32
    %dma_wait3A_483 = arith.constant 0 : i32
    %dma_wait3A_484 = tpu.memref_slice %arg4[%add3A_482, %dma_wait3A_483] : memref<16384x1024xf32, #tpu.memory_space<hbm>> -> memref<16x1024xf32, #tpu.memory_space<hbm>>
    %dma_wait3A_485 = arith.constant 0 : i32
    %dma_wait3A_486 = tpu.memref_slice %arg4[%add3A_482, %dma_wait3A_485] : memref<16384x1024xf32, #tpu.memory_space<hbm>> -> memref<16x1024xf32, #tpu.memory_space<hbm>>
    tpu.wait_dma2 semaphore(%arg21 : memref<!tpu.dma_semaphore, #tpu.memory_space<semaphore_mem>>) src(%arg7 : memref<16x1024xf32, #tpu.memory_space<vmem>>) dst(%dma_wait3A_486 : memref<16x1024xf32, #tpu.memory_space<hbm>>)
    %dma_start3A_487 = arith.constant 22 : i32
    %dma_start3A_488 = arith.constant 0 : i32
    %dma_start3A_489 = tpu.memref_slice %arg5[%dma_start3A_487, %dma_start3A_488] : memref<32x16xi32, #tpu.memory_space<vmem>> -> memref<1x16xi32, #tpu.memory_space<vmem>>
    %dma_start3A_490 = tpu.memref_squeeze %dma_start3A_489 : memref<1x16xi32, #tpu.memory_space<vmem>> -> memref<16xi32, #tpu.memory_space<vmem>>
    %dma_start3A_491 = arith.constant 0 : i32
    %dma_start3A_492 = arith.constant 0 : i32
    %dma_start3A_493 = tpu.memref_slice %arg3[%dma_start3A_491, %dma_start3A_492] : memref<100000x1024xf32, #tpu.memory_space<hbm>> -> memref<100000x1024xf32, #tpu.memory_space<hbm>>
    tpu.enqueue_indirect_dma source(%dma_start3A_493 : memref<100000x1024xf32, #tpu.memory_space<hbm>>) target(%arg7 : memref<16x1024xf32, #tpu.memory_space<vmem>>) offsets(%dma_start3A_490 : memref<16xi32, #tpu.memory_space<vmem>>) semaphore(%arg14 : memref<!tpu.dma_semaphore, #tpu.memory_space<semaphore_mem>>)
    %dma_wait3A_494 = arith.constant 18 : i32
    %dma_wait3A_495 = arith.constant 0 : i32
    %dma_wait3A_496 = tpu.memref_slice %arg5[%dma_wait3A_494, %dma_wait3A_495] : memref<32x16xi32, #tpu.memory_space<vmem>> -> memref<1x16xi32, #tpu.memory_space<vmem>>
    %dma_wait3A_497 = tpu.memref_squeeze %dma_wait3A_496 : memref<1x16xi32, #tpu.memory_space<vmem>> -> memref<16xi32, #tpu.memory_space<vmem>>
    %dma_wait3A_498 = arith.constant 0 : i32
    %dma_wait3A_499 = arith.constant 0 : i32
    %dma_wait3A_500 = tpu.memref_slice %arg3[%dma_wait3A_498, %dma_wait3A_499] : memref<100000x1024xf32, #tpu.memory_space<hbm>> -> memref<100000x1024xf32, #tpu.memory_space<hbm>>
    tpu.wait_indirect_dma semaphore(%arg17 : memref<!tpu.dma_semaphore, #tpu.memory_space<semaphore_mem>>) src(%dma_wait3A_500 : memref<100000x1024xf32, #tpu.memory_space<hbm>>) dst(%arg10 : memref<16x1024xf32, #tpu.memory_space<vmem>>)
    %add3A_501 = arith.constant 288 : i32
    %add3A_502 = arith.addi %mul3A_4, %add3A_501 : i32
    %dma_start3A_503 = arith.constant 0 : i32
    %dma_start3A_504 = tpu.memref_slice %arg4[%add3A_502, %dma_start3A_503] : memref<16384x1024xf32, #tpu.memory_space<hbm>> -> memref<16x1024xf32, #tpu.memory_space<hbm>>
    %dma_start3A_505 = arith.constant 0 : i32
    %dma_start3A_506 = tpu.memref_slice %arg4[%add3A_502, %dma_start3A_505] : memref<16384x1024xf32, #tpu.memory_space<hbm>> -> memref<16x1024xf32, #tpu.memory_space<hbm>>
    tpu.enqueue_dma source(%arg10 : memref<16x1024xf32, #tpu.memory_space<vmem>>) target(%dma_start3A_506 : memref<16x1024xf32, #tpu.memory_space<hbm>>) target_semaphore(%arg24 : memref<!tpu.dma_semaphore, #tpu.memory_space<semaphore_mem>>)
    %add3A_507 = arith.constant 256 : i32
    %add3A_508 = arith.addi %mul3A_4, %add3A_507 : i32
    %dma_wait3A_509 = arith.constant 0 : i32
    %dma_wait3A_510 = tpu.memref_slice %arg4[%add3A_508, %dma_wait3A_509] : memref<16384x1024xf32, #tpu.memory_space<hbm>> -> memref<16x1024xf32, #tpu.memory_space<hbm>>
    %dma_wait3A_511 = arith.constant 0 : i32
    %dma_wait3A_512 = tpu.memref_slice %arg4[%add3A_508, %dma_wait3A_511] : memref<16384x1024xf32, #tpu.memory_space<hbm>> -> memref<16x1024xf32, #tpu.memory_space<hbm>>
    tpu.wait_dma2 semaphore(%arg22 : memref<!tpu.dma_semaphore, #tpu.memory_space<semaphore_mem>>) src(%arg8 : memref<16x1024xf32, #tpu.memory_space<vmem>>) dst(%dma_wait3A_512 : memref<16x1024xf32, #tpu.memory_space<hbm>>)
    %dma_start3A_513 = arith.constant 23 : i32
    %dma_start3A_514 = arith.constant 0 : i32
    %dma_start3A_515 = tpu.memref_slice %arg5[%dma_start3A_513, %dma_start3A_514] : memref<32x16xi32, #tpu.memory_space<vmem>> -> memref<1x16xi32, #tpu.memory_space<vmem>>
    %dma_start3A_516 = tpu.memref_squeeze %dma_start3A_515 : memref<1x16xi32, #tpu.memory_space<vmem>> -> memref<16xi32, #tpu.memory_space<vmem>>
    %dma_start3A_517 = arith.constant 0 : i32
    %dma_start3A_518 = arith.constant 0 : i32
    %dma_start3A_519 = tpu.memref_slice %arg3[%dma_start3A_517, %dma_start3A_518] : memref<100000x1024xf32, #tpu.memory_space<hbm>> -> memref<100000x1024xf32, #tpu.memory_space<hbm>>
    tpu.enqueue_indirect_dma source(%dma_start3A_519 : memref<100000x1024xf32, #tpu.memory_space<hbm>>) target(%arg8 : memref<16x1024xf32, #tpu.memory_space<vmem>>) offsets(%dma_start3A_516 : memref<16xi32, #tpu.memory_space<vmem>>) semaphore(%arg15 : memref<!tpu.dma_semaphore, #tpu.memory_space<semaphore_mem>>)
    %dma_wait3A_520 = arith.constant 19 : i32
    %dma_wait3A_521 = arith.constant 0 : i32
    %dma_wait3A_522 = tpu.memref_slice %arg5[%dma_wait3A_520, %dma_wait3A_521] : memref<32x16xi32, #tpu.memory_space<vmem>> -> memref<1x16xi32, #tpu.memory_space<vmem>>
    %dma_wait3A_523 = tpu.memref_squeeze %dma_wait3A_522 : memref<1x16xi32, #tpu.memory_space<vmem>> -> memref<16xi32, #tpu.memory_space<vmem>>
    %dma_wait3A_524 = arith.constant 0 : i32
    %dma_wait3A_525 = arith.constant 0 : i32
    %dma_wait3A_526 = tpu.memref_slice %arg3[%dma_wait3A_524, %dma_wait3A_525] : memref<100000x1024xf32, #tpu.memory_space<hbm>> -> memref<100000x1024xf32, #tpu.memory_space<hbm>>
    tpu.wait_indirect_dma semaphore(%arg18 : memref<!tpu.dma_semaphore, #tpu.memory_space<semaphore_mem>>) src(%dma_wait3A_526 : memref<100000x1024xf32, #tpu.memory_space<hbm>>) dst(%arg11 : memref<16x1024xf32, #tpu.memory_space<vmem>>)
    %add3A_527 = arith.constant 304 : i32
    %add3A_528 = arith.addi %mul3A_4, %add3A_527 : i32
    %dma_start3A_529 = arith.constant 0 : i32
    %dma_start3A_530 = tpu.memref_slice %arg4[%add3A_528, %dma_start3A_529] : memref<16384x1024xf32, #tpu.memory_space<hbm>> -> memref<16x1024xf32, #tpu.memory_space<hbm>>
    %dma_start3A_531 = arith.constant 0 : i32
    %dma_start3A_532 = tpu.memref_slice %arg4[%add3A_528, %dma_start3A_531] : memref<16384x1024xf32, #tpu.memory_space<hbm>> -> memref<16x1024xf32, #tpu.memory_space<hbm>>
    tpu.enqueue_dma source(%arg11 : memref<16x1024xf32, #tpu.memory_space<vmem>>) target(%dma_start3A_532 : memref<16x1024xf32, #tpu.memory_space<hbm>>) target_semaphore(%arg25 : memref<!tpu.dma_semaphore, #tpu.memory_space<semaphore_mem>>)
    %add3A_533 = arith.constant 272 : i32
    %add3A_534 = arith.addi %mul3A_4, %add3A_533 : i32
    %dma_wait3A_535 = arith.constant 0 : i32
    %dma_wait3A_536 = tpu.memref_slice %arg4[%add3A_534, %dma_wait3A_535] : memref<16384x1024xf32, #tpu.memory_space<hbm>> -> memref<16x1024xf32, #tpu.memory_space<hbm>>
    %dma_wait3A_537 = arith.constant 0 : i32
    %dma_wait3A_538 = tpu.memref_slice %arg4[%add3A_534, %dma_wait3A_537] : memref<16384x1024xf32, #tpu.memory_space<hbm>> -> memref<16x1024xf32, #tpu.memory_space<hbm>>
    tpu.wait_dma2 semaphore(%arg23 : memref<!tpu.dma_semaphore, #tpu.memory_space<semaphore_mem>>) src(%arg9 : memref<16x1024xf32, #tpu.memory_space<vmem>>) dst(%dma_wait3A_538 : memref<16x1024xf32, #tpu.memory_space<hbm>>)
    %dma_start3A_539 = arith.constant 24 : i32
    %dma_start3A_540 = arith.constant 0 : i32
    %dma_start3A_541 = tpu.memref_slice %arg5[%dma_start3A_539, %dma_start3A_540] : memref<32x16xi32, #tpu.memory_space<vmem>> -> memref<1x16xi32, #tpu.memory_space<vmem>>
    %dma_start3A_542 = tpu.memref_squeeze %dma_start3A_541 : memref<1x16xi32, #tpu.memory_space<vmem>> -> memref<16xi32, #tpu.memory_space<vmem>>
    %dma_start3A_543 = arith.constant 0 : i32
    %dma_start3A_544 = arith.constant 0 : i32
    %dma_start3A_545 = tpu.memref_slice %arg3[%dma_start3A_543, %dma_start3A_544] : memref<100000x1024xf32, #tpu.memory_space<hbm>> -> memref<100000x1024xf32, #tpu.memory_space<hbm>>
    tpu.enqueue_indirect_dma source(%dma_start3A_545 : memref<100000x1024xf32, #tpu.memory_space<hbm>>) target(%arg9 : memref<16x1024xf32, #tpu.memory_space<vmem>>) offsets(%dma_start3A_542 : memref<16xi32, #tpu.memory_space<vmem>>) semaphore(%arg16 : memref<!tpu.dma_semaphore, #tpu.memory_space<semaphore_mem>>)
    %dma_wait3A_546 = arith.constant 20 : i32
    %dma_wait3A_547 = arith.constant 0 : i32
    %dma_wait3A_548 = tpu.memref_slice %arg5[%dma_wait3A_546, %dma_wait3A_547] : memref<32x16xi32, #tpu.memory_space<vmem>> -> memref<1x16xi32, #tpu.memory_space<vmem>>
    %dma_wait3A_549 = tpu.memref_squeeze %dma_wait3A_548 : memref<1x16xi32, #tpu.memory_space<vmem>> -> memref<16xi32, #tpu.memory_space<vmem>>
    %dma_wait3A_550 = arith.constant 0 : i32
    %dma_wait3A_551 = arith.constant 0 : i32
    %dma_wait3A_552 = tpu.memref_slice %arg3[%dma_wait3A_550, %dma_wait3A_551] : memref<100000x1024xf32, #tpu.memory_space<hbm>> -> memref<100000x1024xf32, #tpu.memory_space<hbm>>
    tpu.wait_indirect_dma semaphore(%arg19 : memref<!tpu.dma_semaphore, #tpu.memory_space<semaphore_mem>>) src(%dma_wait3A_552 : memref<100000x1024xf32, #tpu.memory_space<hbm>>) dst(%arg12 : memref<16x1024xf32, #tpu.memory_space<vmem>>)
    %add3A_553 = arith.constant 320 : i32
    %add3A_554 = arith.addi %mul3A_4, %add3A_553 : i32
    %dma_start3A_555 = arith.constant 0 : i32
    %dma_start3A_556 = tpu.memref_slice %arg4[%add3A_554, %dma_start3A_555] : memref<16384x1024xf32, #tpu.memory_space<hbm>> -> memref<16x1024xf32, #tpu.memory_space<hbm>>
    %dma_start3A_557 = arith.constant 0 : i32
    %dma_start3A_558 = tpu.memref_slice %arg4[%add3A_554, %dma_start3A_557] : memref<16384x1024xf32, #tpu.memory_space<hbm>> -> memref<16x1024xf32, #tpu.memory_space<hbm>>
    tpu.enqueue_dma source(%arg12 : memref<16x1024xf32, #tpu.memory_space<vmem>>) target(%dma_start3A_558 : memref<16x1024xf32, #tpu.memory_space<hbm>>) target_semaphore(%arg26 : memref<!tpu.dma_semaphore, #tpu.memory_space<semaphore_mem>>)
    %add3A_559 = arith.constant 288 : i32
    %add3A_560 = arith.addi %mul3A_4, %add3A_559 : i32
    %dma_wait3A_561 = arith.constant 0 : i32
    %dma_wait3A_562 = tpu.memref_slice %arg4[%add3A_560, %dma_wait3A_561] : memref<16384x1024xf32, #tpu.memory_space<hbm>> -> memref<16x1024xf32, #tpu.memory_space<hbm>>
    %dma_wait3A_563 = arith.constant 0 : i32
    %dma_wait3A_564 = tpu.memref_slice %arg4[%add3A_560, %dma_wait3A_563] : memref<16384x1024xf32, #tpu.memory_space<hbm>> -> memref<16x1024xf32, #tpu.memory_space<hbm>>
    tpu.wait_dma2 semaphore(%arg24 : memref<!tpu.dma_semaphore, #tpu.memory_space<semaphore_mem>>) src(%arg10 : memref<16x1024xf32, #tpu.memory_space<vmem>>) dst(%dma_wait3A_564 : memref<16x1024xf32, #tpu.memory_space<hbm>>)
    %dma_start3A_565 = arith.constant 25 : i32
    %dma_start3A_566 = arith.constant 0 : i32
    %dma_start3A_567 = tpu.memref_slice %arg5[%dma_start3A_565, %dma_start3A_566] : memref<32x16xi32, #tpu.memory_space<vmem>> -> memref<1x16xi32, #tpu.memory_space<vmem>>
    %dma_start3A_568 = tpu.memref_squeeze %dma_start3A_567 : memref<1x16xi32, #tpu.memory_space<vmem>> -> memref<16xi32, #tpu.memory_space<vmem>>
    %dma_start3A_569 = arith.constant 0 : i32
    %dma_start3A_570 = arith.constant 0 : i32
    %dma_start3A_571 = tpu.memref_slice %arg3[%dma_start3A_569, %dma_start3A_570] : memref<100000x1024xf32, #tpu.memory_space<hbm>> -> memref<100000x1024xf32, #tpu.memory_space<hbm>>
    tpu.enqueue_indirect_dma source(%dma_start3A_571 : memref<100000x1024xf32, #tpu.memory_space<hbm>>) target(%arg10 : memref<16x1024xf32, #tpu.memory_space<vmem>>) offsets(%dma_start3A_568 : memref<16xi32, #tpu.memory_space<vmem>>) semaphore(%arg17 : memref<!tpu.dma_semaphore, #tpu.memory_space<semaphore_mem>>)
    %dma_wait3A_572 = arith.constant 21 : i32
    %dma_wait3A_573 = arith.constant 0 : i32
    %dma_wait3A_574 = tpu.memref_slice %arg5[%dma_wait3A_572, %dma_wait3A_573] : memref<32x16xi32, #tpu.memory_space<vmem>> -> memref<1x16xi32, #tpu.memory_space<vmem>>
    %dma_wait3A_575 = tpu.memref_squeeze %dma_wait3A_574 : memref<1x16xi32, #tpu.memory_space<vmem>> -> memref<16xi32, #tpu.memory_space<vmem>>
    %dma_wait3A_576 = arith.constant 0 : i32
    %dma_wait3A_577 = arith.constant 0 : i32
    %dma_wait3A_578 = tpu.memref_slice %arg3[%dma_wait3A_576, %dma_wait3A_577] : memref<100000x1024xf32, #tpu.memory_space<hbm>> -> memref<100000x1024xf32, #tpu.memory_space<hbm>>
    tpu.wait_indirect_dma semaphore(%arg13 : memref<!tpu.dma_semaphore, #tpu.memory_space<semaphore_mem>>) src(%dma_wait3A_578 : memref<100000x1024xf32, #tpu.memory_space<hbm>>) dst(%arg6 : memref<16x1024xf32, #tpu.memory_space<vmem>>)
    %add3A_579 = arith.constant 336 : i32
    %add3A_580 = arith.addi %mul3A_4, %add3A_579 : i32
    %dma_start3A_581 = arith.constant 0 : i32
    %dma_start3A_582 = tpu.memref_slice %arg4[%add3A_580, %dma_start3A_581] : memref<16384x1024xf32, #tpu.memory_space<hbm>> -> memref<16x1024xf32, #tpu.memory_space<hbm>>
    %dma_start3A_583 = arith.constant 0 : i32
    %dma_start3A_584 = tpu.memref_slice %arg4[%add3A_580, %dma_start3A_583] : memref<16384x1024xf32, #tpu.memory_space<hbm>> -> memref<16x1024xf32, #tpu.memory_space<hbm>>
    tpu.enqueue_dma source(%arg6 : memref<16x1024xf32, #tpu.memory_space<vmem>>) target(%dma_start3A_584 : memref<16x1024xf32, #tpu.memory_space<hbm>>) target_semaphore(%arg20 : memref<!tpu.dma_semaphore, #tpu.memory_space<semaphore_mem>>)
    %add3A_585 = arith.constant 304 : i32
    %add3A_586 = arith.addi %mul3A_4, %add3A_585 : i32
    %dma_wait3A_587 = arith.constant 0 : i32
    %dma_wait3A_588 = tpu.memref_slice %arg4[%add3A_586, %dma_wait3A_587] : memref<16384x1024xf32, #tpu.memory_space<hbm>> -> memref<16x1024xf32, #tpu.memory_space<hbm>>
    %dma_wait3A_589 = arith.constant 0 : i32
    %dma_wait3A_590 = tpu.memref_slice %arg4[%add3A_586, %dma_wait3A_589] : memref<16384x1024xf32, #tpu.memory_space<hbm>> -> memref<16x1024xf32, #tpu.memory_space<hbm>>
    tpu.wait_dma2 semaphore(%arg25 : memref<!tpu.dma_semaphore, #tpu.memory_space<semaphore_mem>>) src(%arg11 : memref<16x1024xf32, #tpu.memory_space<vmem>>) dst(%dma_wait3A_590 : memref<16x1024xf32, #tpu.memory_space<hbm>>)
    %dma_start3A_591 = arith.constant 26 : i32
    %dma_start3A_592 = arith.constant 0 : i32
    %dma_start3A_593 = tpu.memref_slice %arg5[%dma_start3A_591, %dma_start3A_592] : memref<32x16xi32, #tpu.memory_space<vmem>> -> memref<1x16xi32, #tpu.memory_space<vmem>>
    %dma_start3A_594 = tpu.memref_squeeze %dma_start3A_593 : memref<1x16xi32, #tpu.memory_space<vmem>> -> memref<16xi32, #tpu.memory_space<vmem>>
    %dma_start3A_595 = arith.constant 0 : i32
    %dma_start3A_596 = arith.constant 0 : i32
    %dma_start3A_597 = tpu.memref_slice %arg3[%dma_start3A_595, %dma_start3A_596] : memref<100000x1024xf32, #tpu.memory_space<hbm>> -> memref<100000x1024xf32, #tpu.memory_space<hbm>>
    tpu.enqueue_indirect_dma source(%dma_start3A_597 : memref<100000x1024xf32, #tpu.memory_space<hbm>>) target(%arg11 : memref<16x1024xf32, #tpu.memory_space<vmem>>) offsets(%dma_start3A_594 : memref<16xi32, #tpu.memory_space<vmem>>) semaphore(%arg18 : memref<!tpu.dma_semaphore, #tpu.memory_space<semaphore_mem>>)
    %dma_wait3A_598 = arith.constant 22 : i32
    %dma_wait3A_599 = arith.constant 0 : i32
    %dma_wait3A_600 = tpu.memref_slice %arg5[%dma_wait3A_598, %dma_wait3A_599] : memref<32x16xi32, #tpu.memory_space<vmem>> -> memref<1x16xi32, #tpu.memory_space<vmem>>
    %dma_wait3A_601 = tpu.memref_squeeze %dma_wait3A_600 : memref<1x16xi32, #tpu.memory_space<vmem>> -> memref<16xi32, #tpu.memory_space<vmem>>
    %dma_wait3A_602 = arith.constant 0 : i32
    %dma_wait3A_603 = arith.constant 0 : i32
    %dma_wait3A_604 = tpu.memref_slice %arg3[%dma_wait3A_602, %dma_wait3A_603] : memref<100000x1024xf32, #tpu.memory_space<hbm>> -> memref<100000x1024xf32, #tpu.memory_space<hbm>>
    tpu.wait_indirect_dma semaphore(%arg14 : memref<!tpu.dma_semaphore, #tpu.memory_space<semaphore_mem>>) src(%dma_wait3A_604 : memref<100000x1024xf32, #tpu.memory_space<hbm>>) dst(%arg7 : memref<16x1024xf32, #tpu.memory_space<vmem>>)
    %add3A_605 = arith.constant 352 : i32
    %add3A_606 = arith.addi %mul3A_4, %add3A_605 : i32
    %dma_start3A_607 = arith.constant 0 : i32
    %dma_start3A_608 = tpu.memref_slice %arg4[%add3A_606, %dma_start3A_607] : memref<16384x1024xf32, #tpu.memory_space<hbm>> -> memref<16x1024xf32, #tpu.memory_space<hbm>>
    %dma_start3A_609 = arith.constant 0 : i32
    %dma_start3A_610 = tpu.memref_slice %arg4[%add3A_606, %dma_start3A_609] : memref<16384x1024xf32, #tpu.memory_space<hbm>> -> memref<16x1024xf32, #tpu.memory_space<hbm>>
    tpu.enqueue_dma source(%arg7 : memref<16x1024xf32, #tpu.memory_space<vmem>>) target(%dma_start3A_610 : memref<16x1024xf32, #tpu.memory_space<hbm>>) target_semaphore(%arg21 : memref<!tpu.dma_semaphore, #tpu.memory_space<semaphore_mem>>)
    %add3A_611 = arith.constant 320 : i32
    %add3A_612 = arith.addi %mul3A_4, %add3A_611 : i32
    %dma_wait3A_613 = arith.constant 0 : i32
    %dma_wait3A_614 = tpu.memref_slice %arg4[%add3A_612, %dma_wait3A_613] : memref<16384x1024xf32, #tpu.memory_space<hbm>> -> memref<16x1024xf32, #tpu.memory_space<hbm>>
    %dma_wait3A_615 = arith.constant 0 : i32
    %dma_wait3A_616 = tpu.memref_slice %arg4[%add3A_612, %dma_wait3A_615] : memref<16384x1024xf32, #tpu.memory_space<hbm>> -> memref<16x1024xf32, #tpu.memory_space<hbm>>
    tpu.wait_dma2 semaphore(%arg26 : memref<!tpu.dma_semaphore, #tpu.memory_space<semaphore_mem>>) src(%arg12 : memref<16x1024xf32, #tpu.memory_space<vmem>>) dst(%dma_wait3A_616 : memref<16x1024xf32, #tpu.memory_space<hbm>>)
    %dma_start3A_617 = arith.constant 27 : i32
    %dma_start3A_618 = arith.constant 0 : i32
    %dma_start3A_619 = tpu.memref_slice %arg5[%dma_start3A_617, %dma_start3A_618] : memref<32x16xi32, #tpu.memory_space<vmem>> -> memref<1x16xi32, #tpu.memory_space<vmem>>
    %dma_start3A_620 = tpu.memref_squeeze %dma_start3A_619 : memref<1x16xi32, #tpu.memory_space<vmem>> -> memref<16xi32, #tpu.memory_space<vmem>>
    %dma_start3A_621 = arith.constant 0 : i32
    %dma_start3A_622 = arith.constant 0 : i32
    %dma_start3A_623 = tpu.memref_slice %arg3[%dma_start3A_621, %dma_start3A_622] : memref<100000x1024xf32, #tpu.memory_space<hbm>> -> memref<100000x1024xf32, #tpu.memory_space<hbm>>
    tpu.enqueue_indirect_dma source(%dma_start3A_623 : memref<100000x1024xf32, #tpu.memory_space<hbm>>) target(%arg12 : memref<16x1024xf32, #tpu.memory_space<vmem>>) offsets(%dma_start3A_620 : memref<16xi32, #tpu.memory_space<vmem>>) semaphore(%arg19 : memref<!tpu.dma_semaphore, #tpu.memory_space<semaphore_mem>>)
    %dma_wait3A_624 = arith.constant 23 : i32
    %dma_wait3A_625 = arith.constant 0 : i32
    %dma_wait3A_626 = tpu.memref_slice %arg5[%dma_wait3A_624, %dma_wait3A_625] : memref<32x16xi32, #tpu.memory_space<vmem>> -> memref<1x16xi32, #tpu.memory_space<vmem>>
    %dma_wait3A_627 = tpu.memref_squeeze %dma_wait3A_626 : memref<1x16xi32, #tpu.memory_space<vmem>> -> memref<16xi32, #tpu.memory_space<vmem>>
    %dma_wait3A_628 = arith.constant 0 : i32
    %dma_wait3A_629 = arith.constant 0 : i32
    %dma_wait3A_630 = tpu.memref_slice %arg3[%dma_wait3A_628, %dma_wait3A_629] : memref<100000x1024xf32, #tpu.memory_space<hbm>> -> memref<100000x1024xf32, #tpu.memory_space<hbm>>
    tpu.wait_indirect_dma semaphore(%arg15 : memref<!tpu.dma_semaphore, #tpu.memory_space<semaphore_mem>>) src(%dma_wait3A_630 : memref<100000x1024xf32, #tpu.memory_space<hbm>>) dst(%arg8 : memref<16x1024xf32, #tpu.memory_space<vmem>>)
    %add3A_631 = arith.constant 368 : i32
    %add3A_632 = arith.addi %mul3A_4, %add3A_631 : i32
    %dma_start3A_633 = arith.constant 0 : i32
    %dma_start3A_634 = tpu.memref_slice %arg4[%add3A_632, %dma_start3A_633] : memref<16384x1024xf32, #tpu.memory_space<hbm>> -> memref<16x1024xf32, #tpu.memory_space<hbm>>
    %dma_start3A_635 = arith.constant 0 : i32
    %dma_start3A_636 = tpu.memref_slice %arg4[%add3A_632, %dma_start3A_635] : memref<16384x1024xf32, #tpu.memory_space<hbm>> -> memref<16x1024xf32, #tpu.memory_space<hbm>>
    tpu.enqueue_dma source(%arg8 : memref<16x1024xf32, #tpu.memory_space<vmem>>) target(%dma_start3A_636 : memref<16x1024xf32, #tpu.memory_space<hbm>>) target_semaphore(%arg22 : memref<!tpu.dma_semaphore, #tpu.memory_space<semaphore_mem>>)
    %add3A_637 = arith.constant 336 : i32
    %add3A_638 = arith.addi %mul3A_4, %add3A_637 : i32
    %dma_wait3A_639 = arith.constant 0 : i32
    %dma_wait3A_640 = tpu.memref_slice %arg4[%add3A_638, %dma_wait3A_639] : memref<16384x1024xf32, #tpu.memory_space<hbm>> -> memref<16x1024xf32, #tpu.memory_space<hbm>>
    %dma_wait3A_641 = arith.constant 0 : i32
    %dma_wait3A_642 = tpu.memref_slice %arg4[%add3A_638, %dma_wait3A_641] : memref<16384x1024xf32, #tpu.memory_space<hbm>> -> memref<16x1024xf32, #tpu.memory_space<hbm>>
    tpu.wait_dma2 semaphore(%arg20 : memref<!tpu.dma_semaphore, #tpu.memory_space<semaphore_mem>>) src(%arg6 : memref<16x1024xf32, #tpu.memory_space<vmem>>) dst(%dma_wait3A_642 : memref<16x1024xf32, #tpu.memory_space<hbm>>)
    %dma_start3A_643 = arith.constant 28 : i32
    %dma_start3A_644 = arith.constant 0 : i32
    %dma_start3A_645 = tpu.memref_slice %arg5[%dma_start3A_643, %dma_start3A_644] : memref<32x16xi32, #tpu.memory_space<vmem>> -> memref<1x16xi32, #tpu.memory_space<vmem>>
    %dma_start3A_646 = tpu.memref_squeeze %dma_start3A_645 : memref<1x16xi32, #tpu.memory_space<vmem>> -> memref<16xi32, #tpu.memory_space<vmem>>
    %dma_start3A_647 = arith.constant 0 : i32
    %dma_start3A_648 = arith.constant 0 : i32
    %dma_start3A_649 = tpu.memref_slice %arg3[%dma_start3A_647, %dma_start3A_648] : memref<100000x1024xf32, #tpu.memory_space<hbm>> -> memref<100000x1024xf32, #tpu.memory_space<hbm>>
    tpu.enqueue_indirect_dma source(%dma_start3A_649 : memref<100000x1024xf32, #tpu.memory_space<hbm>>) target(%arg6 : memref<16x1024xf32, #tpu.memory_space<vmem>>) offsets(%dma_start3A_646 : memref<16xi32, #tpu.memory_space<vmem>>) semaphore(%arg13 : memref<!tpu.dma_semaphore, #tpu.memory_space<semaphore_mem>>)
    %dma_wait3A_650 = arith.constant 24 : i32
    %dma_wait3A_651 = arith.constant 0 : i32
    %dma_wait3A_652 = tpu.memref_slice %arg5[%dma_wait3A_650, %dma_wait3A_651] : memref<32x16xi32, #tpu.memory_space<vmem>> -> memref<1x16xi32, #tpu.memory_space<vmem>>
    %dma_wait3A_653 = tpu.memref_squeeze %dma_wait3A_652 : memref<1x16xi32, #tpu.memory_space<vmem>> -> memref<16xi32, #tpu.memory_space<vmem>>
    %dma_wait3A_654 = arith.constant 0 : i32
    %dma_wait3A_655 = arith.constant 0 : i32
    %dma_wait3A_656 = tpu.memref_slice %arg3[%dma_wait3A_654, %dma_wait3A_655] : memref<100000x1024xf32, #tpu.memory_space<hbm>> -> memref<100000x1024xf32, #tpu.memory_space<hbm>>
    tpu.wait_indirect_dma semaphore(%arg16 : memref<!tpu.dma_semaphore, #tpu.memory_space<semaphore_mem>>) src(%dma_wait3A_656 : memref<100000x1024xf32, #tpu.memory_space<hbm>>) dst(%arg9 : memref<16x1024xf32, #tpu.memory_space<vmem>>)
    %add3A_657 = arith.constant 384 : i32
    %add3A_658 = arith.addi %mul3A_4, %add3A_657 : i32
    %dma_start3A_659 = arith.constant 0 : i32
    %dma_start3A_660 = tpu.memref_slice %arg4[%add3A_658, %dma_start3A_659] : memref<16384x1024xf32, #tpu.memory_space<hbm>> -> memref<16x1024xf32, #tpu.memory_space<hbm>>
    %dma_start3A_661 = arith.constant 0 : i32
    %dma_start3A_662 = tpu.memref_slice %arg4[%add3A_658, %dma_start3A_661] : memref<16384x1024xf32, #tpu.memory_space<hbm>> -> memref<16x1024xf32, #tpu.memory_space<hbm>>
    tpu.enqueue_dma source(%arg9 : memref<16x1024xf32, #tpu.memory_space<vmem>>) target(%dma_start3A_662 : memref<16x1024xf32, #tpu.memory_space<hbm>>) target_semaphore(%arg23 : memref<!tpu.dma_semaphore, #tpu.memory_space<semaphore_mem>>)
    %add3A_663 = arith.constant 352 : i32
    %add3A_664 = arith.addi %mul3A_4, %add3A_663 : i32
    %dma_wait3A_665 = arith.constant 0 : i32
    %dma_wait3A_666 = tpu.memref_slice %arg4[%add3A_664, %dma_wait3A_665] : memref<16384x1024xf32, #tpu.memory_space<hbm>> -> memref<16x1024xf32, #tpu.memory_space<hbm>>
    %dma_wait3A_667 = arith.constant 0 : i32
    %dma_wait3A_668 = tpu.memref_slice %arg4[%add3A_664, %dma_wait3A_667] : memref<16384x1024xf32, #tpu.memory_space<hbm>> -> memref<16x1024xf32, #tpu.memory_space<hbm>>
    tpu.wait_dma2 semaphore(%arg21 : memref<!tpu.dma_semaphore, #tpu.memory_space<semaphore_mem>>) src(%arg7 : memref<16x1024xf32, #tpu.memory_space<vmem>>) dst(%dma_wait3A_668 : memref<16x1024xf32, #tpu.memory_space<hbm>>)
    %dma_start3A_669 = arith.constant 29 : i32
    %dma_start3A_670 = arith.constant 0 : i32
    %dma_start3A_671 = tpu.memref_slice %arg5[%dma_start3A_669, %dma_start3A_670] : memref<32x16xi32, #tpu.memory_space<vmem>> -> memref<1x16xi32, #tpu.memory_space<vmem>>
    %dma_start3A_672 = tpu.memref_squeeze %dma_start3A_671 : memref<1x16xi32, #tpu.memory_space<vmem>> -> memref<16xi32, #tpu.memory_space<vmem>>
    %dma_start3A_673 = arith.constant 0 : i32
    %dma_start3A_674 = arith.constant 0 : i32
    %dma_start3A_675 = tpu.memref_slice %arg3[%dma_start3A_673, %dma_start3A_674] : memref<100000x1024xf32, #tpu.memory_space<hbm>> -> memref<100000x1024xf32, #tpu.memory_space<hbm>>
    tpu.enqueue_indirect_dma source(%dma_start3A_675 : memref<100000x1024xf32, #tpu.memory_space<hbm>>) target(%arg7 : memref<16x1024xf32, #tpu.memory_space<vmem>>) offsets(%dma_start3A_672 : memref<16xi32, #tpu.memory_space<vmem>>) semaphore(%arg14 : memref<!tpu.dma_semaphore, #tpu.memory_space<semaphore_mem>>)
    %dma_wait3A_676 = arith.constant 25 : i32
    %dma_wait3A_677 = arith.constant 0 : i32
    %dma_wait3A_678 = tpu.memref_slice %arg5[%dma_wait3A_676, %dma_wait3A_677] : memref<32x16xi32, #tpu.memory_space<vmem>> -> memref<1x16xi32, #tpu.memory_space<vmem>>
    %dma_wait3A_679 = tpu.memref_squeeze %dma_wait3A_678 : memref<1x16xi32, #tpu.memory_space<vmem>> -> memref<16xi32, #tpu.memory_space<vmem>>
    %dma_wait3A_680 = arith.constant 0 : i32
    %dma_wait3A_681 = arith.constant 0 : i32
    %dma_wait3A_682 = tpu.memref_slice %arg3[%dma_wait3A_680, %dma_wait3A_681] : memref<100000x1024xf32, #tpu.memory_space<hbm>> -> memref<100000x1024xf32, #tpu.memory_space<hbm>>
    tpu.wait_indirect_dma semaphore(%arg17 : memref<!tpu.dma_semaphore, #tpu.memory_space<semaphore_mem>>) src(%dma_wait3A_682 : memref<100000x1024xf32, #tpu.memory_space<hbm>>) dst(%arg10 : memref<16x1024xf32, #tpu.memory_space<vmem>>)
    %add3A_683 = arith.constant 400 : i32
    %add3A_684 = arith.addi %mul3A_4, %add3A_683 : i32
    %dma_start3A_685 = arith.constant 0 : i32
    %dma_start3A_686 = tpu.memref_slice %arg4[%add3A_684, %dma_start3A_685] : memref<16384x1024xf32, #tpu.memory_space<hbm>> -> memref<16x1024xf32, #tpu.memory_space<hbm>>
    %dma_start3A_687 = arith.constant 0 : i32
    %dma_start3A_688 = tpu.memref_slice %arg4[%add3A_684, %dma_start3A_687] : memref<16384x1024xf32, #tpu.memory_space<hbm>> -> memref<16x1024xf32, #tpu.memory_space<hbm>>
    tpu.enqueue_dma source(%arg10 : memref<16x1024xf32, #tpu.memory_space<vmem>>) target(%dma_start3A_688 : memref<16x1024xf32, #tpu.memory_space<hbm>>) target_semaphore(%arg24 : memref<!tpu.dma_semaphore, #tpu.memory_space<semaphore_mem>>)
    %add3A_689 = arith.constant 368 : i32
    %add3A_690 = arith.addi %mul3A_4, %add3A_689 : i32
    %dma_wait3A_691 = arith.constant 0 : i32
    %dma_wait3A_692 = tpu.memref_slice %arg4[%add3A_690, %dma_wait3A_691] : memref<16384x1024xf32, #tpu.memory_space<hbm>> -> memref<16x1024xf32, #tpu.memory_space<hbm>>
    %dma_wait3A_693 = arith.constant 0 : i32
    %dma_wait3A_694 = tpu.memref_slice %arg4[%add3A_690, %dma_wait3A_693] : memref<16384x1024xf32, #tpu.memory_space<hbm>> -> memref<16x1024xf32, #tpu.memory_space<hbm>>
    tpu.wait_dma2 semaphore(%arg22 : memref<!tpu.dma_semaphore, #tpu.memory_space<semaphore_mem>>) src(%arg8 : memref<16x1024xf32, #tpu.memory_space<vmem>>) dst(%dma_wait3A_694 : memref<16x1024xf32, #tpu.memory_space<hbm>>)
    %dma_start3A_695 = arith.constant 30 : i32
    %dma_start3A_696 = arith.constant 0 : i32
    %dma_start3A_697 = tpu.memref_slice %arg5[%dma_start3A_695, %dma_start3A_696] : memref<32x16xi32, #tpu.memory_space<vmem>> -> memref<1x16xi32, #tpu.memory_space<vmem>>
    %dma_start3A_698 = tpu.memref_squeeze %dma_start3A_697 : memref<1x16xi32, #tpu.memory_space<vmem>> -> memref<16xi32, #tpu.memory_space<vmem>>
    %dma_start3A_699 = arith.constant 0 : i32
    %dma_start3A_700 = arith.constant 0 : i32
    %dma_start3A_701 = tpu.memref_slice %arg3[%dma_start3A_699, %dma_start3A_700] : memref<100000x1024xf32, #tpu.memory_space<hbm>> -> memref<100000x1024xf32, #tpu.memory_space<hbm>>
    tpu.enqueue_indirect_dma source(%dma_start3A_701 : memref<100000x1024xf32, #tpu.memory_space<hbm>>) target(%arg8 : memref<16x1024xf32, #tpu.memory_space<vmem>>) offsets(%dma_start3A_698 : memref<16xi32, #tpu.memory_space<vmem>>) semaphore(%arg15 : memref<!tpu.dma_semaphore, #tpu.memory_space<semaphore_mem>>)
    %dma_wait3A_702 = arith.constant 26 : i32
    %dma_wait3A_703 = arith.constant 0 : i32
    %dma_wait3A_704 = tpu.memref_slice %arg5[%dma_wait3A_702, %dma_wait3A_703] : memref<32x16xi32, #tpu.memory_space<vmem>> -> memref<1x16xi32, #tpu.memory_space<vmem>>
    %dma_wait3A_705 = tpu.memref_squeeze %dma_wait3A_704 : memref<1x16xi32, #tpu.memory_space<vmem>> -> memref<16xi32, #tpu.memory_space<vmem>>
    %dma_wait3A_706 = arith.constant 0 : i32
    %dma_wait3A_707 = arith.constant 0 : i32
    %dma_wait3A_708 = tpu.memref_slice %arg3[%dma_wait3A_706, %dma_wait3A_707] : memref<100000x1024xf32, #tpu.memory_space<hbm>> -> memref<100000x1024xf32, #tpu.memory_space<hbm>>
    tpu.wait_indirect_dma semaphore(%arg18 : memref<!tpu.dma_semaphore, #tpu.memory_space<semaphore_mem>>) src(%dma_wait3A_708 : memref<100000x1024xf32, #tpu.memory_space<hbm>>) dst(%arg11 : memref<16x1024xf32, #tpu.memory_space<vmem>>)
    %add3A_709 = arith.constant 416 : i32
    %add3A_710 = arith.addi %mul3A_4, %add3A_709 : i32
    %dma_start3A_711 = arith.constant 0 : i32
    %dma_start3A_712 = tpu.memref_slice %arg4[%add3A_710, %dma_start3A_711] : memref<16384x1024xf32, #tpu.memory_space<hbm>> -> memref<16x1024xf32, #tpu.memory_space<hbm>>
    %dma_start3A_713 = arith.constant 0 : i32
    %dma_start3A_714 = tpu.memref_slice %arg4[%add3A_710, %dma_start3A_713] : memref<16384x1024xf32, #tpu.memory_space<hbm>> -> memref<16x1024xf32, #tpu.memory_space<hbm>>
    tpu.enqueue_dma source(%arg11 : memref<16x1024xf32, #tpu.memory_space<vmem>>) target(%dma_start3A_714 : memref<16x1024xf32, #tpu.memory_space<hbm>>) target_semaphore(%arg25 : memref<!tpu.dma_semaphore, #tpu.memory_space<semaphore_mem>>)
    %add3A_715 = arith.constant 384 : i32
    %add3A_716 = arith.addi %mul3A_4, %add3A_715 : i32
    %dma_wait3A_717 = arith.constant 0 : i32
    %dma_wait3A_718 = tpu.memref_slice %arg4[%add3A_716, %dma_wait3A_717] : memref<16384x1024xf32, #tpu.memory_space<hbm>> -> memref<16x1024xf32, #tpu.memory_space<hbm>>
    %dma_wait3A_719 = arith.constant 0 : i32
    %dma_wait3A_720 = tpu.memref_slice %arg4[%add3A_716, %dma_wait3A_719] : memref<16384x1024xf32, #tpu.memory_space<hbm>> -> memref<16x1024xf32, #tpu.memory_space<hbm>>
    tpu.wait_dma2 semaphore(%arg23 : memref<!tpu.dma_semaphore, #tpu.memory_space<semaphore_mem>>) src(%arg9 : memref<16x1024xf32, #tpu.memory_space<vmem>>) dst(%dma_wait3A_720 : memref<16x1024xf32, #tpu.memory_space<hbm>>)
    %dma_start3A_721 = arith.constant 31 : i32
    %dma_start3A_722 = arith.constant 0 : i32
    %dma_start3A_723 = tpu.memref_slice %arg5[%dma_start3A_721, %dma_start3A_722] : memref<32x16xi32, #tpu.memory_space<vmem>> -> memref<1x16xi32, #tpu.memory_space<vmem>>
    %dma_start3A_724 = tpu.memref_squeeze %dma_start3A_723 : memref<1x16xi32, #tpu.memory_space<vmem>> -> memref<16xi32, #tpu.memory_space<vmem>>
    %dma_start3A_725 = arith.constant 0 : i32
    %dma_start3A_726 = arith.constant 0 : i32
    %dma_start3A_727 = tpu.memref_slice %arg3[%dma_start3A_725, %dma_start3A_726] : memref<100000x1024xf32, #tpu.memory_space<hbm>> -> memref<100000x1024xf32, #tpu.memory_space<hbm>>
    tpu.enqueue_indirect_dma source(%dma_start3A_727 : memref<100000x1024xf32, #tpu.memory_space<hbm>>) target(%arg9 : memref<16x1024xf32, #tpu.memory_space<vmem>>) offsets(%dma_start3A_724 : memref<16xi32, #tpu.memory_space<vmem>>) semaphore(%arg16 : memref<!tpu.dma_semaphore, #tpu.memory_space<semaphore_mem>>)
    %dma_wait3A_728 = arith.constant 27 : i32
    %dma_wait3A_729 = arith.constant 0 : i32
    %dma_wait3A_730 = tpu.memref_slice %arg5[%dma_wait3A_728, %dma_wait3A_729] : memref<32x16xi32, #tpu.memory_space<vmem>> -> memref<1x16xi32, #tpu.memory_space<vmem>>
    %dma_wait3A_731 = tpu.memref_squeeze %dma_wait3A_730 : memref<1x16xi32, #tpu.memory_space<vmem>> -> memref<16xi32, #tpu.memory_space<vmem>>
    %dma_wait3A_732 = arith.constant 0 : i32
    %dma_wait3A_733 = arith.constant 0 : i32
    %dma_wait3A_734 = tpu.memref_slice %arg3[%dma_wait3A_732, %dma_wait3A_733] : memref<100000x1024xf32, #tpu.memory_space<hbm>> -> memref<100000x1024xf32, #tpu.memory_space<hbm>>
    tpu.wait_indirect_dma semaphore(%arg19 : memref<!tpu.dma_semaphore, #tpu.memory_space<semaphore_mem>>) src(%dma_wait3A_734 : memref<100000x1024xf32, #tpu.memory_space<hbm>>) dst(%arg12 : memref<16x1024xf32, #tpu.memory_space<vmem>>)
    %add3A_735 = arith.constant 432 : i32
    %add3A_736 = arith.addi %mul3A_4, %add3A_735 : i32
    %dma_start3A_737 = arith.constant 0 : i32
    %dma_start3A_738 = tpu.memref_slice %arg4[%add3A_736, %dma_start3A_737] : memref<16384x1024xf32, #tpu.memory_space<hbm>> -> memref<16x1024xf32, #tpu.memory_space<hbm>>
    %dma_start3A_739 = arith.constant 0 : i32
    %dma_start3A_740 = tpu.memref_slice %arg4[%add3A_736, %dma_start3A_739] : memref<16384x1024xf32, #tpu.memory_space<hbm>> -> memref<16x1024xf32, #tpu.memory_space<hbm>>
    tpu.enqueue_dma source(%arg12 : memref<16x1024xf32, #tpu.memory_space<vmem>>) target(%dma_start3A_740 : memref<16x1024xf32, #tpu.memory_space<hbm>>) target_semaphore(%arg26 : memref<!tpu.dma_semaphore, #tpu.memory_space<semaphore_mem>>)
    %dma_wait3A_741 = arith.constant 28 : i32
    %dma_wait3A_742 = arith.constant 0 : i32
    %dma_wait3A_743 = tpu.memref_slice %arg5[%dma_wait3A_741, %dma_wait3A_742] : memref<32x16xi32, #tpu.memory_space<vmem>> -> memref<1x16xi32, #tpu.memory_space<vmem>>
    %dma_wait3A_744 = tpu.memref_squeeze %dma_wait3A_743 : memref<1x16xi32, #tpu.memory_space<vmem>> -> memref<16xi32, #tpu.memory_space<vmem>>
    %dma_wait3A_745 = arith.constant 0 : i32
    %dma_wait3A_746 = arith.constant 0 : i32
    %dma_wait3A_747 = tpu.memref_slice %arg3[%dma_wait3A_745, %dma_wait3A_746] : memref<100000x1024xf32, #tpu.memory_space<hbm>> -> memref<100000x1024xf32, #tpu.memory_space<hbm>>
    tpu.wait_indirect_dma semaphore(%arg13 : memref<!tpu.dma_semaphore, #tpu.memory_space<semaphore_mem>>) src(%dma_wait3A_747 : memref<100000x1024xf32, #tpu.memory_space<hbm>>) dst(%arg6 : memref<16x1024xf32, #tpu.memory_space<vmem>>)
    %add3A_748 = arith.constant 448 : i32
    %add3A_749 = arith.addi %mul3A_4, %add3A_748 : i32
    %dma_start3A_750 = arith.constant 0 : i32
    %dma_start3A_751 = tpu.memref_slice %arg4[%add3A_749, %dma_start3A_750] : memref<16384x1024xf32, #tpu.memory_space<hbm>> -> memref<16x1024xf32, #tpu.memory_space<hbm>>
    %dma_start3A_752 = arith.constant 0 : i32
    %dma_start3A_753 = tpu.memref_slice %arg4[%add3A_749, %dma_start3A_752] : memref<16384x1024xf32, #tpu.memory_space<hbm>> -> memref<16x1024xf32, #tpu.memory_space<hbm>>
    tpu.enqueue_dma source(%arg6 : memref<16x1024xf32, #tpu.memory_space<vmem>>) target(%dma_start3A_753 : memref<16x1024xf32, #tpu.memory_space<hbm>>) target_semaphore(%arg20 : memref<!tpu.dma_semaphore, #tpu.memory_space<semaphore_mem>>)
    %dma_wait3A_754 = arith.constant 29 : i32
    %dma_wait3A_755 = arith.constant 0 : i32
    %dma_wait3A_756 = tpu.memref_slice %arg5[%dma_wait3A_754, %dma_wait3A_755] : memref<32x16xi32, #tpu.memory_space<vmem>> -> memref<1x16xi32, #tpu.memory_space<vmem>>
    %dma_wait3A_757 = tpu.memref_squeeze %dma_wait3A_756 : memref<1x16xi32, #tpu.memory_space<vmem>> -> memref<16xi32, #tpu.memory_space<vmem>>
    %dma_wait3A_758 = arith.constant 0 : i32
    %dma_wait3A_759 = arith.constant 0 : i32
    %dma_wait3A_760 = tpu.memref_slice %arg3[%dma_wait3A_758, %dma_wait3A_759] : memref<100000x1024xf32, #tpu.memory_space<hbm>> -> memref<100000x1024xf32, #tpu.memory_space<hbm>>
    tpu.wait_indirect_dma semaphore(%arg14 : memref<!tpu.dma_semaphore, #tpu.memory_space<semaphore_mem>>) src(%dma_wait3A_760 : memref<100000x1024xf32, #tpu.memory_space<hbm>>) dst(%arg7 : memref<16x1024xf32, #tpu.memory_space<vmem>>)
    %add3A_761 = arith.constant 464 : i32
    %add3A_762 = arith.addi %mul3A_4, %add3A_761 : i32
    %dma_start3A_763 = arith.constant 0 : i32
    %dma_start3A_764 = tpu.memref_slice %arg4[%add3A_762, %dma_start3A_763] : memref<16384x1024xf32, #tpu.memory_space<hbm>> -> memref<16x1024xf32, #tpu.memory_space<hbm>>
    %dma_start3A_765 = arith.constant 0 : i32
    %dma_start3A_766 = tpu.memref_slice %arg4[%add3A_762, %dma_start3A_765] : memref<16384x1024xf32, #tpu.memory_space<hbm>> -> memref<16x1024xf32, #tpu.memory_space<hbm>>
    tpu.enqueue_dma source(%arg7 : memref<16x1024xf32, #tpu.memory_space<vmem>>) target(%dma_start3A_766 : memref<16x1024xf32, #tpu.memory_space<hbm>>) target_semaphore(%arg21 : memref<!tpu.dma_semaphore, #tpu.memory_space<semaphore_mem>>)
    %dma_wait3A_767 = arith.constant 30 : i32
    %dma_wait3A_768 = arith.constant 0 : i32
    %dma_wait3A_769 = tpu.memref_slice %arg5[%dma_wait3A_767, %dma_wait3A_768] : memref<32x16xi32, #tpu.memory_space<vmem>> -> memref<1x16xi32, #tpu.memory_space<vmem>>
    %dma_wait3A_770 = tpu.memref_squeeze %dma_wait3A_769 : memref<1x16xi32, #tpu.memory_space<vmem>> -> memref<16xi32, #tpu.memory_space<vmem>>
    %dma_wait3A_771 = arith.constant 0 : i32
    %dma_wait3A_772 = arith.constant 0 : i32
    %dma_wait3A_773 = tpu.memref_slice %arg3[%dma_wait3A_771, %dma_wait3A_772] : memref<100000x1024xf32, #tpu.memory_space<hbm>> -> memref<100000x1024xf32, #tpu.memory_space<hbm>>
    tpu.wait_indirect_dma semaphore(%arg15 : memref<!tpu.dma_semaphore, #tpu.memory_space<semaphore_mem>>) src(%dma_wait3A_773 : memref<100000x1024xf32, #tpu.memory_space<hbm>>) dst(%arg8 : memref<16x1024xf32, #tpu.memory_space<vmem>>)
    %add3A_774 = arith.constant 480 : i32
    %add3A_775 = arith.addi %mul3A_4, %add3A_774 : i32
    %dma_start3A_776 = arith.constant 0 : i32
    %dma_start3A_777 = tpu.memref_slice %arg4[%add3A_775, %dma_start3A_776] : memref<16384x1024xf32, #tpu.memory_space<hbm>> -> memref<16x1024xf32, #tpu.memory_space<hbm>>
    %dma_start3A_778 = arith.constant 0 : i32
    %dma_start3A_779 = tpu.memref_slice %arg4[%add3A_775, %dma_start3A_778] : memref<16384x1024xf32, #tpu.memory_space<hbm>> -> memref<16x1024xf32, #tpu.memory_space<hbm>>
    tpu.enqueue_dma source(%arg8 : memref<16x1024xf32, #tpu.memory_space<vmem>>) target(%dma_start3A_779 : memref<16x1024xf32, #tpu.memory_space<hbm>>) target_semaphore(%arg22 : memref<!tpu.dma_semaphore, #tpu.memory_space<semaphore_mem>>)
    %dma_wait3A_780 = arith.constant 31 : i32
    %dma_wait3A_781 = arith.constant 0 : i32
    %dma_wait3A_782 = tpu.memref_slice %arg5[%dma_wait3A_780, %dma_wait3A_781] : memref<32x16xi32, #tpu.memory_space<vmem>> -> memref<1x16xi32, #tpu.memory_space<vmem>>
    %dma_wait3A_783 = tpu.memref_squeeze %dma_wait3A_782 : memref<1x16xi32, #tpu.memory_space<vmem>> -> memref<16xi32, #tpu.memory_space<vmem>>
    %dma_wait3A_784 = arith.constant 0 : i32
    %dma_wait3A_785 = arith.constant 0 : i32
    %dma_wait3A_786 = tpu.memref_slice %arg3[%dma_wait3A_784, %dma_wait3A_785] : memref<100000x1024xf32, #tpu.memory_space<hbm>> -> memref<100000x1024xf32, #tpu.memory_space<hbm>>
    tpu.wait_indirect_dma semaphore(%arg16 : memref<!tpu.dma_semaphore, #tpu.memory_space<semaphore_mem>>) src(%dma_wait3A_786 : memref<100000x1024xf32, #tpu.memory_space<hbm>>) dst(%arg9 : memref<16x1024xf32, #tpu.memory_space<vmem>>)
    %add3A_787 = arith.constant 496 : i32
    %add3A_788 = arith.addi %mul3A_4, %add3A_787 : i32
    %dma_start3A_789 = arith.constant 0 : i32
    %dma_start3A_790 = tpu.memref_slice %arg4[%add3A_788, %dma_start3A_789] : memref<16384x1024xf32, #tpu.memory_space<hbm>> -> memref<16x1024xf32, #tpu.memory_space<hbm>>
    %dma_start3A_791 = arith.constant 0 : i32
    %dma_start3A_792 = tpu.memref_slice %arg4[%add3A_788, %dma_start3A_791] : memref<16384x1024xf32, #tpu.memory_space<hbm>> -> memref<16x1024xf32, #tpu.memory_space<hbm>>
    tpu.enqueue_dma source(%arg9 : memref<16x1024xf32, #tpu.memory_space<vmem>>) target(%dma_start3A_792 : memref<16x1024xf32, #tpu.memory_space<hbm>>) target_semaphore(%arg23 : memref<!tpu.dma_semaphore, #tpu.memory_space<semaphore_mem>>)
    %add3A_793 = arith.constant 400 : i32
    %add3A_794 = arith.addi %mul3A_4, %add3A_793 : i32
    %dma_wait3A_795 = arith.constant 0 : i32
    %dma_wait3A_796 = tpu.memref_slice %arg4[%add3A_794, %dma_wait3A_795] : memref<16384x1024xf32, #tpu.memory_space<hbm>> -> memref<16x1024xf32, #tpu.memory_space<hbm>>
    %dma_wait3A_797 = arith.constant 0 : i32
    %dma_wait3A_798 = tpu.memref_slice %arg4[%add3A_794, %dma_wait3A_797] : memref<16384x1024xf32, #tpu.memory_space<hbm>> -> memref<16x1024xf32, #tpu.memory_space<hbm>>
    tpu.wait_dma2 semaphore(%arg24 : memref<!tpu.dma_semaphore, #tpu.memory_space<semaphore_mem>>) src(%arg10 : memref<16x1024xf32, #tpu.memory_space<vmem>>) dst(%dma_wait3A_798 : memref<16x1024xf32, #tpu.memory_space<hbm>>)
    %add3A_799 = arith.constant 416 : i32
    %add3A_800 = arith.addi %mul3A_4, %add3A_799 : i32
    %dma_wait3A_801 = arith.constant 0 : i32
    %dma_wait3A_802 = tpu.memref_slice %arg4[%add3A_800, %dma_wait3A_801] : memref<16384x1024xf32, #tpu.memory_space<hbm>> -> memref<16x1024xf32, #tpu.memory_space<hbm>>
    %dma_wait3A_803 = arith.constant 0 : i32
    %dma_wait3A_804 = tpu.memref_slice %arg4[%add3A_800, %dma_wait3A_803] : memref<16384x1024xf32, #tpu.memory_space<hbm>> -> memref<16x1024xf32, #tpu.memory_space<hbm>>
    tpu.wait_dma2 semaphore(%arg25 : memref<!tpu.dma_semaphore, #tpu.memory_space<semaphore_mem>>) src(%arg11 : memref<16x1024xf32, #tpu.memory_space<vmem>>) dst(%dma_wait3A_804 : memref<16x1024xf32, #tpu.memory_space<hbm>>)
    %add3A_805 = arith.constant 432 : i32
    %add3A_806 = arith.addi %mul3A_4, %add3A_805 : i32
    %dma_wait3A_807 = arith.constant 0 : i32
    %dma_wait3A_808 = tpu.memref_slice %arg4[%add3A_806, %dma_wait3A_807] : memref<16384x1024xf32, #tpu.memory_space<hbm>> -> memref<16x1024xf32, #tpu.memory_space<hbm>>
    %dma_wait3A_809 = arith.constant 0 : i32
    %dma_wait3A_810 = tpu.memref_slice %arg4[%add3A_806, %dma_wait3A_809] : memref<16384x1024xf32, #tpu.memory_space<hbm>> -> memref<16x1024xf32, #tpu.memory_space<hbm>>
    tpu.wait_dma2 semaphore(%arg26 : memref<!tpu.dma_semaphore, #tpu.memory_space<semaphore_mem>>) src(%arg12 : memref<16x1024xf32, #tpu.memory_space<vmem>>) dst(%dma_wait3A_810 : memref<16x1024xf32, #tpu.memory_space<hbm>>)
    %add3A_811 = arith.constant 448 : i32
    %add3A_812 = arith.addi %mul3A_4, %add3A_811 : i32
    %dma_wait3A_813 = arith.constant 0 : i32
    %dma_wait3A_814 = tpu.memref_slice %arg4[%add3A_812, %dma_wait3A_813] : memref<16384x1024xf32, #tpu.memory_space<hbm>> -> memref<16x1024xf32, #tpu.memory_space<hbm>>
    %dma_wait3A_815 = arith.constant 0 : i32
    %dma_wait3A_816 = tpu.memref_slice %arg4[%add3A_812, %dma_wait3A_815] : memref<16384x1024xf32, #tpu.memory_space<hbm>> -> memref<16x1024xf32, #tpu.memory_space<hbm>>
    tpu.wait_dma2 semaphore(%arg20 : memref<!tpu.dma_semaphore, #tpu.memory_space<semaphore_mem>>) src(%arg6 : memref<16x1024xf32, #tpu.memory_space<vmem>>) dst(%dma_wait3A_816 : memref<16x1024xf32, #tpu.memory_space<hbm>>)
    %add3A_817 = arith.constant 464 : i32
    %add3A_818 = arith.addi %mul3A_4, %add3A_817 : i32
    %dma_wait3A_819 = arith.constant 0 : i32
    %dma_wait3A_820 = tpu.memref_slice %arg4[%add3A_818, %dma_wait3A_819] : memref<16384x1024xf32, #tpu.memory_space<hbm>> -> memref<16x1024xf32, #tpu.memory_space<hbm>>
    %dma_wait3A_821 = arith.constant 0 : i32
    %dma_wait3A_822 = tpu.memref_slice %arg4[%add3A_818, %dma_wait3A_821] : memref<16384x1024xf32, #tpu.memory_space<hbm>> -> memref<16x1024xf32, #tpu.memory_space<hbm>>
    tpu.wait_dma2 semaphore(%arg21 : memref<!tpu.dma_semaphore, #tpu.memory_space<semaphore_mem>>) src(%arg7 : memref<16x1024xf32, #tpu.memory_space<vmem>>) dst(%dma_wait3A_822 : memref<16x1024xf32, #tpu.memory_space<hbm>>)
    %add3A_823 = arith.constant 480 : i32
    %add3A_824 = arith.addi %mul3A_4, %add3A_823 : i32
    %dma_wait3A_825 = arith.constant 0 : i32
    %dma_wait3A_826 = tpu.memref_slice %arg4[%add3A_824, %dma_wait3A_825] : memref<16384x1024xf32, #tpu.memory_space<hbm>> -> memref<16x1024xf32, #tpu.memory_space<hbm>>
    %dma_wait3A_827 = arith.constant 0 : i32
    %dma_wait3A_828 = tpu.memref_slice %arg4[%add3A_824, %dma_wait3A_827] : memref<16384x1024xf32, #tpu.memory_space<hbm>> -> memref<16x1024xf32, #tpu.memory_space<hbm>>
    tpu.wait_dma2 semaphore(%arg22 : memref<!tpu.dma_semaphore, #tpu.memory_space<semaphore_mem>>) src(%arg8 : memref<16x1024xf32, #tpu.memory_space<vmem>>) dst(%dma_wait3A_828 : memref<16x1024xf32, #tpu.memory_space<hbm>>)
    %add3A_829 = arith.constant 496 : i32
    %add3A_830 = arith.addi %mul3A_4, %add3A_829 : i32
    %dma_wait3A_831 = arith.constant 0 : i32
    %dma_wait3A_832 = tpu.memref_slice %arg4[%add3A_830, %dma_wait3A_831] : memref<16384x1024xf32, #tpu.memory_space<hbm>> -> memref<16x1024xf32, #tpu.memory_space<hbm>>
    %dma_wait3A_833 = arith.constant 0 : i32
    %dma_wait3A_834 = tpu.memref_slice %arg4[%add3A_830, %dma_wait3A_833] : memref<16384x1024xf32, #tpu.memory_space<hbm>> -> memref<16x1024xf32, #tpu.memory_space<hbm>>
    tpu.wait_dma2 semaphore(%arg23 : memref<!tpu.dma_semaphore, #tpu.memory_space<semaphore_mem>>) src(%arg9 : memref<16x1024xf32, #tpu.memory_space<vmem>>) dst(%dma_wait3A_834 : memref<16x1024xf32, #tpu.memory_space<hbm>>)
    return
  }
}

</mosaic_0001>

<sc_bundles>
// kernel: kernel.3.cloned.1.call-start
scs
__scs_entry_jumppad:
0x0: {  	(pc) =	sbr.rel $0x88, $3  }
0x1: {  	(tag) =	ssettag $0x0;
	lr =	simm.s32 $0x1  }
0x2: {  	[smem:$0x3F9F] =	sst lr;
	_ =	strace $0xD0000000  }
0x3: {  	_ = 	snop  }
0x4: {  	_ = 	snop  }
0x5: {  	_ = 	snop  }
0x6: {  	_ = 	snop  }
0x7: {  	_ = 	snop  }
__scs_overlays_trampoline_lowered:
0x8: {  	[smem:$0x3FAE] =	sst s0  }
0x9: {  	[smem:$0x3FAF] =	sst s1  }
0xa: {  	[smem:$0x3FB0] =	sst s2  }
0xb: {  	[smem:$0x3FB1] =	sst s3  }
0xc: {  	[smem:$0x3FB2] =	sst s4  }
0xd: {  	[smem:$0x3FB3] =	sst s5  }
0xe: {  	[smem:$0x3FB4] =	sst s6  }
0xf: {  	[smem:$0x3FB5] =	sst s7  }
0x10: {  	[smem:$0x3FB6] =	sst s8  }
0x11: {  	[smem:$0x3FB7] =	sst s9;
	s0 =	simm.s32 @!p0 $0x0  }
0x12: {  	s1 =	sld [smem:$0x3F9D];
	s0 =	simm.s32 @p0 $0x1  }
0x13: {  	[smem:$0x3FB8] =	sst s0;
	s0 =	simm.s32 @!p1 $0x0  }
0x14: {  	s2 =	sld [smem:$0x3F9C];
	s0 =	simm.s32 @p1 $0x1  }
0x15: {  	[smem:$0x3FB9] =	sst s0;
	s0 =	simm.s32 @!p2 $0x0  }
0x16: {  	s3 =	sld [smem:$0x3FDB];
	s0 =	simm.s32 @p2 $0x1  }
0x17: {  	s4 =	simm.s32 $0x1BF5;
	[smem:$0x3FBB] =	sst s0  }
0x18: {  	s0 =	sld [smem:$0x3F9E];
	_ =	swait.ge [sflag:s4], $0x0  }
0x19: {  	s7 =	sld [smem:$0x3F9F]  }
0x1a: {  	s8 =	sadd.s32 $0xFFFFE003, lr  }
0x1b: {  	s9 =	sadd.s32 $0xFFFFFEF7, lr;
	s5 =	simm.s32 $0xFFFFFFFF;
	p2 =	slt.u32 s8, $0xFFFFF086  }
0x1c: {  	p1 =	slt.u32 s9, $0xF7A;
	s5 =	simm.s32 @!p2 $0x0  }
0x1d: {  	s5 =	simm.s32 @p1 $0x1;
	p0 =	seq.s32 s7, s2  }
0x1e: {  	s7 =	smul.u32 @!p0 $0xF7A, s2;
	p2 =	seq.s32 @!p0 s5, $0x0  }
0x1f: {  	s9 =	smul.u32 $0xF7A, s1;
	s8 =	simm.s32 @!p0 $0x1BF5;
	p2 =	por !p2, p0  }
0x20: {  	[sflag:s8] =	ssyncset.s32 @!p0 $0xFFFFF086;
	s6 =	sadd.s32 @!p0 s3, s7;
	s7 =	simm.s32 @!p0 $0x108  }
0x21: {  	s3 =	sadd.s32 s3, s9;
	s6 =	sadd.s32 @!p0 $0x88, s6;
	s7 =	simm.s32 @p2 $0x1082  }
0x22: {  	[simem:s7], [sflag:s8] =	dma.local @!p0 [hbm:s6], $0xF7A  }
0x23: {  	s9 =	sor.u32 $0xD0000000, s2;
	s6 =	simm.s32 $0x108;
	_ =	swait.ge @!p0 [sflag:s8], $0x0  }
0x24: {  	s3 =	sadd.s32 $0x88, s3;
	s6 =	simm.s32 @!p1 $0x1082;
	[sflag:s4] =	ssyncset.s32 $0xFFFFF086  }
0x25: {  	[simem:s6], [sflag:s4] =	dma.local [hbm:s3], $0xF7A  }
0x26: {  	[smem:$0x3F9F] =	sst s1;
	(tag) =	ssettag s2;
	_ =	strace s9  }
0x27: {  	s1 =	sld [smem:$0x3FAF]  }
0x28: {  	s2 =	sld [smem:$0x3FB0]  }
0x29: {  	s4 =	sld [smem:$0x3FB2]  }
0x2a: {  	p0 =	seq.s32 s5, $0x0;
	s5 =	sld [smem:$0x3FB3]  }
0x2b: {  	s6 =	sld [smem:$0x3FB4]  }
0x2c: {  	s7 =	sld [smem:$0x3FB5]  }
0x2d: {  	s3 =	simm.s32 $0x108;
	s8 =	sld [smem:$0x3FB6]  }
0x2e: {  	s3 =	simm.s32 @!p0 $0x1082;
	s9 =	sld [smem:$0x3FB7]  }
0x2f: {  	lr =	sadd.s32 s0, s3;
	s0 =	sld [smem:$0x3FAE]  }
0x30: {  	s3 =	sld [smem:$0x3FB1]  }
0x31: {  	[smem:$0x3FBA] =	sst s10  }
0x32: {  	s10 =	sld [smem:$0x3FB8];
	_ =	sdelay $0x3  }
0x33: {  	p0 =	seq.s32 s10, $0x1;
	s10 =	sld [smem:$0x3FBA];
	_ =	sdelay $0x3  }
0x34: {  	[smem:$0x3FBA] =	sst s10  }
0x35: {  	s10 =	sld [smem:$0x3FB9];
	_ =	sdelay $0x3  }
0x36: {  	p1 =	seq.s32 s10, $0x1;
	s10 =	sld [smem:$0x3FBA];
	_ =	sdelay $0x3  }
0x37: {  	[smem:$0x3FBA] =	sst s10  }
0x38: {  	s10 =	sld [smem:$0x3FBB]  }
0x39: {  	_ = 	snop;
	(pc) =	sbr.ind lr, $3  }
0x3a: {  	_ = 	snop  }
0x3b: {  	_ = 	snop  }
0x3c: {  	p2 =	seq.s32 s10, $0x1;
	s10 =	sld [smem:$0x3FBA]  }
0x3d: {  	_ =	shalt  }
0x3e: {  	_ =	shalt  }
0x3f: {  	_ =	shalt  }
0x40: {  	_ =	shalt  }
0x41: {  	_ =	shalt  }
0x42: {  	_ =	shalt  }
0x43: {  	_ =	shalt  }
0x44: {  	_ =	shalt  }
0x45: {  	_ =	shalt  }
0x46: {  	_ =	shalt  }
0x47: {  	_ =	shalt  }
0x48: {  	_ =	shalt  }
0x49: {  	_ =	shalt  }
0x4a: {  	_ =	shalt  }
0x4b: {  	_ =	shalt  }
0x4c: {  	_ =	shalt  }
0x4d: {  	_ =	shalt  }
0x4e: {  	_ =	shalt  }
0x4f: {  	_ =	shalt  }
0x50: {  	_ =	shalt  }
0x51: {  	_ =	shalt  }
0x52: {  	_ =	shalt  }
0x53: {  	_ =	shalt  }
0x54: {  	_ =	shalt  }
0x55: {  	_ =	shalt  }
0x56: {  	_ =	shalt  }
0x57: {  	_ =	shalt  }
0x58: {  	_ =	shalt  }
0x59: {  	_ =	shalt  }
0x5a: {  	_ =	shalt  }
0x5b: {  	_ =	shalt  }
0x5c: {  	_ =	shalt  }
0x5d: {  	_ =	shalt  }
0x5e: {  	_ =	shalt  }
0x5f: {  	_ =	shalt  }
0x60: {  	_ =	shalt  }
0x61: {  	_ =	shalt  }
0x62: {  	_ =	shalt  }
0x63: {  	_ =	shalt  }
0x64: {  	_ =	shalt  }
0x65: {  	_ =	shalt  }
0x66: {  	_ =	shalt  }
0x67: {  	_ =	shalt  }
0x68: {  	_ =	shalt  }
0x69: {  	_ =	shalt  }
0x6a: {  	_ =	shalt  }
0x6b: {  	_ =	shalt  }
0x6c: {  	_ =	shalt  }
0x6d: {  	_ =	shalt  }
0x6e: {  	_ =	shalt  }
0x6f: {  	_ =	shalt  }
0x70: {  	_ =	shalt  }
0x71: {  	_ =	shalt  }
0x72: {  	_ =	shalt  }
0x73: {  	_ =	shalt  }
0x74: {  	_ =	shalt  }
0x75: {  	_ =	shalt  }
0x76: {  	_ =	shalt  }
0x77: {  	_ =	shalt  }
0x78: {  	_ =	shalt  }
0x79: {  	_ =	shalt  }
0x7a: {  	_ =	shalt  }
0x7b: {  	_ =	shalt  }
0x7c: {  	_ =	shalt  }
0x7d: {  	_ =	shalt  }
0x7e: {  	_ =	shalt  }
0x7f: {  	_ =	shalt  }
0x80: {  	_ =	shalt  }
0x81: {  	_ =	shalt  }
0x82: {  	_ =	shalt  }
0x83: {  	_ =	shalt  }
0x84: {  	_ =	shalt  }
0x85: {  	_ =	shalt  }
0x86: {  	_ =	shalt  }
0x87: {  	_ =	shalt  }
.Lfunc_end0:
.L_simem_size_0:
called_computation_lowered:
.L_overlay_start_0:
0x88: {  	s2 =	sld [smem:$0x3FD9]  }
0x89: {  	s3 =	sld [smem:$0x3FFE];
	_ =	sdelay $0x1  }
0x8a: {  	s1 =	srdreg.scid  }
0x8b: {  	s0 =	sand.u32 $0x1, s1  }
0x8c: {  	s17 =	sshll.u32 s0, $0xA;
	s2 =	sadd.s32 s3, s2  }
0x8d: {  	s2 =	sadd.s32 s2, s17  }
0x8e: {  	[smem:$0x3FC6] =	sst s2  }
0x8f: {  	_ = 	snop  }
0x90: {  	s2 =	sld [smem:$0x3FC8]  }
0x91: {  	s18 =	sld [smem:$0x3FD0];
	(tm) =	ssettm $0x1  }
0x92: {  	s4 =	sld [smem:$0x3FFB];
	_ =	sdelay $0x3  }
0x93: {  	_ =	strace s4  }
0x94: {  	s4 =	sld [smem:$0x3FFC];
	_ =	sdelay $0x3  }
0x95: {  	_ =	strace s4  }
0x96: {  	s4 =	sld [smem:$0x3FFD];
	_ =	sdelay $0x3  }
0x97: {  	_ =	strace s4  }
0x98: {  	_ =	strace $0x8FFFFFFF  }
0x99: {  	s19 =	sld [smem:$0x3FDB];
	_ =	sdelay $0x1  }
0x9a: {  	s5 =	simm.s32 $_scs_section_size  }
0x9b: {  	s6 =	simm.s32 $_size__tile_overlayer_lowered;
	s7 =	simm.s32 $_tile_overlayer_lowered  }
0x9c: {  	s22 =	simm.s32 $0x1BFF;
	s21 =	sshll.u32 s7, $0x1;
	s4 =	sadd.s32 s5, s19  }
0x9d: {  	s8 =	simm.s32 $0x0;
	s20 =	sshll.u32 s6, $0x1;
	s6 =	sadd.s32 s21, s4  }
0x9e: {  	[timem:s8], [sflag:s22] =	dma.local [hbm:s6], s20  }
0x9f: {  	_ =	swait.ge [sflag:s22], s20  }
0xa0: {  	s5 =	ssub.s32 $0x0, s20;
	[sflag:s22] =	ssyncset.done $0x0  }
0xa1: {  	[sflag:s22] =	ssyncadd.s32 s5;
	_ =	sdelay $0x1  }
0xa2: {  	s23 =	simm.s32 $0x1B8B  }
0xa3: {  	_ =	swait.ge [sflag:s23], $0x1  }
0xa4: {  	[sflag:s23] =	ssyncset.done $0x0  }
0xa5: {  	s25 =	simm.s32 $0x1B8E;
	s24 =	sld [smem:$0x3FFE];
	[sflag:s23] =	ssyncadd.s32 $0xFFFFFFFF  }
0xa6: {  	s26 =	simm.s32 $execute0_lowered;
	[smem:$0x3FD2] =	sst s25  }
0xa7: {  	s6 =	sshll.u32 s26, $0x1;
	_ =	strace $0x80000046;
	[dreg:$0x1] =	wrdreg $0xFFFFFFFF  }
0xa8: {  	s28 =	simm.s32 $_size_execute0_lowered;
	s4 =	sadd.s32 s4, s6;
	[dreg:$0x0] =	wrdreg $0x0  }
0xa9: {  	s6 =	sshll.u32 s28, $0x1;
	[dreg:$0x2] =	wrdreg s4  }
0xaa: {  	[dreg:$0x3] =	wrdreg s6  }
0xab: {  	[dreg:$0x4] =	wrdreg $0xC0  }
0xac: {  	_ =	task [dreg:s8], $0x5FFFF  }
0xad: {  	[dreg:$0x1] =	wrdreg $0xFFFFFFFF  }
0xae: {  	[dreg:$0x0] =	wrdreg $0x60  }
0xaf: {  	[dreg:$0x2] =	wrdreg s24  }
0xb0: {  	[dreg:$0x3] =	wrdreg s2  }
0xb1: {  	[dreg:$0x4] =	wrdreg s18  }
0xb2: {  	[dreg:$0x5] =	wrdreg $0x9  }
0xb3: {  	_ =	task.clear_ibuf [dreg:s8], $0x6FFFF;
	_ =	strace $0x90000046  }
0xb4: {  	s29 =	simm.s32 $0x9;
	_ =	strace $0x80000048  }
0xb5: {  	_ =	swait.ge [sflag:s29], $0x1  }
0xb6: {  	[sflag:s29] =	ssyncadd.s32 $0xFFFFFFFF  }
0xb7: {  	_ =	strace $0x90000048  }
0xb8: {  	_ =	sfence  }
0xb9: {  	s30 =	sld [smem:$0x0];
	_ =	sdelay $0x2  }
0xba: {  	s31 =	sshll.u32 s1, $0xD;
	s1 =	sshrl.u32 s1, $0x2  }
0xbb: {  	s3 =	sand.u32 $0x4000, s31;
	s1 =	sadd.s32 s1, s30  }
0xbc: {  	s0 =	sor.u32 s3, s0;
	s1 =	sshll.u32 s1, $0x11  }
0xbd: {  	s0 =	sor.u32 s1, s0  }
0xbe: {  	s0 =	sadd.s32 $0x8F2B, s0  }
0xbf: {  	[sflag:s0] =	ssyncadd.remote.s32 $0x1  }
0xc0: {  	_ =	sfence.sel $0xFFFF  }
0xc1: {  	[dreg:$0x0] =	wrdreg $0xFFFFFFFF;
	(pc) =	sbr.abs _section_cstart, $3  }
0xc2: {  	[dreg:$0x1] =	wrdreg $0xFFFFFFFF  }
0xc3: {  	_ =	task.clear_ibuf [dreg:s8], $0x2FFFF;
	_ =	strace $0x9FFFFFFF  }
0xc4: {  	(tm) =	ssettm $0x7FFFFFFF  }
0xc5: {  	_ =	shalt  }
tec
execute0_lowered:
.L_overlay_start_1:
0x0: {  	(tag) =	ssettag $0x1  }
0x1: {  	s1 =	rddreg [dreg:$0x0]  }
0x2: {  	s0 =	srdreg.scid;
	s3 =	stileid.u32  }
0x3: {  	s2 =	rddreg [dreg:$0x1];
	s0 =	sand.u32 $0x1, s0;
	s3 =	sshll.u32 s3, $0x1  }
0x4: {  	s4 =	rddreg [dreg:$0x2];
	s5 =	sor.u32 s0, s3  }
0x5: {  	s3 =	simm.s32 $0x0;
	s6 =	sshll.u32 s5, $0x9;
	s5 =	sshll.u32 s5, $0x10  }
0x6: {  	[smem:$0x7FF] =	sst s3;
	s1 =	sadd.s32 s6, s1;
	s6 =	sadd.s32 s4, s5  }
0x7: {  	_ =	strace $0x80000047;
	s1 =	sadd.s32 $0x400, s1;
	[smem:$0x7FC] =	sst s6  }
0x8: {  	s19 =	sadd.s32 $0x800, s6;
	[dreg:$0x4] =	wrdreg s1  }
0x9: {  	s20 =	sadd.s32 $0x1000, s6;
	[dreg:$0x5] =	wrdreg s19  }
0xa: {  	s21 =	sadd.s32 $0x1800, s6;
	[dreg:$0x6] =	wrdreg s20  }
0xb: {  	s22 =	sadd.s32 $0x2000, s6;
	[dreg:$0x7] =	wrdreg s21  }
0xc: {  	s23 =	sadd.s32 $0x2800, s6;
	[dreg:$0x8] =	wrdreg s22  }
0xd: {  	s24 =	sadd.s32 $0x3000, s6;
	[dreg:$0x9] =	wrdreg s23  }
0xe: {  	s25 =	sadd.s32 $0x3800, s6;
	[dreg:$0xa] =	wrdreg s24  }
0xf: {  	s26 =	sadd.s32 $0x4000, s6;
	[dreg:$0xb] =	wrdreg s25  }
0x10: {  	s30 =	sadd.s32 $0x4800, s6;
	[dreg:$0xc] =	wrdreg s26  }
0x11: {  	s4 =	sadd.s32 $0x5000, s6;
	[dreg:$0xd] =	wrdreg s30  }
0x12: {  	s5 =	sadd.s32 $0x5800, s6;
	[dreg:$0xe] =	wrdreg s4  }
0x13: {  	s7 =	sadd.s32 $0x6000, s6;
	[dreg:$0xf] =	wrdreg s5  }
0x14: {  	s8 =	sadd.s32 $0x6800, s6;
	[dreg:$0x10] =	wrdreg s7  }
0x15: {  	s9 =	sadd.s32 $0x7000, s6;
	[dreg:$0x11] =	wrdreg s8  }
0x16: {  	s10 =	sadd.s32 $0x7800, s6;
	[dreg:$0x12] =	wrdreg s9  }
0x17: {  	s11 =	sadd.s32 $0x8000, s6;
	[dreg:$0x13] =	wrdreg s10  }
0x18: {  	s12 =	sadd.s32 $0x8800, s6;
	[dreg:$0x14] =	wrdreg s11  }
0x19: {  	s13 =	sadd.s32 $0x9000, s6;
	[dreg:$0x15] =	wrdreg s12  }
0x1a: {  	s14 =	sadd.s32 $0x9800, s6;
	[dreg:$0x16] =	wrdreg s13  }
0x1b: {  	s15 =	sadd.s32 $0xA000, s6;
	[dreg:$0x17] =	wrdreg s14  }
0x1c: {  	s16 =	sadd.s32 $0xA800, s6;
	[dreg:$0x18] =	wrdreg s15  }
0x1d: {  	s17 =	sadd.s32 $0xB000, s6;
	[dreg:$0x19] =	wrdreg s16  }
0x1e: {  	s18 =	sadd.s32 $0xB800, s6;
	[dreg:$0x1a] =	wrdreg s17  }
0x1f: {  	[dreg:$0x1b] =	wrdreg s18;
	s19 =	sadd.s32 $0xC000, s6  }
0x20: {  	s28 =	simm.s32 $0x4;
	s20 =	sadd.s32 $0xC800, s6;
	[dreg:$0x1c] =	wrdreg s19  }
0x21: {  	s29 =	simm.s32 $0x9;
	s21 =	sadd.s32 $0xD000, s6;
	[dreg:$0x1d] =	wrdreg s20  }
0x22: {  	s31 =	simm.s32 $0xA;
	s22 =	sadd.s32 $0xD800, s6;
	[dreg:$0x1e] =	wrdreg s21  }
0x23: {  	s0 =	ssub.s32 $0x2, s0;
	s23 =	sadd.s32 $0xE000, s6;
	[dreg:$0x1f] =	wrdreg s22  }
0x24: {  	s24 =	sshrl.u32 s0, $0x1;
	s25 =	sadd.s32 $0xE800, s6;
	[smem:$0x7F9] =	sst s23  }
0x25: {  	s26 =	sadd.s32 $0xF000, s6;
	s5 =	sadd.s32 $0x100, s2;
	[smem:$0x7FA] =	sst s25  }
0x26: {  	s30 =	sadd.s32 $0xF800, s6;
	s6 =	sadd.s32 $0x200, s2;
	[smem:$0x7FB] =	sst s26  }
0x27: {  	v2 =	vlaneseq.u32;
	s7 =	sadd.s32 $0x300, s2;
	s0 =	ssub.s32 s0, s24;
	[smem:$0x7FD] =	sst s30  }
0x28: {  	vm0 =	vmmov $0xffff;
	v1 =	vshrl.u32 v2, $0x3;
	s20 =	simm.s32 $0x1;
	s22 =	simm.s32 $0x2;
	s24 =	simm.s32 $0x3  }
0x29: {  	v0 =	vand.u32 $0x7, v2;
	v2 =	vor.u32 $0x8, v2;
	v1 =	vmul.u32 $0x8, v1;
	s25 =	simm.s32 $0x8;
	s1 =	smax.u32 s0, $0x1;
	s0 =	simm.s32 $0xB  }
.LBB2_1:
0x2a: {  	[smem:$0x7F8] =	sst s1  }
0x2b: {  	s14 =	rddreg [dreg:$0x4];
	s12 =	simm.s32 $0xF  }
0x2c: {  	[tilespmem:s3], [sflag:$0xF] =	stream.linear.gather [hbm4b:s14+s3], $0x1000, $0x38;
	[tilespmem:$0x1D000] =	vst v63  }
0x2d: {  	_ =	swait.ge [sflag:s12], $0x1000  }
0x2e: {  	[sflag:s12] =	ssyncset.done $0x0  }
0x2f: {  	[sflag:s12] =	ssyncadd.s32 $0xFFFFF000  }
0x30: {  	v3 =	vld [tilespmem:$0x0];
	_ =	sdelay $0x4  }
0x31: {  	v4 =	vshll.u32 v3, $0x3  }
0x32: {  	v3 =	vand.u32 $0x7, v3;
	v4 =	vand.u32 $0xFFFFFFC0, v4  }
0x33: {  	v3 =	vor.u32 v3, v4  }
0x34: {  	v4 =	vperm.xlane v3, v0;
	_ =	sdelay $0x1  }
0x35: {  	v4 =	vadd.s32 v1, v4;
	_ =	sdelay $0x3  }
0x36: {  	s4 =	simm.s32 $0x1000  }
0x37: {  	[tilespmem:s4], [sflag:$0x1] =	stream.indirect_vreg.gather [hbm4b:s2+s3], $0x80, v4, vm0, $0xb8;
	[tilespmem:$0x1D000] =	vst v63  }
0x38: {  	s13 =	simm.s32 $0x1800;
	v3 =	vperm.xlane v3, v2  }
0x39: {  	[tilespmem:s13], [sflag:$0x1] =	stream.indirect_vreg.gather [hbm4b:s5+s3], $0x80, v4, vm0, $0xb8;
	[tilespmem:$0x1D000] =	vst v63  }
0x3a: {  	s14 =	simm.s32 $0x2000;
	v3 =	vadd.s32 v1, v3  }
0x3b: {  	[tilespmem:s14], [sflag:$0x1] =	stream.indirect_vreg.gather [hbm4b:s6+s3], $0x80, v4, vm0, $0xb8;
	[tilespmem:$0x1D000] =	vst v63  }
0x3c: {  	s15 =	simm.s32 $0x2800  }
0x3d: {  	[tilespmem:s15], [sflag:$0x1] =	stream.indirect_vreg.gather [hbm4b:s7+s3], $0x80, v4, vm0, $0xb8;
	[tilespmem:$0x1D000] =	vst v63  }
0x3e: {  	s16 =	simm.s32 $0x3000  }
0x3f: {  	[tilespmem:s16], [sflag:$0x1] =	stream.indirect_vreg.gather [hbm4b:s2+s3], $0x80, v3, vm0, $0xb8;
	[tilespmem:$0x1D000] =	vst v63  }
0x40: {  	s17 =	simm.s32 $0x3800  }
0x41: {  	[tilespmem:s17], [sflag:$0x1] =	stream.indirect_vreg.gather [hbm4b:s5+s3], $0x80, v3, vm0, $0xb8;
	[tilespmem:$0x1D000] =	vst v63  }
0x42: {  	s18 =	simm.s32 $0x4000  }
0x43: {  	[tilespmem:s18], [sflag:$0x1] =	stream.indirect_vreg.gather [hbm4b:s6+s3], $0x80, v3, vm0, $0xb8;
	[tilespmem:$0x1D000] =	vst v63  }
0x44: {  	s19 =	simm.s32 $0x4800  }
0x45: {  	[tilespmem:s19], [sflag:$0x1] =	stream.indirect_vreg.gather [hbm4b:s7+s3], $0x80, v3, vm0, $0xb8;
	[tilespmem:$0x1D000] =	vst v63  }
0x46: {  	v3 =	vld [tilespmem:$0x80];
	_ =	sdelay $0x4  }
0x47: {  	v33 =	vshll.u32 v3, $0x3  }
0x48: {  	v3 =	vand.u32 $0x7, v3;
	v4 =	vand.u32 $0xFFFFFFC0, v33  }
0x49: {  	v3 =	vor.u32 v3, v4  }
0x4a: {  	v4 =	vperm.xlane v3, v0;
	_ =	sdelay $0x1  }
0x4b: {  	v4 =	vadd.s32 v1, v4;
	_ =	sdelay $0x3  }
0x4c: {  	s21 =	simm.s32 $0x5000  }
0x4d: {  	[tilespmem:s21], [sflag:$0x2] =	stream.indirect_vreg.gather [hbm4b:s2+s3], $0x80, v4, vm0, $0xb8;
	[tilespmem:$0x1D000] =	vst v63  }
0x4e: {  	s23 =	simm.s32 $0x5800;
	v3 =	vperm.xlane v3, v2  }
0x4f: {  	[tilespmem:s23], [sflag:$0x2] =	stream.indirect_vreg.gather [hbm4b:s5+s3], $0x80, v4, vm0, $0xb8;
	[tilespmem:$0x1D000] =	vst v63  }
0x50: {  	s26 =	simm.s32 $0x6000;
	v3 =	vadd.s32 v1, v3  }
0x51: {  	[tilespmem:s26], [sflag:$0x2] =	stream.indirect_vreg.gather [hbm4b:s6+s3], $0x80, v4, vm0, $0xb8;
	[tilespmem:$0x1D000] =	vst v63  }
0x52: {  	s30 =	simm.s32 $0x6800  }
0x53: {  	[tilespmem:s30], [sflag:$0x2] =	stream.indirect_vreg.gather [hbm4b:s7+s3], $0x80, v4, vm0, $0xb8;
	[tilespmem:$0x1D000] =	vst v63  }
0x54: {  	s1 =	simm.s32 $0x7000  }
0x55: {  	[tilespmem:s1], [sflag:$0x2] =	stream.indirect_vreg.gather [hbm4b:s2+s3], $0x80, v3, vm0, $0xb8;
	[tilespmem:$0x1D000] =	vst v63  }
0x56: {  	s8 =	simm.s32 $0x7800  }
0x57: {  	[tilespmem:s8], [sflag:$0x2] =	stream.indirect_vreg.gather [hbm4b:s5+s3], $0x80, v3, vm0, $0xb8;
	[tilespmem:$0x1D000] =	vst v63  }
0x58: {  	s10 =	simm.s32 $0x8000  }
0x59: {  	[tilespmem:s10], [sflag:$0x2] =	stream.indirect_vreg.gather [hbm4b:s6+s3], $0x80, v3, vm0, $0xb8;
	[tilespmem:$0x1D000] =	vst v63  }
0x5a: {  	s14 =	simm.s32 $0x8800  }
0x5b: {  	[tilespmem:s14], [sflag:$0x2] =	stream.indirect_vreg.gather [hbm4b:s7+s3], $0x80, v3, vm0, $0xb8;
	[tilespmem:$0x1D000] =	vst v63  }
0x5c: {  	v3 =	vld [tilespmem:$0x100];
	_ =	sdelay $0x4  }
0x5d: {  	v34 =	vshll.u32 v3, $0x3  }
0x5e: {  	v3 =	vand.u32 $0x7, v3;
	v4 =	vand.u32 $0xFFFFFFC0, v34  }
0x5f: {  	v3 =	vor.u32 v3, v4  }
0x60: {  	v4 =	vperm.xlane v3, v0;
	_ =	sdelay $0x1  }
0x61: {  	v4 =	vadd.s32 v1, v4;
	_ =	sdelay $0x3  }
0x62: {  	s17 =	simm.s32 $0x9000  }
0x63: {  	[tilespmem:s17], [sflag:$0x3] =	stream.indirect_vreg.gather [hbm4b:s2+s3], $0x80, v4, vm0, $0xb8;
	[tilespmem:$0x1D000] =	vst v63  }
0x64: {  	s10 =	simm.s32 $0x9800;
	v3 =	vperm.xlane v3, v2  }
0x65: {  	[tilespmem:s10], [sflag:$0x3] =	stream.indirect_vreg.gather [hbm4b:s5+s3], $0x80, v4, vm0, $0xb8;
	[tilespmem:$0x1D000] =	vst v63  }
0x66: {  	s21 =	simm.s32 $0xA000;
	v3 =	vadd.s32 v1, v3  }
0x67: {  	[tilespmem:s21], [sflag:$0x3] =	stream.indirect_vreg.gather [hbm4b:s6+s3], $0x80, v4, vm0, $0xb8;
	[tilespmem:$0x1D000] =	vst v63  }
0x68: {  	s1 =	simm.s32 $0xA800  }
0x69: {  	[tilespmem:s1], [sflag:$0x3] =	stream.indirect_vreg.gather [hbm4b:s7+s3], $0x80, v4, vm0, $0xb8;
	[tilespmem:$0x1D000] =	vst v63  }
0x6a: {  	s4 =	simm.s32 $0xB000  }
0x6b: {  	[tilespmem:s4], [sflag:$0x3] =	stream.indirect_vreg.gather [hbm4b:s2+s3], $0x80, v3, vm0, $0xb8;
	[tilespmem:$0x1D000] =	vst v63  }
0x6c: {  	s8 =	simm.s32 $0xB800  }
0x6d: {  	[tilespmem:s8], [sflag:$0x3] =	stream.indirect_vreg.gather [hbm4b:s5+s3], $0x80, v3, vm0, $0xb8;
	[tilespmem:$0x1D000] =	vst v63  }
0x6e: {  	s14 =	simm.s32 $0xC000  }
0x6f: {  	[tilespmem:s14], [sflag:$0x3] =	stream.indirect_vreg.gather [hbm4b:s6+s3], $0x80, v3, vm0, $0xb8;
	[tilespmem:$0x1D000] =	vst v63  }
0x70: {  	s17 =	simm.s32 $0xC800  }
0x71: {  	[tilespmem:s17], [sflag:$0x3] =	stream.indirect_vreg.gather [hbm4b:s7+s3], $0x80, v3, vm0, $0xb8;
	[tilespmem:$0x1D000] =	vst v63  }
0x72: {  	v3 =	vld [tilespmem:$0x180];
	_ =	sdelay $0x4  }
0x73: {  	v35 =	vshll.u32 v3, $0x3  }
0x74: {  	v3 =	vand.u32 $0x7, v3;
	v4 =	vand.u32 $0xFFFFFFC0, v35  }
0x75: {  	v3 =	vor.u32 v3, v4  }
0x76: {  	v4 =	vperm.xlane v3, v0;
	_ =	sdelay $0x1  }
0x77: {  	v4 =	vadd.s32 v1, v4;
	_ =	sdelay $0x3  }
0x78: {  	s21 =	simm.s32 $0xD000  }
0x79: {  	[tilespmem:s21], [sflag:$0x4] =	stream.indirect_vreg.gather [hbm4b:s2+s3], $0x80, v4, vm0, $0xb8;
	[tilespmem:$0x1D000] =	vst v63  }
0x7a: {  	s1 =	simm.s32 $0xD800;
	v3 =	vperm.xlane v3, v2  }
0x7b: {  	[tilespmem:s1], [sflag:$0x4] =	stream.indirect_vreg.gather [hbm4b:s5+s3], $0x80, v4, vm0, $0xb8;
	[tilespmem:$0x1D000] =	vst v63  }
0x7c: {  	s4 =	simm.s32 $0xE000;
	v3 =	vadd.s32 v1, v3  }
0x7d: {  	[tilespmem:s4], [sflag:$0x4] =	stream.indirect_vreg.gather [hbm4b:s6+s3], $0x80, v4, vm0, $0xb8;
	[tilespmem:$0x1D000] =	vst v63  }
0x7e: {  	s8 =	simm.s32 $0xE800  }
0x7f: {  	[tilespmem:s8], [sflag:$0x4] =	stream.indirect_vreg.gather [hbm4b:s7+s3], $0x80, v4, vm0, $0xb8;
	[tilespmem:$0x1D000] =	vst v63  }
0x80: {  	s10 =	simm.s32 $0xF000  }
0x81: {  	[tilespmem:s10], [sflag:$0x4] =	stream.indirect_vreg.gather [hbm4b:s2+s3], $0x80, v3, vm0, $0xb8;
	[tilespmem:$0x1D000] =	vst v63  }
0x82: {  	s17 =	simm.s32 $0xF800  }
0x83: {  	[tilespmem:s17], [sflag:$0x4] =	stream.indirect_vreg.gather [hbm4b:s5+s3], $0x80, v3, vm0, $0xb8;
	[tilespmem:$0x1D000] =	vst v63  }
0x84: {  	s21 =	simm.s32 $0x10000  }
0x85: {  	[tilespmem:s21], [sflag:$0x4] =	stream.indirect_vreg.gather [hbm4b:s6+s3], $0x80, v3, vm0, $0xb8;
	[tilespmem:$0x1D000] =	vst v63  }
0x86: {  	s1 =	simm.s32 $0x10800  }
0x87: {  	[tilespmem:s1], [sflag:$0x4] =	stream.indirect_vreg.gather [hbm4b:s7+s3], $0x80, v3, vm0, $0xb8;
	[tilespmem:$0x1D000] =	vst v63  }
0x88: {  	v3 =	vld [tilespmem:$0x200];
	_ =	sdelay $0x4  }
0x89: {  	v36 =	vshll.u32 v3, $0x3  }
0x8a: {  	v3 =	vand.u32 $0x7, v3;
	v4 =	vand.u32 $0xFFFFFFC0, v36  }
0x8b: {  	v3 =	vor.u32 v3, v4  }
0x8c: {  	v4 =	vperm.xlane v3, v0;
	_ =	sdelay $0x1  }
0x8d: {  	v4 =	vadd.s32 v1, v4;
	_ =	sdelay $0x3  }
0x8e: {  	s4 =	simm.s32 $0x11000  }
0x8f: {  	[tilespmem:s4], [sflag:$0x5] =	stream.indirect_vreg.gather [hbm4b:s2+s3], $0x80, v4, vm0, $0xb8;
	[tilespmem:$0x1D000] =	vst v63  }
0x90: {  	s8 =	simm.s32 $0x11800;
	v3 =	vperm.xlane v3, v2  }
0x91: {  	[tilespmem:s8], [sflag:$0x5] =	stream.indirect_vreg.gather [hbm4b:s5+s3], $0x80, v4, vm0, $0xb8;
	[tilespmem:$0x1D000] =	vst v63  }
0x92: {  	s10 =	simm.s32 $0x12000;
	v3 =	vadd.s32 v1, v3  }
0x93: {  	[tilespmem:s10], [sflag:$0x5] =	stream.indirect_vreg.gather [hbm4b:s6+s3], $0x80, v4, vm0, $0xb8;
	[tilespmem:$0x1D000] =	vst v63  }
0x94: {  	s14 =	simm.s32 $0x12800  }
0x95: {  	[tilespmem:s14], [sflag:$0x5] =	stream.indirect_vreg.gather [hbm4b:s7+s3], $0x80, v4, vm0, $0xb8;
	[tilespmem:$0x1D000] =	vst v63  }
0x96: {  	s17 =	simm.s32 $0x13000  }
0x97: {  	[tilespmem:s17], [sflag:$0x5] =	stream.indirect_vreg.gather [hbm4b:s2+s3], $0x80, v3, vm0, $0xb8;
	[tilespmem:$0x1D000] =	vst v63  }
0x98: {  	s21 =	simm.s32 $0x13800  }
0x99: {  	[tilespmem:s21], [sflag:$0x5] =	stream.indirect_vreg.gather [hbm4b:s5+s3], $0x80, v3, vm0, $0xb8;
	[tilespmem:$0x1D000] =	vst v63  }
0x9a: {  	s4 =	simm.s32 $0x14000  }
0x9b: {  	[tilespmem:s4], [sflag:$0x5] =	stream.indirect_vreg.gather [hbm4b:s6+s3], $0x80, v3, vm0, $0xb8;
	[tilespmem:$0x1D000] =	vst v63  }
0x9c: {  	s8 =	simm.s32 $0x14800  }
0x9d: {  	[tilespmem:s8], [sflag:$0x5] =	stream.indirect_vreg.gather [hbm4b:s7+s3], $0x80, v3, vm0, $0xb8;
	[tilespmem:$0x1D000] =	vst v63  }
0x9e: {  	_ =	swait.ge [sflag:s20], $0x4000  }
0x9f: {  	s10 =	sld [smem:$0x7FC]  }
0xa0: {  	[sflag:s20] =	ssyncset.done $0x0  }
0xa1: {  	s21 =	simm.s32 $0x1000;
	[sflag:s20] =	ssyncadd.s32 $0xFFFFC000  }
0xa2: {  	[hbm4b:s10+s3] =	stream.linear.scatter [tilespmem:s21], [sflag:$0x8], $0x4000, $0x38;
	[tilespmem:$0x1D000] =	vst v63  }
0xa3: {  	v3 =	vld [tilespmem:$0x280];
	_ =	sdelay $0x4  }
0xa4: {  	v37 =	vshll.u32 v3, $0x3  }
0xa5: {  	v3 =	vand.u32 $0x7, v3;
	v4 =	vand.u32 $0xFFFFFFC0, v37  }
0xa6: {  	v3 =	vor.u32 v3, v4  }
0xa7: {  	v4 =	vperm.xlane v3, v0;
	_ =	sdelay $0x1  }
0xa8: {  	v4 =	vadd.s32 v1, v4;
	_ =	sdelay $0x3  }
0xa9: {  	s14 =	simm.s32 $0x15000  }
0xaa: {  	[tilespmem:s14], [sflag:$0x6] =	stream.indirect_vreg.gather [hbm4b:s2+s3], $0x80, v4, vm0, $0xb8;
	[tilespmem:$0x1D000] =	vst v63  }
0xab: {  	s17 =	simm.s32 $0x15800;
	v3 =	vperm.xlane v3, v2  }
0xac: {  	[tilespmem:s17], [sflag:$0x6] =	stream.indirect_vreg.gather [hbm4b:s5+s3], $0x80, v4, vm0, $0xb8;
	[tilespmem:$0x1D000] =	vst v63  }
0xad: {  	s4 =	simm.s32 $0x16000;
	v3 =	vadd.s32 v1, v3  }
0xae: {  	[tilespmem:s4], [sflag:$0x6] =	stream.indirect_vreg.gather [hbm4b:s6+s3], $0x80, v4, vm0, $0xb8;
	[tilespmem:$0x1D000] =	vst v63  }
0xaf: {  	s8 =	simm.s32 $0x16800  }
0xb0: {  	[tilespmem:s8], [sflag:$0x6] =	stream.indirect_vreg.gather [hbm4b:s7+s3], $0x80, v4, vm0, $0xb8;
	[tilespmem:$0x1D000] =	vst v63  }
0xb1: {  	s10 =	simm.s32 $0x17000  }
0xb2: {  	[tilespmem:s10], [sflag:$0x6] =	stream.indirect_vreg.gather [hbm4b:s2+s3], $0x80, v3, vm0, $0xb8;
	[tilespmem:$0x1D000] =	vst v63  }
0xb3: {  	s14 =	simm.s32 $0x17800  }
0xb4: {  	[tilespmem:s14], [sflag:$0x6] =	stream.indirect_vreg.gather [hbm4b:s5+s3], $0x80, v3, vm0, $0xb8;
	[tilespmem:$0x1D000] =	vst v63  }
0xb5: {  	s17 =	simm.s32 $0x18000  }
0xb6: {  	[tilespmem:s17], [sflag:$0x6] =	stream.indirect_vreg.gather [hbm4b:s6+s3], $0x80, v3, vm0, $0xb8;
	[tilespmem:$0x1D000] =	vst v63  }
0xb7: {  	s4 =	simm.s32 $0x18800  }
0xb8: {  	[tilespmem:s4], [sflag:$0x6] =	stream.indirect_vreg.gather [hbm4b:s7+s3], $0x80, v3, vm0, $0xb8;
	[tilespmem:$0x1D000] =	vst v63  }
0xb9: {  	_ =	swait.ge [sflag:s22], $0x4000  }
0xba: {  	[sflag:s22] =	ssyncset.done $0x0  }
0xbb: {  	s1 =	simm.s32 $0x5000;
	s8 =	rddreg [dreg:$0x5];
	[sflag:s22] =	ssyncadd.s32 $0xFFFFC000  }
0xbc: {  	[hbm4b:s8+s3] =	stream.linear.scatter [tilespmem:s1], [sflag:$0x9], $0x4000, $0x38;
	[tilespmem:$0x1D000] =	vst v63  }
0xbd: {  	v3 =	vld [tilespmem:$0x300];
	_ =	sdelay $0x4  }
0xbe: {  	v38 =	vshll.u32 v3, $0x3  }
0xbf: {  	v3 =	vand.u32 $0x7, v3;
	v4 =	vand.u32 $0xFFFFFFC0, v38  }
0xc0: {  	v3 =	vor.u32 v3, v4  }
0xc1: {  	v4 =	vperm.xlane v3, v0;
	_ =	sdelay $0x1  }
0xc2: {  	v4 =	vadd.s32 v1, v4;
	_ =	sdelay $0x3  }
0xc3: {  	s10 =	simm.s32 $0x19000  }
0xc4: {  	[tilespmem:s10], [sflag:$0x7] =	stream.indirect_vreg.gather [hbm4b:s2+s3], $0x80, v4, vm0, $0xb8;
	[tilespmem:$0x1D000] =	vst v63  }
0xc5: {  	s14 =	simm.s32 $0x19800;
	v3 =	vperm.xlane v3, v2  }
0xc6: {  	[tilespmem:s14], [sflag:$0x7] =	stream.indirect_vreg.gather [hbm4b:s5+s3], $0x80, v4, vm0, $0xb8;
	[tilespmem:$0x1D000] =	vst v63  }
0xc7: {  	s17 =	simm.s32 $0x1A000;
	v3 =	vadd.s32 v1, v3  }
0xc8: {  	[tilespmem:s17], [sflag:$0x7] =	stream.indirect_vreg.gather [hbm4b:s6+s3], $0x80, v4, vm0, $0xb8;
	[tilespmem:$0x1D000] =	vst v63  }
0xc9: {  	s8 =	simm.s32 $0x1A800  }
0xca: {  	[tilespmem:s8], [sflag:$0x7] =	stream.indirect_vreg.gather [hbm4b:s7+s3], $0x80, v4, vm0, $0xb8;
	[tilespmem:$0x1D000] =	vst v63  }
0xcb: {  	s10 =	simm.s32 $0x1B000  }
0xcc: {  	[tilespmem:s10], [sflag:$0x7] =	stream.indirect_vreg.gather [hbm4b:s2+s3], $0x80, v3, vm0, $0xb8;
	[tilespmem:$0x1D000] =	vst v63  }
0xcd: {  	s14 =	simm.s32 $0x1B800  }
0xce: {  	[tilespmem:s14], [sflag:$0x7] =	stream.indirect_vreg.gather [hbm4b:s5+s3], $0x80, v3, vm0, $0xb8;
	[tilespmem:$0x1D000] =	vst v63  }
0xcf: {  	s17 =	simm.s32 $0x1C000  }
0xd0: {  	[tilespmem:s17], [sflag:$0x7] =	stream.indirect_vreg.gather [hbm4b:s6+s3], $0x80, v3, vm0, $0xb8;
	[tilespmem:$0x1D000] =	vst v63  }
0xd1: {  	s8 =	simm.s32 $0x1C800  }
0xd2: {  	[tilespmem:s8], [sflag:$0x7] =	stream.indirect_vreg.gather [hbm4b:s7+s3], $0x80, v3, vm0, $0xb8;
	[tilespmem:$0x1D000] =	vst v63  }
0xd3: {  	_ =	swait.ge [sflag:s24], $0x4000  }
0xd4: {  	[sflag:s24] =	ssyncset.done $0x0  }
0xd5: {  	s8 =	simm.s32 $0x9000;
	s10 =	rddreg [dreg:$0x6];
	[sflag:s24] =	ssyncadd.s32 $0xFFFFC000  }
0xd6: {  	[hbm4b:s10+s3] =	stream.linear.scatter [tilespmem:s8], [sflag:$0xA], $0x4000, $0x38;
	[tilespmem:$0x1D000] =	vst v63  }
0xd7: {  	_ =	swait.ge [sflag:s25], $0x4000  }
0xd8: {  	[sflag:s25] =	ssyncset.done $0x0  }
0xd9: {  	[sflag:s25] =	ssyncadd.s32 $0xFFFFC000  }
0xda: {  	v3 =	vld [tilespmem:$0x380];
	_ =	sdelay $0x4  }
0xdb: {  	v39 =	vshll.u32 v3, $0x3  }
0xdc: {  	v3 =	vand.u32 $0x7, v3;
	v4 =	vand.u32 $0xFFFFFFC0, v39  }
0xdd: {  	v3 =	vor.u32 v3, v4  }
0xde: {  	v4 =	vperm.xlane v3, v0;
	_ =	sdelay $0x1  }
0xdf: {  	v4 =	vadd.s32 v1, v4;
	_ =	sdelay $0x4  }
0xe0: {  	[tilespmem:s21], [sflag:$0x1] =	stream.indirect_vreg.gather [hbm4b:s2+s3], $0x80, v4, vm0, $0xb8;
	[tilespmem:$0x1D000] =	vst v63  }
0xe1: {  	s13 =	simm.s32 $0x1800;
	v3 =	vperm.xlane v3, v2  }
0xe2: {  	[tilespmem:s13], [sflag:$0x1] =	stream.indirect_vreg.gather [hbm4b:s5+s3], $0x80, v4, vm0, $0xb8;
	[tilespmem:$0x1D000] =	vst v63  }
0xe3: {  	s11 =	simm.s32 $0x2000;
	v3 =	vadd.s32 v1, v3  }
0xe4: {  	[tilespmem:s11], [sflag:$0x1] =	stream.indirect_vreg.gather [hbm4b:s6+s3], $0x80, v4, vm0, $0xb8;
	[tilespmem:$0x1D000] =	vst v63  }
0xe5: {  	s15 =	simm.s32 $0x2800  }
0xe6: {  	[tilespmem:s15], [sflag:$0x1] =	stream.indirect_vreg.gather [hbm4b:s7+s3], $0x80, v4, vm0, $0xb8;
	[tilespmem:$0x1D000] =	vst v63  }
0xe7: {  	s9 =	simm.s32 $0x3000  }
0xe8: {  	[tilespmem:s9], [sflag:$0x1] =	stream.indirect_vreg.gather [hbm4b:s2+s3], $0x80, v3, vm0, $0xb8;
	[tilespmem:$0x1D000] =	vst v63  }
0xe9: {  	s17 =	simm.s32 $0x3800  }
0xea: {  	[tilespmem:s17], [sflag:$0x1] =	stream.indirect_vreg.gather [hbm4b:s5+s3], $0x80, v3, vm0, $0xb8;
	[tilespmem:$0x1D000] =	vst v63  }
0xeb: {  	s12 =	simm.s32 $0x4000  }
0xec: {  	[tilespmem:s12], [sflag:$0x1] =	stream.indirect_vreg.gather [hbm4b:s6+s3], $0x80, v3, vm0, $0xb8;
	[tilespmem:$0x1D000] =	vst v63  }
0xed: {  	s4 =	simm.s32 $0x4800  }
0xee: {  	[tilespmem:s4], [sflag:$0x1] =	stream.indirect_vreg.gather [hbm4b:s7+s3], $0x80, v3, vm0, $0xb8;
	[tilespmem:$0x1D000] =	vst v63  }
0xef: {  	_ =	swait.ge [sflag:s28], $0x4000  }
0xf0: {  	[sflag:s28] =	ssyncset.done $0x0  }
0xf1: {  	s11 =	simm.s32 $0xD000;
	s13 =	rddreg [dreg:$0x7];
	[sflag:s28] =	ssyncadd.s32 $0xFFFFC000  }
0xf2: {  	[hbm4b:s13+s3] =	stream.linear.scatter [tilespmem:s11], [sflag:$0xB], $0x4000, $0x38;
	[tilespmem:$0x1D000] =	vst v63  }
0xf3: {  	_ =	swait.ge [sflag:s29], $0x4000  }
0xf4: {  	[sflag:s29] =	ssyncset.done $0x0  }
0xf5: {  	[sflag:s29] =	ssyncadd.s32 $0xFFFFC000  }
0xf6: {  	v3 =	vld [tilespmem:$0x400];
	_ =	sdelay $0x4  }
0xf7: {  	v40 =	vshll.u32 v3, $0x3  }
0xf8: {  	v3 =	vand.u32 $0x7, v3;
	v4 =	vand.u32 $0xFFFFFFC0, v40  }
0xf9: {  	v3 =	vor.u32 v3, v4  }
0xfa: {  	v4 =	vperm.xlane v3, v0;
	_ =	sdelay $0x1  }
0xfb: {  	v4 =	vadd.s32 v1, v4;
	_ =	sdelay $0x4  }
0xfc: {  	[tilespmem:s1], [sflag:$0x2] =	stream.indirect_vreg.gather [hbm4b:s2+s3], $0x80, v4, vm0, $0xb8;
	[tilespmem:$0x1D000] =	vst v63  }
0xfd: {  	s14 =	simm.s32 $0x5800;
	v3 =	vperm.xlane v3, v2  }
0xfe: {  	[tilespmem:s14], [sflag:$0x2] =	stream.indirect_vreg.gather [hbm4b:s5+s3], $0x80, v4, vm0, $0xb8;
	[tilespmem:$0x1D000] =	vst v63  }
0xff: {  	s16 =	simm.s32 $0x6000;
	v3 =	vadd.s32 v1, v3  }
0x100: {  	[tilespmem:s16], [sflag:$0x2] =	stream.indirect_vreg.gather [hbm4b:s6+s3], $0x80, v4, vm0, $0xb8;
	[tilespmem:$0x1D000] =	vst v63  }
0x101: {  	s23 =	simm.s32 $0x6800  }
0x102: {  	[tilespmem:s23], [sflag:$0x2] =	stream.indirect_vreg.gather [hbm4b:s7+s3], $0x80, v4, vm0, $0xb8;
	[tilespmem:$0x1D000] =	vst v63  }
0x103: {  	s18 =	simm.s32 $0x7000  }
0x104: {  	[tilespmem:s18], [sflag:$0x2] =	stream.indirect_vreg.gather [hbm4b:s2+s3], $0x80, v3, vm0, $0xb8;
	[tilespmem:$0x1D000] =	vst v63  }
0x105: {  	s19 =	simm.s32 $0x7800  }
0x106: {  	[tilespmem:s19], [sflag:$0x2] =	stream.indirect_vreg.gather [hbm4b:s5+s3], $0x80, v3, vm0, $0xb8;
	[tilespmem:$0x1D000] =	vst v63  }
0x107: {  	s23 =	simm.s32 $0x8000  }
0x108: {  	[tilespmem:s23], [sflag:$0x2] =	stream.indirect_vreg.gather [hbm4b:s6+s3], $0x80, v3, vm0, $0xb8;
	[tilespmem:$0x1D000] =	vst v63  }
0x109: {  	s30 =	simm.s32 $0x8800;
	s1 =	simm.s32 $0x5  }
0x10a: {  	[tilespmem:s30], [sflag:$0x2] =	stream.indirect_vreg.gather [hbm4b:s7+s3], $0x80, v3, vm0, $0xb8;
	[tilespmem:$0x1D000] =	vst v63  }
0x10b: {  	_ =	swait.ge [sflag:s1], $0x4000  }
0x10c: {  	[sflag:s1] =	ssyncset.done $0x0  }
0x10d: {  	s13 =	simm.s32 $0x11000;
	s18 =	rddreg [dreg:$0x8];
	[sflag:s1] =	ssyncadd.s32 $0xFFFFC000  }
0x10e: {  	[hbm4b:s18+s3] =	stream.linear.scatter [tilespmem:s13], [sflag:$0xC], $0x4000, $0x38;
	[tilespmem:$0x1D000] =	vst v63  }
0x10f: {  	_ =	swait.ge [sflag:s31], $0x4000  }
0x110: {  	[sflag:s31] =	ssyncset.done $0x0  }
0x111: {  	[sflag:s31] =	ssyncadd.s32 $0xFFFFC000  }
0x112: {  	v3 =	vld [tilespmem:$0x480];
	_ =	sdelay $0x4  }
0x113: {  	v41 =	vshll.u32 v3, $0x3  }
0x114: {  	v3 =	vand.u32 $0x7, v3;
	v4 =	vand.u32 $0xFFFFFFC0, v41  }
0x115: {  	v3 =	vor.u32 v3, v4  }
0x116: {  	v4 =	vperm.xlane v3, v0;
	_ =	sdelay $0x1  }
0x117: {  	v4 =	vadd.s32 v1, v4;
	_ =	sdelay $0x4  }
0x118: {  	[tilespmem:s8], [sflag:$0x3] =	stream.indirect_vreg.gather [hbm4b:s2+s3], $0x80, v4, vm0, $0xb8;
	[tilespmem:$0x1D000] =	vst v63  }
0x119: {  	s26 =	simm.s32 $0x9800;
	v3 =	vperm.xlane v3, v2  }
0x11a: {  	[tilespmem:s26], [sflag:$0x3] =	stream.indirect_vreg.gather [hbm4b:s5+s3], $0x80, v4, vm0, $0xb8;
	[tilespmem:$0x1D000] =	vst v63  }
0x11b: {  	s10 =	simm.s32 $0xA000;
	v3 =	vadd.s32 v1, v3  }
0x11c: {  	[tilespmem:s10], [sflag:$0x3] =	stream.indirect_vreg.gather [hbm4b:s6+s3], $0x80, v4, vm0, $0xb8;
	[tilespmem:$0x1D000] =	vst v63  }
0x11d: {  	s18 =	simm.s32 $0xA800  }
0x11e: {  	[tilespmem:s18], [sflag:$0x3] =	stream.indirect_vreg.gather [hbm4b:s7+s3], $0x80, v4, vm0, $0xb8;
	[tilespmem:$0x1D000] =	vst v63  }
0x11f: {  	s26 =	simm.s32 $0xB000  }
0x120: {  	[tilespmem:s26], [sflag:$0x3] =	stream.indirect_vreg.gather [hbm4b:s2+s3], $0x80, v3, vm0, $0xb8;
	[tilespmem:$0x1D000] =	vst v63  }
0x121: {  	s19 =	simm.s32 $0xB800  }
0x122: {  	[tilespmem:s19], [sflag:$0x3] =	stream.indirect_vreg.gather [hbm4b:s5+s3], $0x80, v3, vm0, $0xb8;
	[tilespmem:$0x1D000] =	vst v63  }
0x123: {  	s30 =	simm.s32 $0xC000  }
0x124: {  	[tilespmem:s30], [sflag:$0x3] =	stream.indirect_vreg.gather [hbm4b:s6+s3], $0x80, v3, vm0, $0xb8;
	[tilespmem:$0x1D000] =	vst v63  }
0x125: {  	s9 =	simm.s32 $0xC800  }
0x126: {  	[tilespmem:s9], [sflag:$0x3] =	stream.indirect_vreg.gather [hbm4b:s7+s3], $0x80, v3, vm0, $0xb8;
	[tilespmem:$0x1D000] =	vst v63  }
0x127: {  	s9 =	simm.s32 $0x6  }
0x128: {  	_ =	swait.ge [sflag:s9], $0x4000  }
0x129: {  	[sflag:s9] =	ssyncset.done $0x0  }
0x12a: {  	s8 =	simm.s32 $0x15000;
	s12 =	rddreg [dreg:$0x9];
	[sflag:s9] =	ssyncadd.s32 $0xFFFFC000  }
0x12b: {  	[hbm4b:s12+s3] =	stream.linear.scatter [tilespmem:s8], [sflag:$0xD], $0x4000, $0x38;
	[tilespmem:$0x1D000] =	vst v63  }
0x12c: {  	_ =	swait.ge [sflag:s0], $0x4000  }
0x12d: {  	[sflag:s0] =	ssyncset.done $0x0  }
0x12e: {  	[sflag:s0] =	ssyncadd.s32 $0xFFFFC000  }
0x12f: {  	v3 =	vld [tilespmem:$0x500];
	_ =	sdelay $0x4  }
0x130: {  	v42 =	vshll.u32 v3, $0x3  }
0x131: {  	v3 =	vand.u32 $0x7, v3;
	v4 =	vand.u32 $0xFFFFFFC0, v42  }
0x132: {  	v3 =	vor.u32 v3, v4  }
0x133: {  	v4 =	vperm.xlane v3, v0;
	_ =	sdelay $0x1  }
0x134: {  	v4 =	vadd.s32 v1, v4;
	_ =	sdelay $0x4  }
0x135: {  	[tilespmem:s11], [sflag:$0x4] =	stream.indirect_vreg.gather [hbm4b:s2+s3], $0x80, v4, vm0, $0xb8;
	[tilespmem:$0x1D000] =	vst v63  }
0x136: {  	s14 =	simm.s32 $0xD800;
	v3 =	vperm.xlane v3, v2  }
0x137: {  	[tilespmem:s14], [sflag:$0x4] =	stream.indirect_vreg.gather [hbm4b:s5+s3], $0x80, v4, vm0, $0xb8;
	[tilespmem:$0x1D000] =	vst v63  }
0x138: {  	s19 =	simm.s32 $0xE000;
	v3 =	vadd.s32 v1, v3  }
0x139: {  	[tilespmem:s19], [sflag:$0x4] =	stream.indirect_vreg.gather [hbm4b:s6+s3], $0x80, v4, vm0, $0xb8;
	[tilespmem:$0x1D000] =	vst v63  }
0x13a: {  	s30 =	simm.s32 $0xE800  }
0x13b: {  	[tilespmem:s30], [sflag:$0x4] =	stream.indirect_vreg.gather [hbm4b:s7+s3], $0x80, v4, vm0, $0xb8;
	[tilespmem:$0x1D000] =	vst v63  }
0x13c: {  	s12 =	simm.s32 $0xF000  }
0x13d: {  	[tilespmem:s12], [sflag:$0x4] =	stream.indirect_vreg.gather [hbm4b:s2+s3], $0x80, v3, vm0, $0xb8;
	[tilespmem:$0x1D000] =	vst v63  }
0x13e: {  	s14 =	simm.s32 $0xF800  }
0x13f: {  	[tilespmem:s14], [sflag:$0x4] =	stream.indirect_vreg.gather [hbm4b:s5+s3], $0x80, v3, vm0, $0xb8;
	[tilespmem:$0x1D000] =	vst v63  }
0x140: {  	s19 =	simm.s32 $0x10000  }
0x141: {  	[tilespmem:s19], [sflag:$0x4] =	stream.indirect_vreg.gather [hbm4b:s6+s3], $0x80, v3, vm0, $0xb8;
	[tilespmem:$0x1D000] =	vst v63  }
0x142: {  	s11 =	simm.s32 $0x7;
	s30 =	simm.s32 $0x10800  }
0x143: {  	[tilespmem:s30], [sflag:$0x4] =	stream.indirect_vreg.gather [hbm4b:s7+s3], $0x80, v3, vm0, $0xb8;
	[tilespmem:$0x1D000] =	vst v63  }
0x144: {  	_ =	swait.ge [sflag:s11], $0x4000  }
0x145: {  	[sflag:s11] =	ssyncset.done $0x0  }
0x146: {  	s30 =	simm.s32 $0x19000;
	s12 =	rddreg [dreg:$0xa];
	[sflag:s11] =	ssyncadd.s32 $0xFFFFC000  }
0x147: {  	[hbm4b:s12+s3] =	stream.linear.scatter [tilespmem:s30], [sflag:$0xE], $0x4000, $0x38;
	[tilespmem:$0x1D000] =	vst v63  }
0x148: {  	s12 =	simm.s32 $0xC  }
0x149: {  	_ =	swait.ge [sflag:s12], $0x4000  }
0x14a: {  	[sflag:s12] =	ssyncset.done $0x0  }
0x14b: {  	[sflag:s12] =	ssyncadd.s32 $0xFFFFC000  }
0x14c: {  	v3 =	vld [tilespmem:$0x580];
	_ =	sdelay $0x4  }
0x14d: {  	v43 =	vshll.u32 v3, $0x3  }
0x14e: {  	v3 =	vand.u32 $0x7, v3;
	v4 =	vand.u32 $0xFFFFFFC0, v43  }
0x14f: {  	v3 =	vor.u32 v3, v4  }
0x150: {  	v4 =	vperm.xlane v3, v0;
	_ =	sdelay $0x1  }
0x151: {  	v4 =	vadd.s32 v1, v4;
	_ =	sdelay $0x4  }
0x152: {  	[tilespmem:s13], [sflag:$0x5] =	stream.indirect_vreg.gather [hbm4b:s2+s3], $0x80, v4, vm0, $0xb8;
	[tilespmem:$0x1D000] =	vst v63  }
0x153: {  	s19 =	simm.s32 $0x11800;
	v3 =	vperm.xlane v3, v2  }
0x154: {  	[tilespmem:s19], [sflag:$0x5] =	stream.indirect_vreg.gather [hbm4b:s5+s3], $0x80, v4, vm0, $0xb8;
	[tilespmem:$0x1D000] =	vst v63  }
0x155: {  	s14 =	simm.s32 $0x12000;
	v3 =	vadd.s32 v1, v3  }
0x156: {  	[tilespmem:s14], [sflag:$0x5] =	stream.indirect_vreg.gather [hbm4b:s6+s3], $0x80, v4, vm0, $0xb8;
	[tilespmem:$0x1D000] =	vst v63  }
0x157: {  	s19 =	simm.s32 $0x12800  }
0x158: {  	[tilespmem:s19], [sflag:$0x5] =	stream.indirect_vreg.gather [hbm4b:s7+s3], $0x80, v4, vm0, $0xb8;
	[tilespmem:$0x1D000] =	vst v63  }
0x159: {  	s14 =	simm.s32 $0x13000  }
0x15a: {  	[tilespmem:s14], [sflag:$0x5] =	stream.indirect_vreg.gather [hbm4b:s2+s3], $0x80, v3, vm0, $0xb8;
	[tilespmem:$0x1D000] =	vst v63  }
0x15b: {  	s19 =	simm.s32 $0x13800  }
0x15c: {  	[tilespmem:s19], [sflag:$0x5] =	stream.indirect_vreg.gather [hbm4b:s5+s3], $0x80, v3, vm0, $0xb8;
	[tilespmem:$0x1D000] =	vst v63  }
0x15d: {  	s14 =	simm.s32 $0x14000  }
0x15e: {  	[tilespmem:s14], [sflag:$0x5] =	stream.indirect_vreg.gather [hbm4b:s6+s3], $0x80, v3, vm0, $0xb8;
	[tilespmem:$0x1D000] =	vst v63  }
0x15f: {  	s19 =	simm.s32 $0x14800  }
0x160: {  	[tilespmem:s19], [sflag:$0x5] =	stream.indirect_vreg.gather [hbm4b:s7+s3], $0x80, v3, vm0, $0xb8;
	[tilespmem:$0x1D000] =	vst v63  }
0x161: {  	_ =	swait.ge [sflag:s20], $0x4000  }
0x162: {  	[sflag:s20] =	ssyncset.done $0x0  }
0x163: {  	s21 =	simm.s32 $0x1000;
	s13 =	rddreg [dreg:$0xb];
	[sflag:s20] =	ssyncadd.s32 $0xFFFFC000  }
0x164: {  	[hbm4b:s13+s3] =	stream.linear.scatter [tilespmem:s21], [sflag:$0x8], $0x4000, $0x38;
	[tilespmem:$0x1D000] =	vst v63  }
0x165: {  	s13 =	simm.s32 $0xD  }
0x166: {  	_ =	swait.ge [sflag:s13], $0x4000  }
0x167: {  	[sflag:s13] =	ssyncset.done $0x0  }
0x168: {  	[sflag:s13] =	ssyncadd.s32 $0xFFFFC000  }
0x169: {  	v3 =	vld [tilespmem:$0x600];
	_ =	sdelay $0x4  }
0x16a: {  	v44 =	vshll.u32 v3, $0x3  }
0x16b: {  	v3 =	vand.u32 $0x7, v3;
	v4 =	vand.u32 $0xFFFFFFC0, v44  }
0x16c: {  	v3 =	vor.u32 v3, v4  }
0x16d: {  	v4 =	vperm.xlane v3, v0;
	_ =	sdelay $0x1  }
0x16e: {  	v4 =	vadd.s32 v1, v4;
	_ =	sdelay $0x4  }
0x16f: {  	[tilespmem:s8], [sflag:$0x6] =	stream.indirect_vreg.gather [hbm4b:s2+s3], $0x80, v4, vm0, $0xb8;
	[tilespmem:$0x1D000] =	vst v63  }
0x170: {  	s19 =	simm.s32 $0x15800;
	v3 =	vperm.xlane v3, v2  }
0x171: {  	[tilespmem:s19], [sflag:$0x6] =	stream.indirect_vreg.gather [hbm4b:s5+s3], $0x80, v4, vm0, $0xb8;
	[tilespmem:$0x1D000] =	vst v63  }
0x172: {  	s14 =	simm.s32 $0x16000;
	v3 =	vadd.s32 v1, v3  }
0x173: {  	[tilespmem:s14], [sflag:$0x6] =	stream.indirect_vreg.gather [hbm4b:s6+s3], $0x80, v4, vm0, $0xb8;
	[tilespmem:$0x1D000] =	vst v63  }
0x174: {  	s19 =	simm.s32 $0x16800  }
0x175: {  	[tilespmem:s19], [sflag:$0x6] =	stream.indirect_vreg.gather [hbm4b:s7+s3], $0x80, v4, vm0, $0xb8;
	[tilespmem:$0x1D000] =	vst v63  }
0x176: {  	s14 =	simm.s32 $0x17000  }
0x177: {  	[tilespmem:s14], [sflag:$0x6] =	stream.indirect_vreg.gather [hbm4b:s2+s3], $0x80, v3, vm0, $0xb8;
	[tilespmem:$0x1D000] =	vst v63  }
0x178: {  	s19 =	simm.s32 $0x17800  }
0x179: {  	[tilespmem:s19], [sflag:$0x6] =	stream.indirect_vreg.gather [hbm4b:s5+s3], $0x80, v3, vm0, $0xb8;
	[tilespmem:$0x1D000] =	vst v63  }
0x17a: {  	s14 =	simm.s32 $0x18000  }
0x17b: {  	[tilespmem:s14], [sflag:$0x6] =	stream.indirect_vreg.gather [hbm4b:s6+s3], $0x80, v3, vm0, $0xb8;
	[tilespmem:$0x1D000] =	vst v63  }
0x17c: {  	s19 =	simm.s32 $0x18800  }
0x17d: {  	[tilespmem:s19], [sflag:$0x6] =	stream.indirect_vreg.gather [hbm4b:s7+s3], $0x80, v3, vm0, $0xb8;
	[tilespmem:$0x1D000] =	vst v63  }
0x17e: {  	_ =	swait.ge [sflag:s22], $0x4000  }
0x17f: {  	[sflag:s22] =	ssyncset.done $0x0  }
0x180: {  	s15 =	simm.s32 $0x5000;
	s8 =	rddreg [dreg:$0xc];
	[sflag:s22] =	ssyncadd.s32 $0xFFFFC000  }
0x181: {  	[hbm4b:s8+s3] =	stream.linear.scatter [tilespmem:s15], [sflag:$0x9], $0x4000, $0x38;
	[tilespmem:$0x1D000] =	vst v63  }
0x182: {  	s8 =	simm.s32 $0xE  }
0x183: {  	_ =	swait.ge [sflag:s8], $0x4000  }
0x184: {  	[sflag:s8] =	ssyncset.done $0x0  }
0x185: {  	[sflag:s8] =	ssyncadd.s32 $0xFFFFC000  }
0x186: {  	v3 =	vld [tilespmem:$0x680];
	_ =	sdelay $0x4  }
0x187: {  	v45 =	vshll.u32 v3, $0x3  }
0x188: {  	v3 =	vand.u32 $0x7, v3;
	v4 =	vand.u32 $0xFFFFFFC0, v45  }
0x189: {  	v3 =	vor.u32 v3, v4  }
0x18a: {  	v4 =	vperm.xlane v3, v0;
	_ =	sdelay $0x1  }
0x18b: {  	v4 =	vadd.s32 v1, v4;
	_ =	sdelay $0x4  }
0x18c: {  	[tilespmem:s30], [sflag:$0x7] =	stream.indirect_vreg.gather [hbm4b:s2+s3], $0x80, v4, vm0, $0xb8;
	[tilespmem:$0x1D000] =	vst v63  }
0x18d: {  	s19 =	simm.s32 $0x19800;
	v3 =	vperm.xlane v3, v2  }
0x18e: {  	[tilespmem:s19], [sflag:$0x7] =	stream.indirect_vreg.gather [hbm4b:s5+s3], $0x80, v4, vm0, $0xb8;
	[tilespmem:$0x1D000] =	vst v63  }
0x18f: {  	v3 =	vadd.s32 v1, v3;
	s19 =	simm.s32 $0x1A000  }
0x190: {  	[tilespmem:s19], [sflag:$0x7] =	stream.indirect_vreg.gather [hbm4b:s6+s3], $0x80, v4, vm0, $0xb8;
	[tilespmem:$0x1D000] =	vst v63  }
0x191: {  	s19 =	simm.s32 $0x1A800  }
0x192: {  	[tilespmem:s19], [sflag:$0x7] =	stream.indirect_vreg.gather [hbm4b:s7+s3], $0x80, v4, vm0, $0xb8;
	[tilespmem:$0x1D000] =	vst v63  }
0x193: {  	s19 =	simm.s32 $0x1B000  }
0x194: {  	[tilespmem:s19], [sflag:$0x7] =	stream.indirect_vreg.gather [hbm4b:s2+s3], $0x80, v3, vm0, $0xb8;
	[tilespmem:$0x1D000] =	vst v63  }
0x195: {  	s19 =	simm.s32 $0x1B800  }
0x196: {  	[tilespmem:s19], [sflag:$0x7] =	stream.indirect_vreg.gather [hbm4b:s5+s3], $0x80, v3, vm0, $0xb8;
	[tilespmem:$0x1D000] =	vst v63  }
0x197: {  	s19 =	simm.s32 $0x1C000  }
0x198: {  	[tilespmem:s19], [sflag:$0x7] =	stream.indirect_vreg.gather [hbm4b:s6+s3], $0x80, v3, vm0, $0xb8;
	[tilespmem:$0x1D000] =	vst v63  }
0x199: {  	s19 =	simm.s32 $0x1C800  }
0x19a: {  	[tilespmem:s19], [sflag:$0x7] =	stream.indirect_vreg.gather [hbm4b:s7+s3], $0x80, v3, vm0, $0xb8;
	[tilespmem:$0x1D000] =	vst v63  }
0x19b: {  	_ =	swait.ge [sflag:s24], $0x4000  }
0x19c: {  	[sflag:s24] =	ssyncset.done $0x0  }
0x19d: {  	s16 =	simm.s32 $0x9000;
	s19 =	rddreg [dreg:$0xd];
	[sflag:s24] =	ssyncadd.s32 $0xFFFFC000  }
0x19e: {  	[hbm4b:s19+s3] =	stream.linear.scatter [tilespmem:s16], [sflag:$0xA], $0x4000, $0x38;
	[tilespmem:$0x1D000] =	vst v63  }
0x19f: {  	_ =	swait.ge [sflag:s25], $0x4000  }
0x1a0: {  	[sflag:s25] =	ssyncset.done $0x0  }
0x1a1: {  	[sflag:s25] =	ssyncadd.s32 $0xFFFFC000  }
0x1a2: {  	v3 =	vld [tilespmem:$0x700];
	_ =	sdelay $0x4  }
0x1a3: {  	v46 =	vshll.u32 v3, $0x3  }
0x1a4: {  	v3 =	vand.u32 $0x7, v3;
	v4 =	vand.u32 $0xFFFFFFC0, v46  }
0x1a5: {  	v3 =	vor.u32 v3, v4  }
0x1a6: {  	v4 =	vperm.xlane v3, v0;
	_ =	sdelay $0x1  }
0x1a7: {  	v4 =	vadd.s32 v1, v4;
	_ =	sdelay $0x3  }
0x1a8: {  	s21 =	simm.s32 $0x1000  }
0x1a9: {  	[tilespmem:s21], [sflag:$0x1] =	stream.indirect_vreg.gather [hbm4b:s2+s3], $0x80, v4, vm0, $0xb8;
	[tilespmem:$0x1D000] =	vst v63  }
0x1aa: {  	s16 =	simm.s32 $0x1800;
	v3 =	vperm.xlane v3, v2  }
0x1ab: {  	[tilespmem:s16], [sflag:$0x1] =	stream.indirect_vreg.gather [hbm4b:s5+s3], $0x80, v4, vm0, $0xb8;
	[tilespmem:$0x1D000] =	vst v63  }
0x1ac: {  	v3 =	vadd.s32 v1, v3;
	s16 =	simm.s32 $0x2000  }
0x1ad: {  	[tilespmem:s16], [sflag:$0x1] =	stream.indirect_vreg.gather [hbm4b:s6+s3], $0x80, v4, vm0, $0xb8;
	[tilespmem:$0x1D000] =	vst v63  }
0x1ae: {  	s16 =	simm.s32 $0x2800  }
0x1af: {  	[tilespmem:s16], [sflag:$0x1] =	stream.indirect_vreg.gather [hbm4b:s7+s3], $0x80, v4, vm0, $0xb8;
	[tilespmem:$0x1D000] =	vst v63  }
0x1b0: {  	s16 =	simm.s32 $0x3000  }
0x1b1: {  	[tilespmem:s16], [sflag:$0x1] =	stream.indirect_vreg.gather [hbm4b:s2+s3], $0x80, v3, vm0, $0xb8;
	[tilespmem:$0x1D000] =	vst v63  }
0x1b2: {  	_ = 	snop  }
0x1b3: {  	[tilespmem:s17], [sflag:$0x1] =	stream.indirect_vreg.gather [hbm4b:s5+s3], $0x80, v3, vm0, $0xb8;
	[tilespmem:$0x1D000] =	vst v63  }
0x1b4: {  	s17 =	simm.s32 $0x4000  }
0x1b5: {  	[tilespmem:s17], [sflag:$0x1] =	stream.indirect_vreg.gather [hbm4b:s6+s3], $0x80, v3, vm0, $0xb8;
	[tilespmem:$0x1D000] =	vst v63  }
0x1b6: {  	_ = 	snop  }
0x1b7: {  	[tilespmem:s4], [sflag:$0x1] =	stream.indirect_vreg.gather [hbm4b:s7+s3], $0x80, v3, vm0, $0xb8;
	[tilespmem:$0x1D000] =	vst v63  }
0x1b8: {  	_ =	swait.ge [sflag:s28], $0x4000  }
0x1b9: {  	[sflag:s28] =	ssyncset.done $0x0  }
0x1ba: {  	s16 =	simm.s32 $0xD000;
	s4 =	rddreg [dreg:$0xe];
	[sflag:s28] =	ssyncadd.s32 $0xFFFFC000  }
0x1bb: {  	[hbm4b:s4+s3] =	stream.linear.scatter [tilespmem:s16], [sflag:$0xB], $0x4000, $0x38;
	[tilespmem:$0x1D000] =	vst v63  }
0x1bc: {  	_ =	swait.ge [sflag:s29], $0x4000  }
0x1bd: {  	[sflag:s29] =	ssyncset.done $0x0  }
0x1be: {  	[sflag:s29] =	ssyncadd.s32 $0xFFFFC000  }
0x1bf: {  	v3 =	vld [tilespmem:$0x780];
	_ =	sdelay $0x4  }
0x1c0: {  	v47 =	vshll.u32 v3, $0x3  }
0x1c1: {  	v3 =	vand.u32 $0x7, v3;
	v4 =	vand.u32 $0xFFFFFFC0, v47  }
0x1c2: {  	v3 =	vor.u32 v3, v4  }
0x1c3: {  	v4 =	vperm.xlane v3, v0;
	_ =	sdelay $0x1  }
0x1c4: {  	v4 =	vadd.s32 v1, v4;
	_ =	sdelay $0x3  }
0x1c5: {  	s15 =	simm.s32 $0x5000  }
0x1c6: {  	[tilespmem:s15], [sflag:$0x2] =	stream.indirect_vreg.gather [hbm4b:s2+s3], $0x80, v4, vm0, $0xb8;
	[tilespmem:$0x1D000] =	vst v63  }
0x1c7: {  	v3 =	vperm.xlane v3, v2;
	s15 =	simm.s32 $0x5800  }
0x1c8: {  	[tilespmem:s15], [sflag:$0x2] =	stream.indirect_vreg.gather [hbm4b:s5+s3], $0x80, v4, vm0, $0xb8;
	[tilespmem:$0x1D000] =	vst v63  }
0x1c9: {  	s14 =	simm.s32 $0x6000;
	v3 =	vadd.s32 v1, v3  }
0x1ca: {  	[tilespmem:s14], [sflag:$0x2] =	stream.indirect_vreg.gather [hbm4b:s6+s3], $0x80, v4, vm0, $0xb8;
	[tilespmem:$0x1D000] =	vst v63  }
0x1cb: {  	s15 =	simm.s32 $0x6800  }
0x1cc: {  	[tilespmem:s15], [sflag:$0x2] =	stream.indirect_vreg.gather [hbm4b:s7+s3], $0x80, v4, vm0, $0xb8;
	[tilespmem:$0x1D000] =	vst v63  }
0x1cd: {  	s14 =	simm.s32 $0x7000  }
0x1ce: {  	[tilespmem:s14], [sflag:$0x2] =	stream.indirect_vreg.gather [hbm4b:s2+s3], $0x80, v3, vm0, $0xb8;
	[tilespmem:$0x1D000] =	vst v63  }
0x1cf: {  	s15 =	simm.s32 $0x7800  }
0x1d0: {  	[tilespmem:s15], [sflag:$0x2] =	stream.indirect_vreg.gather [hbm4b:s5+s3], $0x80, v3, vm0, $0xb8;
	[tilespmem:$0x1D000] =	vst v63  }
0x1d1: {  	_ = 	snop  }
0x1d2: {  	[tilespmem:s23], [sflag:$0x2] =	stream.indirect_vreg.gather [hbm4b:s6+s3], $0x80, v3, vm0, $0xb8;
	[tilespmem:$0x1D000] =	vst v63  }
0x1d3: {  	s15 =	simm.s32 $0x8800  }
0x1d4: {  	[tilespmem:s15], [sflag:$0x2] =	stream.indirect_vreg.gather [hbm4b:s7+s3], $0x80, v3, vm0, $0xb8;
	[tilespmem:$0x1D000] =	vst v63  }
0x1d5: {  	_ =	swait.ge [sflag:s1], $0x4000  }
0x1d6: {  	[sflag:s1] =	ssyncset.done $0x0  }
0x1d7: {  	s23 =	simm.s32 $0x11000;
	s4 =	rddreg [dreg:$0xf];
	[sflag:s1] =	ssyncadd.s32 $0xFFFFC000  }
0x1d8: {  	[hbm4b:s4+s3] =	stream.linear.scatter [tilespmem:s23], [sflag:$0xC], $0x4000, $0x38;
	[tilespmem:$0x1D000] =	vst v63  }
0x1d9: {  	_ =	swait.ge [sflag:s31], $0x4000  }
0x1da: {  	[sflag:s31] =	ssyncset.done $0x0  }
0x1db: {  	[sflag:s31] =	ssyncadd.s32 $0xFFFFC000  }
0x1dc: {  	v3 =	vld [tilespmem:$0x800];
	_ =	sdelay $0x4  }
0x1dd: {  	v48 =	vshll.u32 v3, $0x3  }
0x1de: {  	v3 =	vand.u32 $0x7, v3;
	v4 =	vand.u32 $0xFFFFFFC0, v48  }
0x1df: {  	v3 =	vor.u32 v3, v4  }
0x1e0: {  	v4 =	vperm.xlane v3, v0;
	_ =	sdelay $0x1  }
0x1e1: {  	v4 =	vadd.s32 v1, v4;
	_ =	sdelay $0x3  }
0x1e2: {  	s19 =	simm.s32 $0x9000  }
0x1e3: {  	[tilespmem:s19], [sflag:$0x3] =	stream.indirect_vreg.gather [hbm4b:s2+s3], $0x80, v4, vm0, $0xb8;
	[tilespmem:$0x1D000] =	vst v63  }
0x1e4: {  	v3 =	vperm.xlane v3, v2;
	s19 =	simm.s32 $0x9800  }
0x1e5: {  	[tilespmem:s19], [sflag:$0x3] =	stream.indirect_vreg.gather [hbm4b:s5+s3], $0x80, v4, vm0, $0xb8;
	[tilespmem:$0x1D000] =	vst v63  }
0x1e6: {  	v3 =	vadd.s32 v1, v3  }
0x1e7: {  	[tilespmem:s10], [sflag:$0x3] =	stream.indirect_vreg.gather [hbm4b:s6+s3], $0x80, v4, vm0, $0xb8;
	[tilespmem:$0x1D000] =	vst v63  }
0x1e8: {  	_ = 	snop  }
0x1e9: {  	[tilespmem:s18], [sflag:$0x3] =	stream.indirect_vreg.gather [hbm4b:s7+s3], $0x80, v4, vm0, $0xb8;
	[tilespmem:$0x1D000] =	vst v63  }
0x1ea: {  	_ = 	snop  }
0x1eb: {  	[tilespmem:s26], [sflag:$0x3] =	stream.indirect_vreg.gather [hbm4b:s2+s3], $0x80, v3, vm0, $0xb8;
	[tilespmem:$0x1D000] =	vst v63  }
0x1ec: {  	s14 =	simm.s32 $0xB800  }
0x1ed: {  	[tilespmem:s14], [sflag:$0x3] =	stream.indirect_vreg.gather [hbm4b:s5+s3], $0x80, v3, vm0, $0xb8;
	[tilespmem:$0x1D000] =	vst v63  }
0x1ee: {  	s18 =	simm.s32 $0xC000  }
0x1ef: {  	[tilespmem:s18], [sflag:$0x3] =	stream.indirect_vreg.gather [hbm4b:s6+s3], $0x80, v3, vm0, $0xb8;
	[tilespmem:$0x1D000] =	vst v63  }
0x1f0: {  	s4 =	simm.s32 $0xC800  }
0x1f1: {  	[tilespmem:s4], [sflag:$0x3] =	stream.indirect_vreg.gather [hbm4b:s7+s3], $0x80, v3, vm0, $0xb8;
	[tilespmem:$0x1D000] =	vst v63  }
0x1f2: {  	_ =	swait.ge [sflag:s9], $0x4000  }
0x1f3: {  	[sflag:s9] =	ssyncset.done $0x0  }
0x1f4: {  	s18 =	simm.s32 $0x15000;
	s19 =	rddreg [dreg:$0x10];
	[sflag:s9] =	ssyncadd.s32 $0xFFFFC000  }
0x1f5: {  	[hbm4b:s19+s3] =	stream.linear.scatter [tilespmem:s18], [sflag:$0xD], $0x4000, $0x38;
	[tilespmem:$0x1D000] =	vst v63  }
0x1f6: {  	_ =	swait.ge [sflag:s0], $0x4000  }
0x1f7: {  	[sflag:s0] =	ssyncset.done $0x0  }
0x1f8: {  	[sflag:s0] =	ssyncadd.s32 $0xFFFFC000  }
0x1f9: {  	v3 =	vld [tilespmem:$0x880];
	_ =	sdelay $0x4  }
0x1fa: {  	v49 =	vshll.u32 v3, $0x3  }
0x1fb: {  	v3 =	vand.u32 $0x7, v3;
	v4 =	vand.u32 $0xFFFFFFC0, v49  }
0x1fc: {  	v3 =	vor.u32 v3, v4  }
0x1fd: {  	v4 =	vperm.xlane v3, v0;
	_ =	sdelay $0x1  }
0x1fe: {  	v4 =	vadd.s32 v1, v4;
	_ =	sdelay $0x3  }
0x1ff: {  	s16 =	simm.s32 $0xD000  }
0x200: {  	[tilespmem:s16], [sflag:$0x4] =	stream.indirect_vreg.gather [hbm4b:s2+s3], $0x80, v4, vm0, $0xb8;
	[tilespmem:$0x1D000] =	vst v63  }
0x201: {  	s26 =	simm.s32 $0xD800;
	v3 =	vperm.xlane v3, v2  }
0x202: {  	[tilespmem:s26], [sflag:$0x4] =	stream.indirect_vreg.gather [hbm4b:s5+s3], $0x80, v4, vm0, $0xb8;
	[tilespmem:$0x1D000] =	vst v63  }
0x203: {  	s14 =	simm.s32 $0xE000;
	v3 =	vadd.s32 v1, v3  }
0x204: {  	[tilespmem:s14], [sflag:$0x4] =	stream.indirect_vreg.gather [hbm4b:s6+s3], $0x80, v4, vm0, $0xb8;
	[tilespmem:$0x1D000] =	vst v63  }
0x205: {  	s19 =	simm.s32 $0xE800  }
0x206: {  	[tilespmem:s19], [sflag:$0x4] =	stream.indirect_vreg.gather [hbm4b:s7+s3], $0x80, v4, vm0, $0xb8;
	[tilespmem:$0x1D000] =	vst v63  }
0x207: {  	s26 =	simm.s32 $0xF000  }
0x208: {  	[tilespmem:s26], [sflag:$0x4] =	stream.indirect_vreg.gather [hbm4b:s2+s3], $0x80, v3, vm0, $0xb8;
	[tilespmem:$0x1D000] =	vst v63  }
0x209: {  	s10 =	simm.s32 $0xF800  }
0x20a: {  	[tilespmem:s10], [sflag:$0x4] =	stream.indirect_vreg.gather [hbm4b:s5+s3], $0x80, v3, vm0, $0xb8;
	[tilespmem:$0x1D000] =	vst v63  }
0x20b: {  	s14 =	simm.s32 $0x10000  }
0x20c: {  	[tilespmem:s14], [sflag:$0x4] =	stream.indirect_vreg.gather [hbm4b:s6+s3], $0x80, v3, vm0, $0xb8;
	[tilespmem:$0x1D000] =	vst v63  }
0x20d: {  	s19 =	simm.s32 $0x10800  }
0x20e: {  	[tilespmem:s19], [sflag:$0x4] =	stream.indirect_vreg.gather [hbm4b:s7+s3], $0x80, v3, vm0, $0xb8;
	[tilespmem:$0x1D000] =	vst v63  }
0x20f: {  	_ =	swait.ge [sflag:s11], $0x4000  }
0x210: {  	[sflag:s11] =	ssyncset.done $0x0  }
0x211: {  	s26 =	rddreg [dreg:$0x11];
	[sflag:s11] =	ssyncadd.s32 $0xFFFFC000  }
0x212: {  	[hbm4b:s26+s3] =	stream.linear.scatter [tilespmem:s30], [sflag:$0xE], $0x4000, $0x38;
	[tilespmem:$0x1D000] =	vst v63  }
0x213: {  	_ =	swait.ge [sflag:s12], $0x4000  }
0x214: {  	[sflag:s12] =	ssyncset.done $0x0  }
0x215: {  	[sflag:s12] =	ssyncadd.s32 $0xFFFFC000  }
0x216: {  	v3 =	vld [tilespmem:$0x900];
	_ =	sdelay $0x4  }
0x217: {  	v50 =	vshll.u32 v3, $0x3  }
0x218: {  	v3 =	vand.u32 $0x7, v3;
	v4 =	vand.u32 $0xFFFFFFC0, v50  }
0x219: {  	v3 =	vor.u32 v3, v4  }
0x21a: {  	v4 =	vperm.xlane v3, v0;
	_ =	sdelay $0x1  }
0x21b: {  	v4 =	vadd.s32 v1, v4;
	_ =	sdelay $0x4  }
0x21c: {  	[tilespmem:s23], [sflag:$0x5] =	stream.indirect_vreg.gather [hbm4b:s2+s3], $0x80, v4, vm0, $0xb8;
	[tilespmem:$0x1D000] =	vst v63  }
0x21d: {  	s30 =	simm.s32 $0x11800;
	v3 =	vperm.xlane v3, v2  }
0x21e: {  	[tilespmem:s30], [sflag:$0x5] =	stream.indirect_vreg.gather [hbm4b:s5+s3], $0x80, v4, vm0, $0xb8;
	[tilespmem:$0x1D000] =	vst v63  }
0x21f: {  	s19 =	simm.s32 $0x12000;
	v3 =	vadd.s32 v1, v3  }
0x220: {  	[tilespmem:s19], [sflag:$0x5] =	stream.indirect_vreg.gather [hbm4b:s6+s3], $0x80, v4, vm0, $0xb8;
	[tilespmem:$0x1D000] =	vst v63  }
0x221: {  	s26 =	simm.s32 $0x12800  }
0x222: {  	[tilespmem:s26], [sflag:$0x5] =	stream.indirect_vreg.gather [hbm4b:s7+s3], $0x80, v4, vm0, $0xb8;
	[tilespmem:$0x1D000] =	vst v63  }
0x223: {  	s30 =	simm.s32 $0x13000  }
0x224: {  	[tilespmem:s30], [sflag:$0x5] =	stream.indirect_vreg.gather [hbm4b:s2+s3], $0x80, v3, vm0, $0xb8;
	[tilespmem:$0x1D000] =	vst v63  }
0x225: {  	s19 =	simm.s32 $0x13800  }
0x226: {  	[tilespmem:s19], [sflag:$0x5] =	stream.indirect_vreg.gather [hbm4b:s5+s3], $0x80, v3, vm0, $0xb8;
	[tilespmem:$0x1D000] =	vst v63  }
0x227: {  	s26 =	simm.s32 $0x14000  }
0x228: {  	[tilespmem:s26], [sflag:$0x5] =	stream.indirect_vreg.gather [hbm4b:s6+s3], $0x80, v3, vm0, $0xb8;
	[tilespmem:$0x1D000] =	vst v63  }
0x229: {  	s30 =	simm.s32 $0x14800  }
0x22a: {  	[tilespmem:s30], [sflag:$0x5] =	stream.indirect_vreg.gather [hbm4b:s7+s3], $0x80, v3, vm0, $0xb8;
	[tilespmem:$0x1D000] =	vst v63  }
0x22b: {  	_ =	swait.ge [sflag:s20], $0x4000  }
0x22c: {  	[sflag:s20] =	ssyncset.done $0x0  }
0x22d: {  	s19 =	rddreg [dreg:$0x12];
	[sflag:s20] =	ssyncadd.s32 $0xFFFFC000  }
0x22e: {  	[hbm4b:s19+s3] =	stream.linear.scatter [tilespmem:s21], [sflag:$0x8], $0x4000, $0x38;
	[tilespmem:$0x1D000] =	vst v63  }
0x22f: {  	_ =	swait.ge [sflag:s13], $0x4000  }
0x230: {  	[sflag:s13] =	ssyncset.done $0x0  }
0x231: {  	[sflag:s13] =	ssyncadd.s32 $0xFFFFC000  }
0x232: {  	v3 =	vld [tilespmem:$0x980];
	_ =	sdelay $0x4  }
0x233: {  	v51 =	vshll.u32 v3, $0x3  }
0x234: {  	v3 =	vand.u32 $0x7, v3;
	v4 =	vand.u32 $0xFFFFFFC0, v51  }
0x235: {  	v3 =	vor.u32 v3, v4  }
0x236: {  	v4 =	vperm.xlane v3, v0;
	_ =	sdelay $0x1  }
0x237: {  	v4 =	vadd.s32 v1, v4;
	_ =	sdelay $0x4  }
0x238: {  	[tilespmem:s18], [sflag:$0x6] =	stream.indirect_vreg.gather [hbm4b:s2+s3], $0x80, v4, vm0, $0xb8;
	[tilespmem:$0x1D000] =	vst v63  }
0x239: {  	s26 =	simm.s32 $0x15800;
	v3 =	vperm.xlane v3, v2  }
0x23a: {  	[tilespmem:s26], [sflag:$0x6] =	stream.indirect_vreg.gather [hbm4b:s5+s3], $0x80, v4, vm0, $0xb8;
	[tilespmem:$0x1D000] =	vst v63  }
0x23b: {  	s30 =	simm.s32 $0x16000;
	v3 =	vadd.s32 v1, v3  }
0x23c: {  	[tilespmem:s30], [sflag:$0x6] =	stream.indirect_vreg.gather [hbm4b:s6+s3], $0x80, v4, vm0, $0xb8;
	[tilespmem:$0x1D000] =	vst v63  }
0x23d: {  	s18 =	simm.s32 $0x16800  }
0x23e: {  	[tilespmem:s18], [sflag:$0x6] =	stream.indirect_vreg.gather [hbm4b:s7+s3], $0x80, v4, vm0, $0xb8;
	[tilespmem:$0x1D000] =	vst v63  }
0x23f: {  	s19 =	simm.s32 $0x17000  }
0x240: {  	[tilespmem:s19], [sflag:$0x6] =	stream.indirect_vreg.gather [hbm4b:s2+s3], $0x80, v3, vm0, $0xb8;
	[tilespmem:$0x1D000] =	vst v63  }
0x241: {  	s30 =	simm.s32 $0x17800  }
0x242: {  	[tilespmem:s30], [sflag:$0x6] =	stream.indirect_vreg.gather [hbm4b:s5+s3], $0x80, v3, vm0, $0xb8;
	[tilespmem:$0x1D000] =	vst v63  }
0x243: {  	s18 =	simm.s32 $0x18000  }
0x244: {  	[tilespmem:s18], [sflag:$0x6] =	stream.indirect_vreg.gather [hbm4b:s6+s3], $0x80, v3, vm0, $0xb8;
	[tilespmem:$0x1D000] =	vst v63  }
0x245: {  	s19 =	simm.s32 $0x18800  }
0x246: {  	[tilespmem:s19], [sflag:$0x6] =	stream.indirect_vreg.gather [hbm4b:s7+s3], $0x80, v3, vm0, $0xb8;
	[tilespmem:$0x1D000] =	vst v63  }
0x247: {  	_ =	swait.ge [sflag:s22], $0x4000  }
0x248: {  	[sflag:s22] =	ssyncset.done $0x0  }
0x249: {  	s18 =	simm.s32 $0x5000;
	s30 =	rddreg [dreg:$0x13];
	[sflag:s22] =	ssyncadd.s32 $0xFFFFC000  }
0x24a: {  	[hbm4b:s30+s3] =	stream.linear.scatter [tilespmem:s18], [sflag:$0x9], $0x4000, $0x38;
	[tilespmem:$0x1D000] =	vst v63  }
0x24b: {  	_ =	swait.ge [sflag:s8], $0x4000  }
0x24c: {  	[sflag:s8] =	ssyncset.done $0x0  }
0x24d: {  	[sflag:s8] =	ssyncadd.s32 $0xFFFFC000  }
0x24e: {  	v3 =	vld [tilespmem:$0xA00];
	_ =	sdelay $0x4  }
0x24f: {  	v52 =	vshll.u32 v3, $0x3  }
0x250: {  	v3 =	vand.u32 $0x7, v3;
	v4 =	vand.u32 $0xFFFFFFC0, v52  }
0x251: {  	v3 =	vor.u32 v3, v4  }
0x252: {  	v4 =	vperm.xlane v3, v0;
	_ =	sdelay $0x1  }
0x253: {  	v4 =	vadd.s32 v1, v4;
	_ =	sdelay $0x3  }
0x254: {  	s10 =	simm.s32 $0x19000  }
0x255: {  	[tilespmem:s10], [sflag:$0x7] =	stream.indirect_vreg.gather [hbm4b:s2+s3], $0x80, v4, vm0, $0xb8;
	[tilespmem:$0x1D000] =	vst v63  }
0x256: {  	v3 =	vperm.xlane v3, v2;
	s10 =	simm.s32 $0x19800  }
0x257: {  	[tilespmem:s10], [sflag:$0x7] =	stream.indirect_vreg.gather [hbm4b:s5+s3], $0x80, v4, vm0, $0xb8;
	[tilespmem:$0x1D000] =	vst v63  }
0x258: {  	s19 =	simm.s32 $0x1A000;
	v3 =	vadd.s32 v1, v3  }
0x259: {  	[tilespmem:s19], [sflag:$0x7] =	stream.indirect_vreg.gather [hbm4b:s6+s3], $0x80, v4, vm0, $0xb8;
	[tilespmem:$0x1D000] =	vst v63  }
0x25a: {  	s30 =	simm.s32 $0x1A800  }
0x25b: {  	[tilespmem:s30], [sflag:$0x7] =	stream.indirect_vreg.gather [hbm4b:s7+s3], $0x80, v4, vm0, $0xb8;
	[tilespmem:$0x1D000] =	vst v63  }
0x25c: {  	s10 =	simm.s32 $0x1B000  }
0x25d: {  	[tilespmem:s10], [sflag:$0x7] =	stream.indirect_vreg.gather [hbm4b:s2+s3], $0x80, v3, vm0, $0xb8;
	[tilespmem:$0x1D000] =	vst v63  }
0x25e: {  	s19 =	simm.s32 $0x1B800  }
0x25f: {  	[tilespmem:s19], [sflag:$0x7] =	stream.indirect_vreg.gather [hbm4b:s5+s3], $0x80, v3, vm0, $0xb8;
	[tilespmem:$0x1D000] =	vst v63  }
0x260: {  	s30 =	simm.s32 $0x1C000  }
0x261: {  	[tilespmem:s30], [sflag:$0x7] =	stream.indirect_vreg.gather [hbm4b:s6+s3], $0x80, v3, vm0, $0xb8;
	[tilespmem:$0x1D000] =	vst v63  }
0x262: {  	s10 =	simm.s32 $0x1C800  }
0x263: {  	[tilespmem:s10], [sflag:$0x7] =	stream.indirect_vreg.gather [hbm4b:s7+s3], $0x80, v3, vm0, $0xb8;
	[tilespmem:$0x1D000] =	vst v63  }
0x264: {  	_ =	swait.ge [sflag:s24], $0x4000  }
0x265: {  	[sflag:s24] =	ssyncset.done $0x0  }
0x266: {  	s10 =	simm.s32 $0x9000;
	s19 =	rddreg [dreg:$0x14];
	[sflag:s24] =	ssyncadd.s32 $0xFFFFC000  }
0x267: {  	[hbm4b:s19+s3] =	stream.linear.scatter [tilespmem:s10], [sflag:$0xA], $0x4000, $0x38;
	[tilespmem:$0x1D000] =	vst v63  }
0x268: {  	_ =	swait.ge [sflag:s25], $0x4000  }
0x269: {  	[sflag:s25] =	ssyncset.done $0x0  }
0x26a: {  	[sflag:s25] =	ssyncadd.s32 $0xFFFFC000  }
0x26b: {  	v3 =	vld [tilespmem:$0xA80];
	_ =	sdelay $0x4  }
0x26c: {  	v53 =	vshll.u32 v3, $0x3  }
0x26d: {  	v3 =	vand.u32 $0x7, v3;
	v4 =	vand.u32 $0xFFFFFFC0, v53  }
0x26e: {  	v3 =	vor.u32 v3, v4  }
0x26f: {  	v4 =	vperm.xlane v3, v0;
	_ =	sdelay $0x1  }
0x270: {  	v4 =	vadd.s32 v1, v4;
	_ =	sdelay $0x4  }
0x271: {  	[tilespmem:s21], [sflag:$0x1] =	stream.indirect_vreg.gather [hbm4b:s2+s3], $0x80, v4, vm0, $0xb8;
	[tilespmem:$0x1D000] =	vst v63  }
0x272: {  	v3 =	vperm.xlane v3, v2;
	s21 =	simm.s32 $0x1800  }
0x273: {  	[tilespmem:s21], [sflag:$0x1] =	stream.indirect_vreg.gather [hbm4b:s5+s3], $0x80, v4, vm0, $0xb8;
	[tilespmem:$0x1D000] =	vst v63  }
0x274: {  	s30 =	simm.s32 $0x2000;
	v3 =	vadd.s32 v1, v3  }
0x275: {  	[tilespmem:s30], [sflag:$0x1] =	stream.indirect_vreg.gather [hbm4b:s6+s3], $0x80, v4, vm0, $0xb8;
	[tilespmem:$0x1D000] =	vst v63  }
0x276: {  	s19 =	simm.s32 $0x2800  }
0x277: {  	[tilespmem:s19], [sflag:$0x1] =	stream.indirect_vreg.gather [hbm4b:s7+s3], $0x80, v4, vm0, $0xb8;
	[tilespmem:$0x1D000] =	vst v63  }
0x278: {  	s21 =	simm.s32 $0x3000  }
0x279: {  	[tilespmem:s21], [sflag:$0x1] =	stream.indirect_vreg.gather [hbm4b:s2+s3], $0x80, v3, vm0, $0xb8;
	[tilespmem:$0x1D000] =	vst v63  }
0x27a: {  	s19 =	simm.s32 $0x3800  }
0x27b: {  	[tilespmem:s19], [sflag:$0x1] =	stream.indirect_vreg.gather [hbm4b:s5+s3], $0x80, v3, vm0, $0xb8;
	[tilespmem:$0x1D000] =	vst v63  }
0x27c: {  	_ = 	snop  }
0x27d: {  	[tilespmem:s17], [sflag:$0x1] =	stream.indirect_vreg.gather [hbm4b:s6+s3], $0x80, v3, vm0, $0xb8;
	[tilespmem:$0x1D000] =	vst v63  }
0x27e: {  	s17 =	simm.s32 $0x4800  }
0x27f: {  	[tilespmem:s17], [sflag:$0x1] =	stream.indirect_vreg.gather [hbm4b:s7+s3], $0x80, v3, vm0, $0xb8;
	[tilespmem:$0x1D000] =	vst v63  }
0x280: {  	_ =	swait.ge [sflag:s28], $0x4000  }
0x281: {  	[sflag:s28] =	ssyncset.done $0x0  }
0x282: {  	s30 =	rddreg [dreg:$0x15];
	[sflag:s28] =	ssyncadd.s32 $0xFFFFC000  }
0x283: {  	[hbm4b:s30+s3] =	stream.linear.scatter [tilespmem:s16], [sflag:$0xB], $0x4000, $0x38;
	[tilespmem:$0x1D000] =	vst v63  }
0x284: {  	_ =	swait.ge [sflag:s29], $0x4000  }
0x285: {  	[sflag:s29] =	ssyncset.done $0x0  }
0x286: {  	[sflag:s29] =	ssyncadd.s32 $0xFFFFC000  }
0x287: {  	v3 =	vld [tilespmem:$0xB00];
	_ =	sdelay $0x4  }
0x288: {  	v54 =	vshll.u32 v3, $0x3  }
0x289: {  	v3 =	vand.u32 $0x7, v3;
	v4 =	vand.u32 $0xFFFFFFC0, v54  }
0x28a: {  	v3 =	vor.u32 v3, v4  }
0x28b: {  	v4 =	vperm.xlane v3, v0;
	_ =	sdelay $0x1  }
0x28c: {  	v4 =	vadd.s32 v1, v4;
	_ =	sdelay $0x4  }
0x28d: {  	[tilespmem:s18], [sflag:$0x2] =	stream.indirect_vreg.gather [hbm4b:s2+s3], $0x80, v4, vm0, $0xb8;
	[tilespmem:$0x1D000] =	vst v63  }
0x28e: {  	s21 =	simm.s32 $0x5800;
	v3 =	vperm.xlane v3, v2  }
0x28f: {  	[tilespmem:s21], [sflag:$0x2] =	stream.indirect_vreg.gather [hbm4b:s5+s3], $0x80, v4, vm0, $0xb8;
	[tilespmem:$0x1D000] =	vst v63  }
0x290: {  	s30 =	simm.s32 $0x6000;
	v3 =	vadd.s32 v1, v3  }
0x291: {  	[tilespmem:s30], [sflag:$0x2] =	stream.indirect_vreg.gather [hbm4b:s6+s3], $0x80, v4, vm0, $0xb8;
	[tilespmem:$0x1D000] =	vst v63  }
0x292: {  	s18 =	simm.s32 $0x6800  }
0x293: {  	[tilespmem:s18], [sflag:$0x2] =	stream.indirect_vreg.gather [hbm4b:s7+s3], $0x80, v4, vm0, $0xb8;
	[tilespmem:$0x1D000] =	vst v63  }
0x294: {  	s21 =	simm.s32 $0x7000  }
0x295: {  	[tilespmem:s21], [sflag:$0x2] =	stream.indirect_vreg.gather [hbm4b:s2+s3], $0x80, v3, vm0, $0xb8;
	[tilespmem:$0x1D000] =	vst v63  }
0x296: {  	s30 =	simm.s32 $0x7800  }
0x297: {  	[tilespmem:s30], [sflag:$0x2] =	stream.indirect_vreg.gather [hbm4b:s5+s3], $0x80, v3, vm0, $0xb8;
	[tilespmem:$0x1D000] =	vst v63  }
0x298: {  	s21 =	simm.s32 $0x8000  }
0x299: {  	[tilespmem:s21], [sflag:$0x2] =	stream.indirect_vreg.gather [hbm4b:s6+s3], $0x80, v3, vm0, $0xb8;
	[tilespmem:$0x1D000] =	vst v63  }
0x29a: {  	_ = 	snop  }
0x29b: {  	[tilespmem:s15], [sflag:$0x2] =	stream.indirect_vreg.gather [hbm4b:s7+s3], $0x80, v3, vm0, $0xb8;
	[tilespmem:$0x1D000] =	vst v63  }
0x29c: {  	_ =	swait.ge [sflag:s1], $0x4000  }
0x29d: {  	[sflag:s1] =	ssyncset.done $0x0  }
0x29e: {  	s23 =	simm.s32 $0x11000;
	s18 =	rddreg [dreg:$0x16];
	[sflag:s1] =	ssyncadd.s32 $0xFFFFC000  }
0x29f: {  	[hbm4b:s18+s3] =	stream.linear.scatter [tilespmem:s23], [sflag:$0xC], $0x4000, $0x38;
	[tilespmem:$0x1D000] =	vst v63  }
0x2a0: {  	_ =	swait.ge [sflag:s31], $0x4000  }
0x2a1: {  	[sflag:s31] =	ssyncset.done $0x0  }
0x2a2: {  	[sflag:s31] =	ssyncadd.s32 $0xFFFFC000  }
0x2a3: {  	v3 =	vld [tilespmem:$0xB80];
	_ =	sdelay $0x4  }
0x2a4: {  	v55 =	vshll.u32 v3, $0x3  }
0x2a5: {  	v3 =	vand.u32 $0x7, v3;
	v4 =	vand.u32 $0xFFFFFFC0, v55  }
0x2a6: {  	v3 =	vor.u32 v3, v4  }
0x2a7: {  	v4 =	vperm.xlane v3, v0;
	_ =	sdelay $0x1  }
0x2a8: {  	v4 =	vadd.s32 v1, v4;
	_ =	sdelay $0x4  }
0x2a9: {  	[tilespmem:s10], [sflag:$0x3] =	stream.indirect_vreg.gather [hbm4b:s2+s3], $0x80, v4, vm0, $0xb8;
	[tilespmem:$0x1D000] =	vst v63  }
0x2aa: {  	s30 =	simm.s32 $0x9800;
	v3 =	vperm.xlane v3, v2  }
0x2ab: {  	[tilespmem:s30], [sflag:$0x3] =	stream.indirect_vreg.gather [hbm4b:s5+s3], $0x80, v4, vm0, $0xb8;
	[tilespmem:$0x1D000] =	vst v63  }
0x2ac: {  	s15 =	simm.s32 $0xA000;
	v3 =	vadd.s32 v1, v3  }
0x2ad: {  	[tilespmem:s15], [sflag:$0x3] =	stream.indirect_vreg.gather [hbm4b:s6+s3], $0x80, v4, vm0, $0xb8;
	[tilespmem:$0x1D000] =	vst v63  }
0x2ae: {  	s23 =	simm.s32 $0xA800  }
0x2af: {  	[tilespmem:s23], [sflag:$0x3] =	stream.indirect_vreg.gather [hbm4b:s7+s3], $0x80, v4, vm0, $0xb8;
	[tilespmem:$0x1D000] =	vst v63  }
0x2b0: {  	s30 =	simm.s32 $0xB000  }
0x2b1: {  	[tilespmem:s30], [sflag:$0x3] =	stream.indirect_vreg.gather [hbm4b:s2+s3], $0x80, v3, vm0, $0xb8;
	[tilespmem:$0x1D000] =	vst v63  }
0x2b2: {  	s23 =	simm.s32 $0xB800  }
0x2b3: {  	[tilespmem:s23], [sflag:$0x3] =	stream.indirect_vreg.gather [hbm4b:s5+s3], $0x80, v3, vm0, $0xb8;
	[tilespmem:$0x1D000] =	vst v63  }
0x2b4: {  	s30 =	simm.s32 $0xC000  }
0x2b5: {  	[tilespmem:s30], [sflag:$0x3] =	stream.indirect_vreg.gather [hbm4b:s6+s3], $0x80, v3, vm0, $0xb8;
	[tilespmem:$0x1D000] =	vst v63  }
0x2b6: {  	_ = 	snop  }
0x2b7: {  	[tilespmem:s4], [sflag:$0x3] =	stream.indirect_vreg.gather [hbm4b:s7+s3], $0x80, v3, vm0, $0xb8;
	[tilespmem:$0x1D000] =	vst v63  }
0x2b8: {  	_ =	swait.ge [sflag:s9], $0x4000  }
0x2b9: {  	[sflag:s9] =	ssyncset.done $0x0  }
0x2ba: {  	s15 =	simm.s32 $0x15000;
	s4 =	rddreg [dreg:$0x17];
	[sflag:s9] =	ssyncadd.s32 $0xFFFFC000  }
0x2bb: {  	[hbm4b:s4+s3] =	stream.linear.scatter [tilespmem:s15], [sflag:$0xD], $0x4000, $0x38;
	[tilespmem:$0x1D000] =	vst v63  }
0x2bc: {  	_ =	swait.ge [sflag:s0], $0x4000  }
0x2bd: {  	[sflag:s0] =	ssyncset.done $0x0  }
0x2be: {  	[sflag:s0] =	ssyncadd.s32 $0xFFFFC000  }
0x2bf: {  	v3 =	vld [tilespmem:$0xC00];
	_ =	sdelay $0x4  }
0x2c0: {  	v56 =	vshll.u32 v3, $0x3  }
0x2c1: {  	v3 =	vand.u32 $0x7, v3;
	v4 =	vand.u32 $0xFFFFFFC0, v56  }
0x2c2: {  	v3 =	vor.u32 v3, v4  }
0x2c3: {  	v4 =	vperm.xlane v3, v0;
	_ =	sdelay $0x1  }
0x2c4: {  	v4 =	vadd.s32 v1, v4;
	_ =	sdelay $0x4  }
0x2c5: {  	[tilespmem:s16], [sflag:$0x4] =	stream.indirect_vreg.gather [hbm4b:s2+s3], $0x80, v4, vm0, $0xb8;
	[tilespmem:$0x1D000] =	vst v63  }
0x2c6: {  	v3 =	vperm.xlane v3, v2;
	s16 =	simm.s32 $0xD800  }
0x2c7: {  	[tilespmem:s16], [sflag:$0x4] =	stream.indirect_vreg.gather [hbm4b:s5+s3], $0x80, v4, vm0, $0xb8;
	[tilespmem:$0x1D000] =	vst v63  }
0x2c8: {  	s14 =	simm.s32 $0xE000;
	v3 =	vadd.s32 v1, v3  }
0x2c9: {  	[tilespmem:s14], [sflag:$0x4] =	stream.indirect_vreg.gather [hbm4b:s6+s3], $0x80, v4, vm0, $0xb8;
	[tilespmem:$0x1D000] =	vst v63  }
0x2ca: {  	s16 =	simm.s32 $0xE800  }
0x2cb: {  	[tilespmem:s16], [sflag:$0x4] =	stream.indirect_vreg.gather [hbm4b:s7+s3], $0x80, v4, vm0, $0xb8;
	[tilespmem:$0x1D000] =	vst v63  }
0x2cc: {  	s4 =	simm.s32 $0xF000  }
0x2cd: {  	[tilespmem:s4], [sflag:$0x4] =	stream.indirect_vreg.gather [hbm4b:s2+s3], $0x80, v3, vm0, $0xb8;
	[tilespmem:$0x1D000] =	vst v63  }
0x2ce: {  	s16 =	simm.s32 $0xF800  }
0x2cf: {  	[tilespmem:s16], [sflag:$0x4] =	stream.indirect_vreg.gather [hbm4b:s5+s3], $0x80, v3, vm0, $0xb8;
	[tilespmem:$0x1D000] =	vst v63  }
0x2d0: {  	s14 =	simm.s32 $0x10000  }
0x2d1: {  	[tilespmem:s14], [sflag:$0x4] =	stream.indirect_vreg.gather [hbm4b:s6+s3], $0x80, v3, vm0, $0xb8;
	[tilespmem:$0x1D000] =	vst v63  }
0x2d2: {  	s16 =	simm.s32 $0x10800  }
0x2d3: {  	[tilespmem:s16], [sflag:$0x4] =	stream.indirect_vreg.gather [hbm4b:s7+s3], $0x80, v3, vm0, $0xb8;
	[tilespmem:$0x1D000] =	vst v63  }
0x2d4: {  	_ =	swait.ge [sflag:s11], $0x4000  }
0x2d5: {  	[sflag:s11] =	ssyncset.done $0x0  }
0x2d6: {  	s16 =	simm.s32 $0x19000;
	s4 =	rddreg [dreg:$0x18];
	[sflag:s11] =	ssyncadd.s32 $0xFFFFC000  }
0x2d7: {  	[hbm4b:s4+s3] =	stream.linear.scatter [tilespmem:s16], [sflag:$0xE], $0x4000, $0x38;
	[tilespmem:$0x1D000] =	vst v63  }
0x2d8: {  	_ =	swait.ge [sflag:s12], $0x4000  }
0x2d9: {  	[sflag:s12] =	ssyncset.done $0x0  }
0x2da: {  	[sflag:s12] =	ssyncadd.s32 $0xFFFFC000  }
0x2db: {  	v3 =	vld [tilespmem:$0xC80];
	_ =	sdelay $0x4  }
0x2dc: {  	v57 =	vshll.u32 v3, $0x3  }
0x2dd: {  	v3 =	vand.u32 $0x7, v3;
	v4 =	vand.u32 $0xFFFFFFC0, v57  }
0x2de: {  	v3 =	vor.u32 v3, v4  }
0x2df: {  	v4 =	vperm.xlane v3, v0;
	_ =	sdelay $0x1  }
0x2e0: {  	v4 =	vadd.s32 v1, v4;
	_ =	sdelay $0x3  }
0x2e1: {  	s18 =	simm.s32 $0x11000  }
0x2e2: {  	[tilespmem:s18], [sflag:$0x5] =	stream.indirect_vreg.gather [hbm4b:s2+s3], $0x80, v4, vm0, $0xb8;
	[tilespmem:$0x1D000] =	vst v63  }
0x2e3: {  	s14 =	simm.s32 $0x11800;
	v3 =	vperm.xlane v3, v2  }
0x2e4: {  	[tilespmem:s14], [sflag:$0x5] =	stream.indirect_vreg.gather [hbm4b:s5+s3], $0x80, v4, vm0, $0xb8;
	[tilespmem:$0x1D000] =	vst v63  }
0x2e5: {  	v3 =	vadd.s32 v1, v3;
	s14 =	simm.s32 $0x12000  }
0x2e6: {  	[tilespmem:s14], [sflag:$0x5] =	stream.indirect_vreg.gather [hbm4b:s6+s3], $0x80, v4, vm0, $0xb8;
	[tilespmem:$0x1D000] =	vst v63  }
0x2e7: {  	s14 =	simm.s32 $0x12800  }
0x2e8: {  	[tilespmem:s14], [sflag:$0x5] =	stream.indirect_vreg.gather [hbm4b:s7+s3], $0x80, v4, vm0, $0xb8;
	[tilespmem:$0x1D000] =	vst v63  }
0x2e9: {  	s14 =	simm.s32 $0x13000  }
0x2ea: {  	[tilespmem:s14], [sflag:$0x5] =	stream.indirect_vreg.gather [hbm4b:s2+s3], $0x80, v3, vm0, $0xb8;
	[tilespmem:$0x1D000] =	vst v63  }
0x2eb: {  	s14 =	simm.s32 $0x13800  }
0x2ec: {  	[tilespmem:s14], [sflag:$0x5] =	stream.indirect_vreg.gather [hbm4b:s5+s3], $0x80, v3, vm0, $0xb8;
	[tilespmem:$0x1D000] =	vst v63  }
0x2ed: {  	s14 =	simm.s32 $0x14000  }
0x2ee: {  	[tilespmem:s14], [sflag:$0x5] =	stream.indirect_vreg.gather [hbm4b:s6+s3], $0x80, v3, vm0, $0xb8;
	[tilespmem:$0x1D000] =	vst v63  }
0x2ef: {  	s14 =	simm.s32 $0x14800  }
0x2f0: {  	[tilespmem:s14], [sflag:$0x5] =	stream.indirect_vreg.gather [hbm4b:s7+s3], $0x80, v3, vm0, $0xb8;
	[tilespmem:$0x1D000] =	vst v63  }
0x2f1: {  	_ =	swait.ge [sflag:s20], $0x4000  }
0x2f2: {  	[sflag:s20] =	ssyncset.done $0x0  }
0x2f3: {  	s4 =	simm.s32 $0x1000;
	s14 =	rddreg [dreg:$0x19];
	[sflag:s20] =	ssyncadd.s32 $0xFFFFC000  }
0x2f4: {  	[hbm4b:s14+s3] =	stream.linear.scatter [tilespmem:s4], [sflag:$0x8], $0x4000, $0x38;
	[tilespmem:$0x1D000] =	vst v63  }
0x2f5: {  	_ =	swait.ge [sflag:s13], $0x4000  }
0x2f6: {  	[sflag:s13] =	ssyncset.done $0x0  }
0x2f7: {  	[sflag:s13] =	ssyncadd.s32 $0xFFFFC000  }
0x2f8: {  	v3 =	vld [tilespmem:$0xD00];
	_ =	sdelay $0x4  }
0x2f9: {  	v58 =	vshll.u32 v3, $0x3  }
0x2fa: {  	v3 =	vand.u32 $0x7, v3;
	v4 =	vand.u32 $0xFFFFFFC0, v58  }
0x2fb: {  	v3 =	vor.u32 v3, v4  }
0x2fc: {  	v4 =	vperm.xlane v3, v0;
	_ =	sdelay $0x1  }
0x2fd: {  	v4 =	vadd.s32 v1, v4;
	_ =	sdelay $0x3  }
0x2fe: {  	s15 =	simm.s32 $0x15000  }
0x2ff: {  	[tilespmem:s15], [sflag:$0x6] =	stream.indirect_vreg.gather [hbm4b:s2+s3], $0x80, v4, vm0, $0xb8;
	[tilespmem:$0x1D000] =	vst v63  }
0x300: {  	s14 =	simm.s32 $0x15800;
	v3 =	vperm.xlane v3, v2  }
0x301: {  	[tilespmem:s14], [sflag:$0x6] =	stream.indirect_vreg.gather [hbm4b:s5+s3], $0x80, v4, vm0, $0xb8;
	[tilespmem:$0x1D000] =	vst v63  }
0x302: {  	s26 =	simm.s32 $0x16000;
	v3 =	vadd.s32 v1, v3  }
0x303: {  	[tilespmem:s26], [sflag:$0x6] =	stream.indirect_vreg.gather [hbm4b:s6+s3], $0x80, v4, vm0, $0xb8;
	[tilespmem:$0x1D000] =	vst v63  }
0x304: {  	s26 =	simm.s32 $0x16800  }
0x305: {  	[tilespmem:s26], [sflag:$0x6] =	stream.indirect_vreg.gather [hbm4b:s7+s3], $0x80, v4, vm0, $0xb8;
	[tilespmem:$0x1D000] =	vst v63  }
0x306: {  	s26 =	simm.s32 $0x17000  }
0x307: {  	[tilespmem:s26], [sflag:$0x6] =	stream.indirect_vreg.gather [hbm4b:s2+s3], $0x80, v3, vm0, $0xb8;
	[tilespmem:$0x1D000] =	vst v63  }
0x308: {  	s26 =	simm.s32 $0x17800  }
0x309: {  	[tilespmem:s26], [sflag:$0x6] =	stream.indirect_vreg.gather [hbm4b:s5+s3], $0x80, v3, vm0, $0xb8;
	[tilespmem:$0x1D000] =	vst v63  }
0x30a: {  	s26 =	simm.s32 $0x18000  }
0x30b: {  	[tilespmem:s26], [sflag:$0x6] =	stream.indirect_vreg.gather [hbm4b:s6+s3], $0x80, v3, vm0, $0xb8;
	[tilespmem:$0x1D000] =	vst v63  }
0x30c: {  	s26 =	simm.s32 $0x18800  }
0x30d: {  	[tilespmem:s26], [sflag:$0x6] =	stream.indirect_vreg.gather [hbm4b:s7+s3], $0x80, v3, vm0, $0xb8;
	[tilespmem:$0x1D000] =	vst v63  }
0x30e: {  	_ =	swait.ge [sflag:s22], $0x4000  }
0x30f: {  	[sflag:s22] =	ssyncset.done $0x0  }
0x310: {  	s26 =	simm.s32 $0x5000;
	s14 =	rddreg [dreg:$0x1a];
	[sflag:s22] =	ssyncadd.s32 $0xFFFFC000  }
0x311: {  	[hbm4b:s14+s3] =	stream.linear.scatter [tilespmem:s26], [sflag:$0x9], $0x4000, $0x38;
	[tilespmem:$0x1D000] =	vst v63  }
0x312: {  	_ =	swait.ge [sflag:s8], $0x4000  }
0x313: {  	[sflag:s8] =	ssyncset.done $0x0  }
0x314: {  	[sflag:s8] =	ssyncadd.s32 $0xFFFFC000  }
0x315: {  	v3 =	vld [tilespmem:$0xD80];
	_ =	sdelay $0x4  }
0x316: {  	v59 =	vshll.u32 v3, $0x3  }
0x317: {  	v3 =	vand.u32 $0x7, v3;
	v4 =	vand.u32 $0xFFFFFFC0, v59  }
0x318: {  	v3 =	vor.u32 v3, v4  }
0x319: {  	v4 =	vperm.xlane v3, v0;
	_ =	sdelay $0x1  }
0x31a: {  	v4 =	vadd.s32 v1, v4;
	_ =	sdelay $0x4  }
0x31b: {  	[tilespmem:s16], [sflag:$0x7] =	stream.indirect_vreg.gather [hbm4b:s2+s3], $0x80, v4, vm0, $0xb8;
	[tilespmem:$0x1D000] =	vst v63  }
0x31c: {  	s14 =	simm.s32 $0x19800;
	v3 =	vperm.xlane v3, v2  }
0x31d: {  	[tilespmem:s14], [sflag:$0x7] =	stream.indirect_vreg.gather [hbm4b:s5+s3], $0x80, v4, vm0, $0xb8;
	[tilespmem:$0x1D000] =	vst v63  }
0x31e: {  	v3 =	vadd.s32 v1, v3;
	s14 =	simm.s32 $0x1A000  }
0x31f: {  	[tilespmem:s14], [sflag:$0x7] =	stream.indirect_vreg.gather [hbm4b:s6+s3], $0x80, v4, vm0, $0xb8;
	[tilespmem:$0x1D000] =	vst v63  }
0x320: {  	s14 =	simm.s32 $0x1A800  }
0x321: {  	[tilespmem:s14], [sflag:$0x7] =	stream.indirect_vreg.gather [hbm4b:s7+s3], $0x80, v4, vm0, $0xb8;
	[tilespmem:$0x1D000] =	vst v63  }
0x322: {  	s14 =	simm.s32 $0x1B000  }
0x323: {  	[tilespmem:s14], [sflag:$0x7] =	stream.indirect_vreg.gather [hbm4b:s2+s3], $0x80, v3, vm0, $0xb8;
	[tilespmem:$0x1D000] =	vst v63  }
0x324: {  	s14 =	simm.s32 $0x1B800  }
0x325: {  	[tilespmem:s14], [sflag:$0x7] =	stream.indirect_vreg.gather [hbm4b:s5+s3], $0x80, v3, vm0, $0xb8;
	[tilespmem:$0x1D000] =	vst v63  }
0x326: {  	s14 =	simm.s32 $0x1C000  }
0x327: {  	[tilespmem:s14], [sflag:$0x7] =	stream.indirect_vreg.gather [hbm4b:s6+s3], $0x80, v3, vm0, $0xb8;
	[tilespmem:$0x1D000] =	vst v63  }
0x328: {  	s14 =	simm.s32 $0x1C800  }
0x329: {  	[tilespmem:s14], [sflag:$0x7] =	stream.indirect_vreg.gather [hbm4b:s7+s3], $0x80, v3, vm0, $0xb8;
	[tilespmem:$0x1D000] =	vst v63  }
0x32a: {  	_ =	swait.ge [sflag:s24], $0x4000  }
0x32b: {  	[sflag:s24] =	ssyncset.done $0x0  }
0x32c: {  	s10 =	simm.s32 $0x9000;
	s14 =	rddreg [dreg:$0x1b];
	[sflag:s24] =	ssyncadd.s32 $0xFFFFC000  }
0x32d: {  	[hbm4b:s14+s3] =	stream.linear.scatter [tilespmem:s10], [sflag:$0xA], $0x4000, $0x38;
	[tilespmem:$0x1D000] =	vst v63  }
0x32e: {  	_ =	swait.ge [sflag:s25], $0x4000  }
0x32f: {  	[sflag:s25] =	ssyncset.done $0x0  }
0x330: {  	[sflag:s25] =	ssyncadd.s32 $0xFFFFC000  }
0x331: {  	v3 =	vld [tilespmem:$0xE00];
	_ =	sdelay $0x4  }
0x332: {  	v60 =	vshll.u32 v3, $0x3  }
0x333: {  	v3 =	vand.u32 $0x7, v3;
	v4 =	vand.u32 $0xFFFFFFC0, v60  }
0x334: {  	v3 =	vor.u32 v3, v4  }
0x335: {  	v4 =	vperm.xlane v3, v0;
	_ =	sdelay $0x1  }
0x336: {  	v4 =	vadd.s32 v1, v4;
	_ =	sdelay $0x4  }
0x337: {  	[tilespmem:s4], [sflag:$0x1] =	stream.indirect_vreg.gather [hbm4b:s2+s3], $0x80, v4, vm0, $0xb8;
	[tilespmem:$0x1D000] =	vst v63  }
0x338: {  	s14 =	simm.s32 $0x1800;
	v3 =	vperm.xlane v3, v2  }
0x339: {  	[tilespmem:s14], [sflag:$0x1] =	stream.indirect_vreg.gather [hbm4b:s5+s3], $0x80, v4, vm0, $0xb8;
	[tilespmem:$0x1D000] =	vst v63  }
0x33a: {  	v3 =	vadd.s32 v1, v3;
	s14 =	simm.s32 $0x2000  }
0x33b: {  	[tilespmem:s14], [sflag:$0x1] =	stream.indirect_vreg.gather [hbm4b:s6+s3], $0x80, v4, vm0, $0xb8;
	[tilespmem:$0x1D000] =	vst v63  }
0x33c: {  	s14 =	simm.s32 $0x2800  }
0x33d: {  	[tilespmem:s14], [sflag:$0x1] =	stream.indirect_vreg.gather [hbm4b:s7+s3], $0x80, v4, vm0, $0xb8;
	[tilespmem:$0x1D000] =	vst v63  }
0x33e: {  	s14 =	simm.s32 $0x3000  }
0x33f: {  	[tilespmem:s14], [sflag:$0x1] =	stream.indirect_vreg.gather [hbm4b:s2+s3], $0x80, v3, vm0, $0xb8;
	[tilespmem:$0x1D000] =	vst v63  }
0x340: {  	_ = 	snop  }
0x341: {  	[tilespmem:s19], [sflag:$0x1] =	stream.indirect_vreg.gather [hbm4b:s5+s3], $0x80, v3, vm0, $0xb8;
	[tilespmem:$0x1D000] =	vst v63  }
0x342: {  	s19 =	simm.s32 $0x4000  }
0x343: {  	[tilespmem:s19], [sflag:$0x1] =	stream.indirect_vreg.gather [hbm4b:s6+s3], $0x80, v3, vm0, $0xb8;
	[tilespmem:$0x1D000] =	vst v63  }
0x344: {  	_ = 	snop  }
0x345: {  	[tilespmem:s17], [sflag:$0x1] =	stream.indirect_vreg.gather [hbm4b:s7+s3], $0x80, v3, vm0, $0xb8;
	[tilespmem:$0x1D000] =	vst v63  }
0x346: {  	_ =	swait.ge [sflag:s28], $0x4000  }
0x347: {  	[sflag:s28] =	ssyncset.done $0x0  }
0x348: {  	s17 =	simm.s32 $0xD000;
	s19 =	rddreg [dreg:$0x1c];
	[sflag:s28] =	ssyncadd.s32 $0xFFFFC000  }
0x349: {  	[hbm4b:s19+s3] =	stream.linear.scatter [tilespmem:s17], [sflag:$0xB], $0x4000, $0x38;
	[tilespmem:$0x1D000] =	vst v63  }
0x34a: {  	_ =	swait.ge [sflag:s29], $0x4000  }
0x34b: {  	[sflag:s29] =	ssyncset.done $0x0  }
0x34c: {  	[sflag:s29] =	ssyncadd.s32 $0xFFFFC000  }
0x34d: {  	v3 =	vld [tilespmem:$0xE80];
	_ =	sdelay $0x4  }
0x34e: {  	v61 =	vshll.u32 v3, $0x3  }
0x34f: {  	v3 =	vand.u32 $0x7, v3;
	v4 =	vand.u32 $0xFFFFFFC0, v61  }
0x350: {  	v3 =	vor.u32 v3, v4  }
0x351: {  	v4 =	vperm.xlane v3, v0;
	_ =	sdelay $0x1  }
0x352: {  	v4 =	vadd.s32 v1, v4;
	_ =	sdelay $0x4  }
0x353: {  	[tilespmem:s26], [sflag:$0x2] =	stream.indirect_vreg.gather [hbm4b:s2+s3], $0x80, v4, vm0, $0xb8;
	[tilespmem:$0x1D000] =	vst v63  }
0x354: {  	v3 =	vperm.xlane v3, v2;
	s26 =	simm.s32 $0x5800  }
0x355: {  	[tilespmem:s26], [sflag:$0x2] =	stream.indirect_vreg.gather [hbm4b:s5+s3], $0x80, v4, vm0, $0xb8;
	[tilespmem:$0x1D000] =	vst v63  }
0x356: {  	v3 =	vadd.s32 v1, v3;
	s26 =	simm.s32 $0x6000  }
0x357: {  	[tilespmem:s26], [sflag:$0x2] =	stream.indirect_vreg.gather [hbm4b:s6+s3], $0x80, v4, vm0, $0xb8;
	[tilespmem:$0x1D000] =	vst v63  }
0x358: {  	s26 =	simm.s32 $0x6800  }
0x359: {  	[tilespmem:s26], [sflag:$0x2] =	stream.indirect_vreg.gather [hbm4b:s7+s3], $0x80, v4, vm0, $0xb8;
	[tilespmem:$0x1D000] =	vst v63  }
0x35a: {  	s26 =	simm.s32 $0x7000  }
0x35b: {  	[tilespmem:s26], [sflag:$0x2] =	stream.indirect_vreg.gather [hbm4b:s2+s3], $0x80, v3, vm0, $0xb8;
	[tilespmem:$0x1D000] =	vst v63  }
0x35c: {  	s26 =	simm.s32 $0x7800  }
0x35d: {  	[tilespmem:s26], [sflag:$0x2] =	stream.indirect_vreg.gather [hbm4b:s5+s3], $0x80, v3, vm0, $0xb8;
	[tilespmem:$0x1D000] =	vst v63  }
0x35e: {  	_ = 	snop  }
0x35f: {  	[tilespmem:s21], [sflag:$0x2] =	stream.indirect_vreg.gather [hbm4b:s6+s3], $0x80, v3, vm0, $0xb8;
	[tilespmem:$0x1D000] =	vst v63  }
0x360: {  	s21 =	simm.s32 $0x8800  }
0x361: {  	[tilespmem:s21], [sflag:$0x2] =	stream.indirect_vreg.gather [hbm4b:s7+s3], $0x80, v3, vm0, $0xb8;
	[tilespmem:$0x1D000] =	vst v63  }
0x362: {  	_ =	swait.ge [sflag:s1], $0x4000  }
0x363: {  	[sflag:s1] =	ssyncset.done $0x0  }
0x364: {  	s26 =	rddreg [dreg:$0x1d];
	[sflag:s1] =	ssyncadd.s32 $0xFFFFC000  }
0x365: {  	[hbm4b:s26+s3] =	stream.linear.scatter [tilespmem:s18], [sflag:$0xC], $0x4000, $0x38;
	[tilespmem:$0x1D000] =	vst v63  }
0x366: {  	_ =	swait.ge [sflag:s31], $0x4000  }
0x367: {  	[sflag:s31] =	ssyncset.done $0x0  }
0x368: {  	[sflag:s31] =	ssyncadd.s32 $0xFFFFC000  }
0x369: {  	v3 =	vld [tilespmem:$0xF00];
	_ =	sdelay $0x4  }
0x36a: {  	v62 =	vshll.u32 v3, $0x3  }
0x36b: {  	v3 =	vand.u32 $0x7, v3;
	v4 =	vand.u32 $0xFFFFFFC0, v62  }
0x36c: {  	v3 =	vor.u32 v3, v4  }
0x36d: {  	v4 =	vperm.xlane v3, v0;
	_ =	sdelay $0x1  }
0x36e: {  	v4 =	vadd.s32 v1, v4;
	_ =	sdelay $0x4  }
0x36f: {  	[tilespmem:s10], [sflag:$0x3] =	stream.indirect_vreg.gather [hbm4b:s2+s3], $0x80, v4, vm0, $0xb8;
	[tilespmem:$0x1D000] =	vst v63  }
0x370: {  	s14 =	simm.s32 $0x9800;
	v3 =	vperm.xlane v3, v2  }
0x371: {  	[tilespmem:s14], [sflag:$0x3] =	stream.indirect_vreg.gather [hbm4b:s5+s3], $0x80, v4, vm0, $0xb8;
	[tilespmem:$0x1D000] =	vst v63  }
0x372: {  	s18 =	simm.s32 $0xA000;
	v3 =	vadd.s32 v1, v3  }
0x373: {  	[tilespmem:s18], [sflag:$0x3] =	stream.indirect_vreg.gather [hbm4b:s6+s3], $0x80, v4, vm0, $0xb8;
	[tilespmem:$0x1D000] =	vst v63  }
0x374: {  	s21 =	simm.s32 $0xA800  }
0x375: {  	[tilespmem:s21], [sflag:$0x3] =	stream.indirect_vreg.gather [hbm4b:s7+s3], $0x80, v4, vm0, $0xb8;
	[tilespmem:$0x1D000] =	vst v63  }
0x376: {  	s26 =	simm.s32 $0xB000  }
0x377: {  	[tilespmem:s26], [sflag:$0x3] =	stream.indirect_vreg.gather [hbm4b:s2+s3], $0x80, v3, vm0, $0xb8;
	[tilespmem:$0x1D000] =	vst v63  }
0x378: {  	_ = 	snop  }
0x379: {  	[tilespmem:s23], [sflag:$0x3] =	stream.indirect_vreg.gather [hbm4b:s5+s3], $0x80, v3, vm0, $0xb8;
	[tilespmem:$0x1D000] =	vst v63  }
0x37a: {  	_ = 	snop  }
0x37b: {  	[tilespmem:s30], [sflag:$0x3] =	stream.indirect_vreg.gather [hbm4b:s6+s3], $0x80, v3, vm0, $0xb8;
	[tilespmem:$0x1D000] =	vst v63  }
0x37c: {  	s30 =	simm.s32 $0xC800  }
0x37d: {  	[tilespmem:s30], [sflag:$0x3] =	stream.indirect_vreg.gather [hbm4b:s7+s3], $0x80, v3, vm0, $0xb8;
	[tilespmem:$0x1D000] =	vst v63  }
0x37e: {  	_ =	swait.ge [sflag:s9], $0x4000  }
0x37f: {  	[sflag:s9] =	ssyncset.done $0x0  }
0x380: {  	s1 =	rddreg [dreg:$0x1e];
	[sflag:s9] =	ssyncadd.s32 $0xFFFFC000  }
0x381: {  	[hbm4b:s1+s3] =	stream.linear.scatter [tilespmem:s15], [sflag:$0xD], $0x4000, $0x38;
	[tilespmem:$0x1D000] =	vst v63  }
0x382: {  	_ =	swait.ge [sflag:s0], $0x4000  }
0x383: {  	[sflag:s0] =	ssyncset.done $0x0  }
0x384: {  	[sflag:s0] =	ssyncadd.s32 $0xFFFFC000  }
0x385: {  	v3 =	vld [tilespmem:$0xF80];
	_ =	sdelay $0x4  }
0x386: {  	v63 =	vshll.u32 v3, $0x3  }
0x387: {  	v3 =	vand.u32 $0x7, v3;
	v4 =	vand.u32 $0xFFFFFFC0, v63  }
0x388: {  	v3 =	vor.u32 v3, v4  }
0x389: {  	v4 =	vperm.xlane v3, v0;
	_ =	sdelay $0x1  }
0x38a: {  	v4 =	vadd.s32 v1, v4;
	_ =	sdelay $0x4  }
0x38b: {  	[tilespmem:s17], [sflag:$0x4] =	stream.indirect_vreg.gather [hbm4b:s2+s3], $0x80, v4, vm0, $0xb8;
	[tilespmem:$0x1D000] =	vst v63  }
0x38c: {  	s18 =	simm.s32 $0xD800;
	v3 =	vperm.xlane v3, v2  }
0x38d: {  	[tilespmem:s18], [sflag:$0x4] =	stream.indirect_vreg.gather [hbm4b:s5+s3], $0x80, v4, vm0, $0xb8;
	[tilespmem:$0x1D000] =	vst v63  }
0x38e: {  	s21 =	simm.s32 $0xE000;
	v3 =	vadd.s32 v1, v3  }
0x38f: {  	[tilespmem:s21], [sflag:$0x4] =	stream.indirect_vreg.gather [hbm4b:s6+s3], $0x80, v4, vm0, $0xb8;
	[tilespmem:$0x1D000] =	vst v63  }
0x390: {  	s23 =	simm.s32 $0xE800  }
0x391: {  	[tilespmem:s23], [sflag:$0x4] =	stream.indirect_vreg.gather [hbm4b:s7+s3], $0x80, v4, vm0, $0xb8;
	[tilespmem:$0x1D000] =	vst v63  }
0x392: {  	s26 =	simm.s32 $0xF000  }
0x393: {  	[tilespmem:s26], [sflag:$0x4] =	stream.indirect_vreg.gather [hbm4b:s2+s3], $0x80, v3, vm0, $0xb8;
	[tilespmem:$0x1D000] =	vst v63  }
0x394: {  	s30 =	simm.s32 $0xF800  }
0x395: {  	[tilespmem:s30], [sflag:$0x4] =	stream.indirect_vreg.gather [hbm4b:s5+s3], $0x80, v3, vm0, $0xb8;
	[tilespmem:$0x1D000] =	vst v63  }
0x396: {  	s14 =	simm.s32 $0x10000  }
0x397: {  	[tilespmem:s14], [sflag:$0x4] =	stream.indirect_vreg.gather [hbm4b:s6+s3], $0x80, v3, vm0, $0xb8;
	[tilespmem:$0x1D000] =	vst v63  }
0x398: {  	s15 =	simm.s32 $0x10800  }
0x399: {  	[tilespmem:s15], [sflag:$0x4] =	stream.indirect_vreg.gather [hbm4b:s7+s3], $0x80, v3, vm0, $0xb8;
	[tilespmem:$0x1D000] =	vst v63  }
0x39a: {  	_ =	swait.ge [sflag:s11], $0x4000  }
0x39b: {  	[sflag:s11] =	ssyncset.done $0x0  }
0x39c: {  	s16 =	simm.s32 $0x19000;
	s17 =	rddreg [dreg:$0x1f];
	[sflag:s11] =	ssyncadd.s32 $0xFFFFC000  }
0x39d: {  	[hbm4b:s17+s3] =	stream.linear.scatter [tilespmem:s16], [sflag:$0xE], $0x4000, $0x38;
	[tilespmem:$0x1D000] =	vst v63  }
0x39e: {  	_ =	swait.ge [sflag:s20], $0x4000  }
0x39f: {  	s18 =	sld [smem:$0x7F9]  }
0x3a0: {  	[sflag:s20] =	ssyncset.done $0x0  }
0x3a1: {  	s4 =	simm.s32 $0x1000;
	[sflag:s20] =	ssyncadd.s32 $0xFFFFC000  }
0x3a2: {  	[hbm4b:s18+s3] =	stream.linear.scatter [tilespmem:s4], [sflag:$0x8], $0x4000, $0x38;
	[tilespmem:$0x1D000] =	vst v63  }
0x3a3: {  	_ =	swait.ge [sflag:s22], $0x4000  }
0x3a4: {  	s21 =	sld [smem:$0x7FA]  }
0x3a5: {  	[sflag:s22] =	ssyncset.done $0x0  }
0x3a6: {  	s19 =	simm.s32 $0x5000;
	[sflag:s22] =	ssyncadd.s32 $0xFFFFC000  }
0x3a7: {  	[hbm4b:s21+s3] =	stream.linear.scatter [tilespmem:s19], [sflag:$0x9], $0x4000, $0x38;
	[tilespmem:$0x1D000] =	vst v63  }
0x3a8: {  	_ =	swait.ge [sflag:s24], $0x4000  }
0x3a9: {  	s23 =	sld [smem:$0x7FB]  }
0x3aa: {  	[sflag:s24] =	ssyncset.done $0x0  }
0x3ab: {  	[sflag:s24] =	ssyncadd.s32 $0xFFFFC000  }
0x3ac: {  	[hbm4b:s23+s3] =	stream.linear.scatter [tilespmem:s10], [sflag:$0xA], $0x4000, $0x38;
	[tilespmem:$0x1D000] =	vst v63  }
0x3ad: {  	_ =	swait.ge [sflag:s28], $0x4000  }
0x3ae: {  	s26 =	sld [smem:$0x7FD]  }
0x3af: {  	[sflag:s28] =	ssyncset.done $0x0  }
0x3b0: {  	s1 =	simm.s32 $0xD000;
	[sflag:s28] =	ssyncadd.s32 $0xFFFFC000  }
0x3b1: {  	[hbm4b:s26+s3] =	stream.linear.scatter [tilespmem:s1], [sflag:$0xB], $0x4000, $0x38;
	[tilespmem:$0x1D000] =	vst v63  }
0x3b2: {  	s30 =	sld [smem:$0x7F8];
	_ =	swait.ge [sflag:s12], $0x4000  }
0x3b3: {  	[sflag:s12] =	ssyncset.done $0x0  }
0x3b4: {  	[sflag:s12] =	ssyncadd.s32 $0xFFFFC000  }
0x3b5: {  	_ =	swait.ge [sflag:s13], $0x4000  }
0x3b6: {  	[sflag:s13] =	ssyncset.done $0x0  }
0x3b7: {  	[sflag:s13] =	ssyncadd.s32 $0xFFFFC000  }
0x3b8: {  	_ =	swait.ge [sflag:s8], $0x4000  }
0x3b9: {  	[sflag:s8] =	ssyncset.done $0x0  }
0x3ba: {  	[sflag:s8] =	ssyncadd.s32 $0xFFFFC000  }
0x3bb: {  	_ =	swait.ge [sflag:s25], $0x4000  }
0x3bc: {  	[sflag:s25] =	ssyncset.done $0x0  }
0x3bd: {  	[sflag:s25] =	ssyncadd.s32 $0xFFFFC000  }
0x3be: {  	_ =	swait.ge [sflag:s29], $0x4000  }
0x3bf: {  	[sflag:s29] =	ssyncset.done $0x0  }
0x3c0: {  	[sflag:s29] =	ssyncadd.s32 $0xFFFFC000  }
0x3c1: {  	p0 =	sne.s32 s30, $0x1;
	_ =	swait.ge [sflag:s31], $0x4000  }
.Ltmp0:
0x3c2: {  	[sflag:s31] =	ssyncset.done $0x0;
	(pc) =	sbr.rel @p0 .LBB2_1-.Ltmp0, $4  }
0x3c3: {  	[sflag:s31] =	ssyncadd.s32 $0xFFFFC000  }
0x3c4: {  	_ =	swait.ge [sflag:s0], $0x4000  }
0x3c5: {  	[sflag:s0] =	ssyncset.done $0x0  }
0x3c6: {  	s1 =	sadd.s32 $0xFFFFFFFF, s30;
	[sflag:s0] =	ssyncadd.s32 $0xFFFFC000  }
0x3c7: {  	_ =	sfence.sel $0x180000  }
0x3c8: {  	[bflag:$0x0] =	sbarrier.arrive $0xFFFF  }
0x3c9: {  	_ =	strace $0x90000047  }
0x3ca: {  	s0 =	stileid.u32;
	[bflag:$0x2] =	sbarrier.arrive $0xFFFF  }
0x3cb: {  	p0 =	sne.s32 s0, $0x0;
	s0 =	rddreg [dreg:$0x3]  }
0x3cc: {  	s0 =	sadd.s32 @!p0 $0x100000, s0  }
0x3cd: {  	[sflag:s0] =	ssyncadd.tile.s32 @!p0 $0x1;
	_ =	shalt  }
.Lfunc_end2:
_tile_overlayer_lowered:
.L_overlay_start_2:
0x3ce: {  	(tag) =	ssettag $0x2  }
0x3cf: {  	s0 =	rddreg [dreg:$0x0];
	s2 =	stileid.u32  }
0x3d0: {  	s1 =	rddreg [dreg:$0x1];
	p0 =	sne.s32 s2, $0x0  }
0x3d1: {  	s3 =	rddreg [dreg:$0x2];
	[bflag:$0x3] =	sbarrier.arrive $0xFFFF;
	s2 =	simm.s32 @!p0 $0x1C0F  }
0x3d2: {  	[timem:s3], [sflag:s2] =	dma.local @!p0 [hbm:s0], s1  }
0x3d3: {  	s0 =	simm.s32 @!p0 $0xF  }
0x3d4: {  	_ =	swait.ge @!p0 [sflag:s0], s1  }
0x3d5: {  	s1 =	ssub.s32 @!p0 $0x0, s1;
	[sflag:s0] =	ssyncset.done @!p0 $0x0  }
0x3d6: {  	[sflag:s0] =	ssyncadd.s32 @!p0 s1  }
0x3d7: {  	[bflag:$0x3] =	sbarrier.arrive $0xFFFF  }
0x3d8: {  	_ =	shalt  }

</sc_bundles>
